<compile_context>
chip_gen: v7x
topology: tpu7x:2x2x1
jax: 0.10.2.dev20260603
libtpu: 0.0.44.dev20260713+nightly
codegen_flags: <defaults>
</compile_context>

<pallas_src>
import functools

import numpy as np

import jax
import jax.numpy as jnp
from jax import lax
from jax.experimental import pallas as pl
from jax.experimental.pallas import tpu as pltpu
from jax.experimental.pallas import tpu_sc as plsc

B, N = 4096, 1000
NC, NS, L = 2, 16, 16
NW = NC * NS
ROWS_PER_W = B // NW
HALF = 64
K = 4096
K_TC = 1024
K_SC = K - K_TC
CH = K_SC // L

_mesh = plsc.VectorSubcoreMesh(core_axis_name="c", subcore_axis_name="s")



RP2 = ROWS_PER_W // 2
_HI_MASK = np.int32(-65536)


QROWS = 32
NQ = ROWS_PER_W // QROWS


@functools.partial(
    pl.kernel,
    out_type=jax.ShapeDtypeStruct((NW, L), jnp.float32),
    mesh=_mesh,
    scratch_types=[
        pltpu.VMEM((N * RP2,), jnp.int32),
        pltpu.VMEM((QROWS, N), jnp.float32),
        pltpu.VMEM((K_SC,), jnp.int32),
        pltpu.VMEM((K_SC,), jnp.int32),
        pltpu.VMEM((L,), jnp.float32),
    ],
    compiler_params=pltpu.CompilerParams(
        use_tc_tiling_on_sc=True, needs_layout_passes=False),
)
def _sc_implies(p_hbm, ia_hbm, ib_hbm, out_hbm, slab, fq, ia, ib, obuf):
    wid = lax.axis_index("s") * NC + lax.axis_index("c")
    pltpu.sync_copy(ia_hbm, ia)
    pltpu.sync_copy(ib_hbm, ib)

    def pack16(re, o0):
        def col_body(j, _):
            c = j * L
            a = fq[re, pl.ds(c, L)]
            b = fq[re + 1, pl.ds(c, L)]
            w = plsc.pack(a, b, format=plsc.PackFormat.INTERLEAVED)
            slab[pl.ds(o0 + c, L)] = plsc.bitcast(w, jnp.int32)
            return 0
        lax.fori_loop(0, N // L, col_body, 0, unroll=8)
        c = N - L
        a = fq[re, pl.ds(c, L)]
        b = fq[re + 1, pl.ds(c, L)]
        w = plsc.pack(a, b, format=plsc.PackFormat.INTERLEAVED)
        slab[pl.ds(o0 + c, L)] = plsc.bitcast(w, jnp.int32)

    for q in range(NQ):
        pltpu.sync_copy(p_hbm.at[wid, pl.ds(q * QROWS, QROWS), :], fq)

        def rp_body(rp, _):
            pack16(2 * rp, (q * (QROWS // 2) + rp) * N)
            return 0
        lax.fori_loop(0, QROWS // 2, rp_body, 0)

    def chunk_body(c, tot):
        av = ia[pl.ds(c * L, L)]
        bv = ib[pl.ds(c * L, L)]

        def group_body(g, carry):
            ja, jb, t = carry
            acc = jnp.zeros((2 * L,), jnp.bfloat16)
            for _ in range(4):
                wa = plsc.load_gather(slab, [ja])
                wb = plsc.load_gather(slab, [jb])
                da = plsc.bitcast(wa, jnp.bfloat16)
                db = plsc.bitcast(wb, jnp.bfloat16)
                acc = acc + jnp.maximum(da - db, 0)
                ja = ja + N
                jb = jb + N
            ai = plsc.bitcast(acc, jnp.int32)
            t = t + plsc.bitcast(lax.shift_left(ai, 16), jnp.float32)
            t = t + plsc.bitcast(lax.bitwise_and(ai, _HI_MASK), jnp.float32)
            return ja, jb, t

        _, _, tot = lax.fori_loop(0, RP2 // 4, group_body, (av, bv, tot),
                                  unroll=4)
        return tot

    total = lax.fori_loop(0, CH, chunk_body, jnp.zeros((L,), jnp.float32))
    obuf[...] = total
    pltpu.sync_copy(obuf, out_hbm.at[wid])



CBLK = 512
CT = K_TC // CBLK


def _tc_implies_body(p_ref, ia_ref, ib_ref, out_ref, a_oh, b_oh):
    j = pl.program_id(0)
    i = pl.program_id(1)

    @pl.when(i == 0)
    def _():
        rows = lax.broadcasted_iota(jnp.int32, (N, CBLK), 0)
        a_oh[...] = (rows == ia_ref[0, 0, :][None, :]).astype(jnp.bfloat16)
        b_oh[...] = (rows == ib_ref[0, 0, :][None, :]).astype(jnp.bfloat16)

    pb = p_ref[...].astype(jnp.bfloat16)
    pa = lax.dot_general(pb, a_oh[...], (((1,), (0,)), ((), ())),
                         preferred_element_type=jnp.float32)
    pc = lax.dot_general(pb, b_oh[...], (((1,), (0,)), ((), ())),
                         preferred_element_type=jnp.float32)
    s = jnp.sum(jnp.maximum(pa - pc, 0.0)).reshape(1, 1)

    @pl.when(jnp.logical_and(j == 0, i == 0))
    def _():
        out_ref[...] = s

    @pl.when(jnp.logical_or(j > 0, i > 0))
    def _():
        out_ref[...] += s


def _tc_implies_call():
    blk = 512
    return pl.pallas_call(
        _tc_implies_body,
        grid=(CT, B // blk),
        in_specs=[
            pl.BlockSpec((blk, N), lambda j, i: (i, 0)),
            pl.BlockSpec((1, 1, CBLK), lambda j, i: (j, 0, 0)),
            pl.BlockSpec((1, 1, CBLK), lambda j, i: (j, 0, 0)),
        ],
        out_specs=pl.BlockSpec((1, 1), lambda j, i: (0, 0)),
        out_shape=jax.ShapeDtypeStruct((1, 1), jnp.float32),
        scratch_shapes=[
            pltpu.VMEM((N, CBLK), jnp.bfloat16),
            pltpu.VMEM((N, CBLK), jnp.bfloat16),
        ],
    )


_tc_implies = _tc_implies_call()



BLK = 512
NBLK = B // BLK


def _tc_mutex_body(p_ref, ma_ref, mb_ref, out_ref, g_acc, m_acc):
    i = pl.program_id(0)
    pb = p_ref[...].astype(jnp.bfloat16)
    g_part = lax.dot_general(pb, pb, (((0,), (0,)), ((), ())),
                             preferred_element_type=jnp.float32)
    am = ma_ref[0, 0, :]
    bm = mb_ref[0, 0, :]
    cols = lax.broadcasted_iota(jnp.int32, (BLK, N), 1)
    a_oh = (cols == am[:, None]).astype(jnp.bfloat16)
    b_oh = (cols == bm[:, None]).astype(jnp.bfloat16)
    m_part = lax.dot_general(a_oh, b_oh, (((0,), (0,)), ((), ())),
                             preferred_element_type=jnp.float32)

    @pl.when(i == 0)
    def _():
        g_acc[...] = g_part
        m_acc[...] = m_part

    @pl.when(i > 0)
    def _():
        g_acc[...] += g_part
        m_acc[...] += m_part

    @pl.when(i == NBLK - 1)
    def _():
        out_ref[...] = jnp.sum(g_acc[...] * m_acc[...]).reshape(1, 1)


_tc_mutex = pl.pallas_call(
    _tc_mutex_body,
    grid=(NBLK,),
    in_specs=[
        pl.BlockSpec((BLK, N), lambda i: (i, 0)),
        pl.BlockSpec((1, 1, BLK), lambda i: (i, 0, 0)),
        pl.BlockSpec((1, 1, BLK), lambda i: (i, 0, 0)),
    ],
    out_specs=pl.BlockSpec((1, 1), lambda i: (0, 0)),
    out_shape=jax.ShapeDtypeStruct((1, 1), jnp.float32),
    scratch_shapes=[
        pltpu.VMEM((N, N), jnp.float32),
        pltpu.VMEM((N, N), jnp.float32),
    ],
)


def kernel(predictions, mutex_pairs, implies_pairs):
    ma = mutex_pairs[:, 0].astype(jnp.int32).reshape(NBLK, 1, BLK)
    mb = mutex_pairs[:, 1].astype(jnp.int32).reshape(NBLK, 1, BLK)
    ia = implies_pairs[:, 0].astype(jnp.int32)
    ib = implies_pairs[:, 1].astype(jnp.int32)
    ia_tc = ia[:K_TC].reshape(CT, 1, CBLK)
    ib_tc = ib[:K_TC].reshape(CT, 1, CBLK)
    partials = _sc_implies(predictions.reshape(NW, ROWS_PER_W, N),
                           ia[K_TC:], ib[K_TC:])
    mutex_sum = _tc_mutex(predictions, ma, mb)[0, 0]
    imp_tc = _tc_implies(predictions, ia_tc, ib_tc)[0, 0]
    return (jnp.sum(partials) + mutex_sum + imp_tc) * (1.0 / B)

# --- scband reference (transcript-rebuilt; emitter-appended) ---
"""Pipeline reference for scband-semantic-loss-layer-20203526160556 (READ-ONLY COPY).

The authoritative reference and input builder live on the scoring server;
editing this copy changes nothing except your own understanding.
"""

import jax, jax.numpy as jnp
import numpy as np


def setup_inputs(seed: int = 0) -> dict:
    key = jax.random.key(seed)
    k1, k2, k3 = jax.random.split(key, 3)
    predictions = jax.random.uniform(k1, (4096, 1000), dtype=jnp.float32)
    mutex_pairs = jax.random.randint(k2, (4096, 2), 0, 1000, dtype=jnp.int64)
    implies_pairs = jax.random.randint(k3, (4096, 2), 0, 1000, dtype=jnp.int64)
    return {"predictions": predictions, "mutex_pairs": mutex_pairs, "implies_pairs": implies_pairs}


def reference(predictions, mutex_pairs, implies_pairs):
    # Original module loops over constraints; here the constraint list is encoded
    # as two int tensors (one per constraint type). Semantics are identical:
    # loss = sum_c mean(p1*p2) for mutex + sum_c mean(relu(p1-p2)) for implies.
    # Column gathers (SparseCore-friendly): predictions[:, idx]
    p1m = jnp.take(predictions, mutex_pairs[:, 0], axis=1)   # (B, Km)
    p2m = jnp.take(predictions, mutex_pairs[:, 1], axis=1)   # (B, Km)
    loss_mutex = jnp.sum(jnp.mean(p1m * p2m, axis=0))

    p1i = jnp.take(predictions, implies_pairs[:, 0], axis=1)  # (B, Ki)
    p2i = jnp.take(predictions, implies_pairs[:, 1], axis=1)  # (B, Ki)
    loss_implies = jnp.sum(jnp.mean(jax.nn.relu(p1i - p2i), axis=0))

    return loss_mutex + loss_implies

if __name__ == "__main__":
    import jax
    _d = setup_inputs()
    print(jax.jit(kernel)(*tuple(_d.values())))

</pallas_src>

<mosaic_0001>
#map = affine_map<(d0, d1) -> (0, 0, 0)>
#map1 = affine_map<(d0, d1) -> (0)>
#map2 = affine_map<(d0, d1) -> (0, 0)>
module attributes {stable_mosaic.version = 14 : i64} {
  func.func @_sc_implies(%arg0: i32, %arg1: i32, %arg2: memref<32x128x1000xf32, #tpu.memory_space<hbm>>, %arg3: memref<3072xi32, #tpu.memory_space<hbm>>, %arg4: memref<3072xi32, #tpu.memory_space<hbm>>, %arg5: memref<32x16xf32, #tpu.memory_space<hbm>>, %arg6: memref<64000xi32, #tpu.memory_space<vmem>>, %arg7: memref<32x1000xf32, #tpu.memory_space<vmem>>, %arg8: memref<3072xi32, #tpu.memory_space<vmem>>, %arg9: memref<3072xi32, #tpu.memory_space<vmem>>, %arg10: memref<16xf32, #tpu.memory_space<vmem>>) attributes {dimension_semantics = [#tpu.dimension_semantics<core_parallel>, #tpu.dimension_semantics<subcore_parallel>], iteration_bounds = array<i64: 2, 16>, scalar_prefetch = 0 : i64, scratch_operands = 5 : i64, tpu.core_type = #tpu.core_type<sc_vector_subcore>, window_params = [{transform_indices = #map}, {transform_indices = #map1}, {transform_indices = #map1}, {transform_indices = #map2}]} {
    %mul3A = arith.constant 2 : i32
    %mul3A_0 = arith.muli %arg1, %mul3A : i32
    %add3A = arith.addi %mul3A_0, %arg0 : i32
    "tpu.region"() ({
      %run_scoped3A = tpu.sem_alloc : memref<!tpu.dma_semaphore, #tpu.memory_space<semaphore_mem>>
      tpu.enqueue_dma source(%arg3 : memref<3072xi32, #tpu.memory_space<hbm>>) target(%arg8 : memref<3072xi32, #tpu.memory_space<vmem>>) target_semaphore(%run_scoped3A : memref<!tpu.dma_semaphore, #tpu.memory_space<semaphore_mem>>)
      tpu.wait_dma2 semaphore(%run_scoped3A : memref<!tpu.dma_semaphore, #tpu.memory_space<semaphore_mem>>) src(%arg3 : memref<3072xi32, #tpu.memory_space<hbm>>) dst(%arg8 : memref<3072xi32, #tpu.memory_space<vmem>>)
      tpu.yield
    }) : () -> ()
    "tpu.region"() ({
      %run_scoped3A = tpu.sem_alloc : memref<!tpu.dma_semaphore, #tpu.memory_space<semaphore_mem>>
      tpu.enqueue_dma source(%arg4 : memref<3072xi32, #tpu.memory_space<hbm>>) target(%arg9 : memref<3072xi32, #tpu.memory_space<vmem>>) target_semaphore(%run_scoped3A : memref<!tpu.dma_semaphore, #tpu.memory_space<semaphore_mem>>)
      tpu.wait_dma2 semaphore(%run_scoped3A : memref<!tpu.dma_semaphore, #tpu.memory_space<semaphore_mem>>) src(%arg4 : memref<3072xi32, #tpu.memory_space<hbm>>) dst(%arg9 : memref<3072xi32, #tpu.memory_space<vmem>>)
      tpu.yield
    }) : () -> ()
    "tpu.region"() ({
      %run_scoped3A = tpu.sem_alloc : memref<!tpu.dma_semaphore, #tpu.memory_space<semaphore_mem>>
      %dma_start3A = arith.constant 0 : i32
      %dma_start3A_36 = arith.constant 0 : i32
      %dma_start3A_37 = tpu.memref_slice %arg2[%add3A, %dma_start3A, %dma_start3A_36] : memref<32x128x1000xf32, #tpu.memory_space<hbm>> -> memref<1x32x1000xf32, #tpu.memory_space<hbm>>
      %dma_start3A_38 = tpu.memref_squeeze %dma_start3A_37 : memref<1x32x1000xf32, #tpu.memory_space<hbm>> -> memref<32x1000xf32, #tpu.memory_space<hbm>>
      %dma_start3A_39 = arith.constant 0 : i32
      %dma_start3A_40 = arith.constant 0 : i32
      %dma_start3A_41 = tpu.memref_slice %arg2[%add3A, %dma_start3A_39, %dma_start3A_40] : memref<32x128x1000xf32, #tpu.memory_space<hbm>> -> memref<1x32x1000xf32, #tpu.memory_space<hbm>>
      %dma_start3A_42 = tpu.memref_squeeze %dma_start3A_41 : memref<1x32x1000xf32, #tpu.memory_space<hbm>> -> memref<32x1000xf32, #tpu.memory_space<hbm>>
      tpu.enqueue_dma source(%dma_start3A_42 : memref<32x1000xf32, #tpu.memory_space<hbm>>) target(%arg7 : memref<32x1000xf32, #tpu.memory_space<vmem>>) target_semaphore(%run_scoped3A : memref<!tpu.dma_semaphore, #tpu.memory_space<semaphore_mem>>)
      %dma_wait3A = arith.constant 0 : i32
      %dma_wait3A_43 = arith.constant 0 : i32
      %dma_wait3A_44 = tpu.memref_slice %arg2[%add3A, %dma_wait3A, %dma_wait3A_43] : memref<32x128x1000xf32, #tpu.memory_space<hbm>> -> memref<1x32x1000xf32, #tpu.memory_space<hbm>>
      %dma_wait3A_45 = tpu.memref_squeeze %dma_wait3A_44 : memref<1x32x1000xf32, #tpu.memory_space<hbm>> -> memref<32x1000xf32, #tpu.memory_space<hbm>>
      %dma_wait3A_46 = arith.constant 0 : i32
      %dma_wait3A_47 = arith.constant 0 : i32
      %dma_wait3A_48 = tpu.memref_slice %arg2[%add3A, %dma_wait3A_46, %dma_wait3A_47] : memref<32x128x1000xf32, #tpu.memory_space<hbm>> -> memref<1x32x1000xf32, #tpu.memory_space<hbm>>
      %dma_wait3A_49 = tpu.memref_squeeze %dma_wait3A_48 : memref<1x32x1000xf32, #tpu.memory_space<hbm>> -> memref<32x1000xf32, #tpu.memory_space<hbm>>
      tpu.wait_dma2 semaphore(%run_scoped3A : memref<!tpu.dma_semaphore, #tpu.memory_space<semaphore_mem>>) src(%dma_wait3A_49 : memref<32x1000xf32, #tpu.memory_space<hbm>>) dst(%arg7 : memref<32x1000xf32, #tpu.memory_space<vmem>>)
      tpu.yield
    }) : () -> ()
    %scan3A = arith.constant 0 : i32
    %scan3A_1 = arith.constant 0 : i32
    %scan3A_2 = arith.constant 16 : i32
    %scan3A_3 = arith.addi %scan3A_1, %scan3A_2 : i32
    %scan3A_4 = arith.constant 1 : i32
    %scan3A_5 = scf.for %scan3A_36 = %scan3A_1 to %scan3A_3 step %scan3A_4 iter_args(%scan3A_37 = %scan3A) -> (i32)  : i32 {
      %mul3A_38 = arith.constant 2 : i32
      %mul3A_39 = arith.muli %mul3A_38, %scan3A_36 : i32
      %add3A_40 = arith.constant 0 : i32
      %add3A_41 = arith.addi %add3A_40, %scan3A_36 : i32
      %mul3A_42 = arith.constant 1000 : i32
      %mul3A_43 = arith.muli %add3A_41, %mul3A_42 : i32
      %scan3A_44 = arith.constant 0 : i32
      %scan3A_45 = arith.constant 0 : i32
      %scan3A_46 = arith.constant 56 : i32
      %scan3A_47 = arith.addi %scan3A_45, %scan3A_46 : i32
      %scan3A_48 = arith.constant 8 : i32
      %scan3A_49 = scf.for %scan3A_171 = %scan3A_45 to %scan3A_47 step %scan3A_48 iter_args(%scan3A_172 = %scan3A_44) -> (i32)  : i32 {
        %mul3A_173 = arith.constant 16 : i32
        %mul3A_174 = arith.muli %scan3A_171, %mul3A_173 : i32
        %get3A_175 = arith.index_cast %mul3A_39 : i32 to index
        %get3A_176 = arith.index_cast %mul3A_174 : i32 to index
        %get3A_177 = tpu.vector_load %arg7[%get3A_175, %get3A_176] {strides = array<i32>} : memref<32x1000xf32, #tpu.memory_space<vmem>>, vector<16xf32>,
        %add3A_178 = arith.constant 1 : i32
        %add3A_179 = arith.addi %mul3A_39, %add3A_178 : i32
        %get3A_180 = arith.index_cast %add3A_179 : i32 to index
        %get3A_181 = arith.index_cast %mul3A_174 : i32 to index
        %get3A_182 = tpu.vector_load %arg7[%get3A_180, %get3A_181] {strides = array<i32>} : memref<32x1000xf32, #tpu.memory_space<vmem>>, vector<16xf32>,
        %pack3A_183 = tpu.pack_subelements %get3A_177, %get3A_182 {pack_format = #tpu.pack_format<interleaved>, positions = array<i32: 0, 1>} : vector<16xf32>, vector<16xf32> -> vector<32xbf16>
        %bitcast3A_184 = vector.bitcast %pack3A_183 : vector<32xbf16> to vector<16xi32>
        %add3A_185 = arith.addi %mul3A_43, %mul3A_174 : i32
        %swap3A_186 = arith.index_cast %add3A_185 : i32 to index
        %swap3A_187 = tpu.vector_load %arg6[%swap3A_186] {strides = array<i32>} : memref<64000xi32, #tpu.memory_space<vmem>>, vector<16xi32>,
        tpu.vector_store %arg6[%swap3A_186], %bitcast3A_184 {strides = array<i32>} : memref<64000xi32, #tpu.memory_space<vmem>>, vector<16xi32>,
        %scan3A_188 = arith.constant 0 : i32
        %scan3A_189 = arith.constant 1 : i32
        %scan3A_190 = arith.addi %scan3A_171, %scan3A_189 : i32
        %mul3A_191 = arith.constant 16 : i32
        %mul3A_192 = arith.muli %scan3A_190, %mul3A_191 : i32
        %get3A_193 = arith.index_cast %mul3A_39 : i32 to index
        %get3A_194 = arith.index_cast %mul3A_192 : i32 to index
        %get3A_195 = tpu.vector_load %arg7[%get3A_193, %get3A_194] {strides = array<i32>} : memref<32x1000xf32, #tpu.memory_space<vmem>>, vector<16xf32>,
        %add3A_196 = arith.constant 1 : i32
        %add3A_197 = arith.addi %mul3A_39, %add3A_196 : i32
        %get3A_198 = arith.index_cast %add3A_197 : i32 to index
        %get3A_199 = arith.index_cast %mul3A_192 : i32 to index
        %get3A_200 = tpu.vector_load %arg7[%get3A_198, %get3A_199] {strides = array<i32>} : memref<32x1000xf32, #tpu.memory_space<vmem>>, vector<16xf32>,
        %pack3A_201 = tpu.pack_subelements %get3A_195, %get3A_200 {pack_format = #tpu.pack_format<interleaved>, positions = array<i32: 0, 1>} : vector<16xf32>, vector<16xf32> -> vector<32xbf16>
        %bitcast3A_202 = vector.bitcast %pack3A_201 : vector<32xbf16> to vector<16xi32>
        %add3A_203 = arith.addi %mul3A_43, %mul3A_192 : i32
        %swap3A_204 = arith.index_cast %add3A_203 : i32 to index
        %swap3A_205 = tpu.vector_load %arg6[%swap3A_204] {strides = array<i32>} : memref<64000xi32, #tpu.memory_space<vmem>>, vector<16xi32>,
        tpu.vector_store %arg6[%swap3A_204], %bitcast3A_202 {strides = array<i32>} : memref<64000xi32, #tpu.memory_space<vmem>>, vector<16xi32>,
        %scan3A_206 = arith.constant 0 : i32
        %scan3A_207 = arith.constant 2 : i32
        %scan3A_208 = arith.addi %scan3A_171, %scan3A_207 : i32
        %mul3A_209 = arith.constant 16 : i32
        %mul3A_210 = arith.muli %scan3A_208, %mul3A_209 : i32
        %get3A_211 = arith.index_cast %mul3A_39 : i32 to index
        %get3A_212 = arith.index_cast %mul3A_210 : i32 to index
        %get3A_213 = tpu.vector_load %arg7[%get3A_211, %get3A_212] {strides = array<i32>} : memref<32x1000xf32, #tpu.memory_space<vmem>>, vector<16xf32>,
        %add3A_214 = arith.constant 1 : i32
        %add3A_215 = arith.addi %mul3A_39, %add3A_214 : i32
        %get3A_216 = arith.index_cast %add3A_215 : i32 to index
        %get3A_217 = arith.index_cast %mul3A_210 : i32 to index
        %get3A_218 = tpu.vector_load %arg7[%get3A_216, %get3A_217] {strides = array<i32>} : memref<32x1000xf32, #tpu.memory_space<vmem>>, vector<16xf32>,
        %pack3A_219 = tpu.pack_subelements %get3A_213, %get3A_218 {pack_format = #tpu.pack_format<interleaved>, positions = array<i32: 0, 1>} : vector<16xf32>, vector<16xf32> -> vector<32xbf16>
        %bitcast3A_220 = vector.bitcast %pack3A_219 : vector<32xbf16> to vector<16xi32>
        %add3A_221 = arith.addi %mul3A_43, %mul3A_210 : i32
        %swap3A_222 = arith.index_cast %add3A_221 : i32 to index
        %swap3A_223 = tpu.vector_load %arg6[%swap3A_222] {strides = array<i32>} : memref<64000xi32, #tpu.memory_space<vmem>>, vector<16xi32>,
        tpu.vector_store %arg6[%swap3A_222], %bitcast3A_220 {strides = array<i32>} : memref<64000xi32, #tpu.memory_space<vmem>>, vector<16xi32>,
        %scan3A_224 = arith.constant 0 : i32
        %scan3A_225 = arith.constant 3 : i32
        %scan3A_226 = arith.addi %scan3A_171, %scan3A_225 : i32
        %mul3A_227 = arith.constant 16 : i32
        %mul3A_228 = arith.muli %scan3A_226, %mul3A_227 : i32
        %get3A_229 = arith.index_cast %mul3A_39 : i32 to index
        %get3A_230 = arith.index_cast %mul3A_228 : i32 to index
        %get3A_231 = tpu.vector_load %arg7[%get3A_229, %get3A_230] {strides = array<i32>} : memref<32x1000xf32, #tpu.memory_space<vmem>>, vector<16xf32>,
        %add3A_232 = arith.constant 1 : i32
        %add3A_233 = arith.addi %mul3A_39, %add3A_232 : i32
        %get3A_234 = arith.index_cast %add3A_233 : i32 to index
        %get3A_235 = arith.index_cast %mul3A_228 : i32 to index
        %get3A_236 = tpu.vector_load %arg7[%get3A_234, %get3A_235] {strides = array<i32>} : memref<32x1000xf32, #tpu.memory_space<vmem>>, vector<16xf32>,
        %pack3A_237 = tpu.pack_subelements %get3A_231, %get3A_236 {pack_format = #tpu.pack_format<interleaved>, positions = array<i32: 0, 1>} : vector<16xf32>, vector<16xf32> -> vector<32xbf16>
        %bitcast3A_238 = vector.bitcast %pack3A_237 : vector<32xbf16> to vector<16xi32>
        %add3A_239 = arith.addi %mul3A_43, %mul3A_228 : i32
        %swap3A_240 = arith.index_cast %add3A_239 : i32 to index
        %swap3A_241 = tpu.vector_load %arg6[%swap3A_240] {strides = array<i32>} : memref<64000xi32, #tpu.memory_space<vmem>>, vector<16xi32>,
        tpu.vector_store %arg6[%swap3A_240], %bitcast3A_238 {strides = array<i32>} : memref<64000xi32, #tpu.memory_space<vmem>>, vector<16xi32>,
        %scan3A_242 = arith.constant 0 : i32
        %scan3A_243 = arith.constant 4 : i32
        %scan3A_244 = arith.addi %scan3A_171, %scan3A_243 : i32
        %mul3A_245 = arith.constant 16 : i32
        %mul3A_246 = arith.muli %scan3A_244, %mul3A_245 : i32
        %get3A_247 = arith.index_cast %mul3A_39 : i32 to index
        %get3A_248 = arith.index_cast %mul3A_246 : i32 to index
        %get3A_249 = tpu.vector_load %arg7[%get3A_247, %get3A_248] {strides = array<i32>} : memref<32x1000xf32, #tpu.memory_space<vmem>>, vector<16xf32>,
        %add3A_250 = arith.constant 1 : i32
        %add3A_251 = arith.addi %mul3A_39, %add3A_250 : i32
        %get3A_252 = arith.index_cast %add3A_251 : i32 to index
        %get3A_253 = arith.index_cast %mul3A_246 : i32 to index
        %get3A_254 = tpu.vector_load %arg7[%get3A_252, %get3A_253] {strides = array<i32>} : memref<32x1000xf32, #tpu.memory_space<vmem>>, vector<16xf32>,
        %pack3A_255 = tpu.pack_subelements %get3A_249, %get3A_254 {pack_format = #tpu.pack_format<interleaved>, positions = array<i32: 0, 1>} : vector<16xf32>, vector<16xf32> -> vector<32xbf16>
        %bitcast3A_256 = vector.bitcast %pack3A_255 : vector<32xbf16> to vector<16xi32>
        %add3A_257 = arith.addi %mul3A_43, %mul3A_246 : i32
        %swap3A_258 = arith.index_cast %add3A_257 : i32 to index
        %swap3A_259 = tpu.vector_load %arg6[%swap3A_258] {strides = array<i32>} : memref<64000xi32, #tpu.memory_space<vmem>>, vector<16xi32>,
        tpu.vector_store %arg6[%swap3A_258], %bitcast3A_256 {strides = array<i32>} : memref<64000xi32, #tpu.memory_space<vmem>>, vector<16xi32>,
        %scan3A_260 = arith.constant 0 : i32
        %scan3A_261 = arith.constant 5 : i32
        %scan3A_262 = arith.addi %scan3A_171, %scan3A_261 : i32
        %mul3A_263 = arith.constant 16 : i32
        %mul3A_264 = arith.muli %scan3A_262, %mul3A_263 : i32
        %get3A_265 = arith.index_cast %mul3A_39 : i32 to index
        %get3A_266 = arith.index_cast %mul3A_264 : i32 to index
        %get3A_267 = tpu.vector_load %arg7[%get3A_265, %get3A_266] {strides = array<i32>} : memref<32x1000xf32, #tpu.memory_space<vmem>>, vector<16xf32>,
        %add3A_268 = arith.constant 1 : i32
        %add3A_269 = arith.addi %mul3A_39, %add3A_268 : i32
        %get3A_270 = arith.index_cast %add3A_269 : i32 to index
        %get3A_271 = arith.index_cast %mul3A_264 : i32 to index
        %get3A_272 = tpu.vector_load %arg7[%get3A_270, %get3A_271] {strides = array<i32>} : memref<32x1000xf32, #tpu.memory_space<vmem>>, vector<16xf32>,
        %pack3A_273 = tpu.pack_subelements %get3A_267, %get3A_272 {pack_format = #tpu.pack_format<interleaved>, positions = array<i32: 0, 1>} : vector<16xf32>, vector<16xf32> -> vector<32xbf16>
        %bitcast3A_274 = vector.bitcast %pack3A_273 : vector<32xbf16> to vector<16xi32>
        %add3A_275 = arith.addi %mul3A_43, %mul3A_264 : i32
        %swap3A_276 = arith.index_cast %add3A_275 : i32 to index
        %swap3A_277 = tpu.vector_load %arg6[%swap3A_276] {strides = array<i32>} : memref<64000xi32, #tpu.memory_space<vmem>>, vector<16xi32>,
        tpu.vector_store %arg6[%swap3A_276], %bitcast3A_274 {strides = array<i32>} : memref<64000xi32, #tpu.memory_space<vmem>>, vector<16xi32>,
        %scan3A_278 = arith.constant 0 : i32
        %scan3A_279 = arith.constant 6 : i32
        %scan3A_280 = arith.addi %scan3A_171, %scan3A_279 : i32
        %mul3A_281 = arith.constant 16 : i32
        %mul3A_282 = arith.muli %scan3A_280, %mul3A_281 : i32
        %get3A_283 = arith.index_cast %mul3A_39 : i32 to index
        %get3A_284 = arith.index_cast %mul3A_282 : i32 to index
        %get3A_285 = tpu.vector_load %arg7[%get3A_283, %get3A_284] {strides = array<i32>} : memref<32x1000xf32, #tpu.memory_space<vmem>>, vector<16xf32>,
        %add3A_286 = arith.constant 1 : i32
        %add3A_287 = arith.addi %mul3A_39, %add3A_286 : i32
        %get3A_288 = arith.index_cast %add3A_287 : i32 to index
        %get3A_289 = arith.index_cast %mul3A_282 : i32 to index
        %get3A_290 = tpu.vector_load %arg7[%get3A_288, %get3A_289] {strides = array<i32>} : memref<32x1000xf32, #tpu.memory_space<vmem>>, vector<16xf32>,
        %pack3A_291 = tpu.pack_subelements %get3A_285, %get3A_290 {pack_format = #tpu.pack_format<interleaved>, positions = array<i32: 0, 1>} : vector<16xf32>, vector<16xf32> -> vector<32xbf16>
        %bitcast3A_292 = vector.bitcast %pack3A_291 : vector<32xbf16> to vector<16xi32>
        %add3A_293 = arith.addi %mul3A_43, %mul3A_282 : i32
        %swap3A_294 = arith.index_cast %add3A_293 : i32 to index
        %swap3A_295 = tpu.vector_load %arg6[%swap3A_294] {strides = array<i32>} : memref<64000xi32, #tpu.memory_space<vmem>>, vector<16xi32>,
        tpu.vector_store %arg6[%swap3A_294], %bitcast3A_292 {strides = array<i32>} : memref<64000xi32, #tpu.memory_space<vmem>>, vector<16xi32>,
        %scan3A_296 = arith.constant 0 : i32
        %scan3A_297 = arith.constant 7 : i32
        %scan3A_298 = arith.addi %scan3A_171, %scan3A_297 : i32
        %mul3A_299 = arith.constant 16 : i32
        %mul3A_300 = arith.muli %scan3A_298, %mul3A_299 : i32
        %get3A_301 = arith.index_cast %mul3A_39 : i32 to index
        %get3A_302 = arith.index_cast %mul3A_300 : i32 to index
        %get3A_303 = tpu.vector_load %arg7[%get3A_301, %get3A_302] {strides = array<i32>} : memref<32x1000xf32, #tpu.memory_space<vmem>>, vector<16xf32>,
        %add3A_304 = arith.constant 1 : i32
        %add3A_305 = arith.addi %mul3A_39, %add3A_304 : i32
        %get3A_306 = arith.index_cast %add3A_305 : i32 to index
        %get3A_307 = arith.index_cast %mul3A_300 : i32 to index
        %get3A_308 = tpu.vector_load %arg7[%get3A_306, %get3A_307] {strides = array<i32>} : memref<32x1000xf32, #tpu.memory_space<vmem>>, vector<16xf32>,
        %pack3A_309 = tpu.pack_subelements %get3A_303, %get3A_308 {pack_format = #tpu.pack_format<interleaved>, positions = array<i32: 0, 1>} : vector<16xf32>, vector<16xf32> -> vector<32xbf16>
        %bitcast3A_310 = vector.bitcast %pack3A_309 : vector<32xbf16> to vector<16xi32>
        %add3A_311 = arith.addi %mul3A_43, %mul3A_300 : i32
        %swap3A_312 = arith.index_cast %add3A_311 : i32 to index
        %swap3A_313 = tpu.vector_load %arg6[%swap3A_312] {strides = array<i32>} : memref<64000xi32, #tpu.memory_space<vmem>>, vector<16xi32>,
        tpu.vector_store %arg6[%swap3A_312], %bitcast3A_310 {strides = array<i32>} : memref<64000xi32, #tpu.memory_space<vmem>>, vector<16xi32>,
        %scan3A_314 = arith.constant 0 : i32
        scf.yield %scan3A_314 : i32
      }
      %scan3A_50 = arith.constant 56 : i32
      %scan3A_51 = arith.addi %scan3A_45, %scan3A_50 : i32
      %mul3A_52 = arith.constant 16 : i32
      %mul3A_53 = arith.muli %scan3A_51, %mul3A_52 : i32
      %get3A = arith.index_cast %mul3A_39 : i32 to index
      %get3A_54 = arith.index_cast %mul3A_53 : i32 to index
      %get3A_55 = tpu.vector_load %arg7[%get3A, %get3A_54] {strides = array<i32>} : memref<32x1000xf32, #tpu.memory_space<vmem>>, vector<16xf32>,
      %add3A_56 = arith.constant 1 : i32
      %add3A_57 = arith.addi %mul3A_39, %add3A_56 : i32
      %get3A_58 = arith.index_cast %add3A_57 : i32 to index
      %get3A_59 = arith.index_cast %mul3A_53 : i32 to index
      %get3A_60 = tpu.vector_load %arg7[%get3A_58, %get3A_59] {strides = array<i32>} : memref<32x1000xf32, #tpu.memory_space<vmem>>, vector<16xf32>,
      %pack3A = tpu.pack_subelements %get3A_55, %get3A_60 {pack_format = #tpu.pack_format<interleaved>, positions = array<i32: 0, 1>} : vector<16xf32>, vector<16xf32> -> vector<32xbf16>
      %bitcast3A = vector.bitcast %pack3A : vector<32xbf16> to vector<16xi32>
      %add3A_61 = arith.addi %mul3A_43, %mul3A_53 : i32
      %swap3A_62 = arith.index_cast %add3A_61 : i32 to index
      %swap3A_63 = tpu.vector_load %arg6[%swap3A_62] {strides = array<i32>} : memref<64000xi32, #tpu.memory_space<vmem>>, vector<16xi32>,
      tpu.vector_store %arg6[%swap3A_62], %bitcast3A {strides = array<i32>} : memref<64000xi32, #tpu.memory_space<vmem>>, vector<16xi32>,
      %scan3A_64 = arith.constant 0 : i32
      %scan3A_65 = arith.constant 57 : i32
      %scan3A_66 = arith.addi %scan3A_45, %scan3A_65 : i32
      %mul3A_67 = arith.constant 16 : i32
      %mul3A_68 = arith.muli %scan3A_66, %mul3A_67 : i32
      %get3A_69 = arith.index_cast %mul3A_39 : i32 to index
      %get3A_70 = arith.index_cast %mul3A_68 : i32 to index
      %get3A_71 = tpu.vector_load %arg7[%get3A_69, %get3A_70] {strides = array<i32>} : memref<32x1000xf32, #tpu.memory_space<vmem>>, vector<16xf32>,
      %add3A_72 = arith.constant 1 : i32
      %add3A_73 = arith.addi %mul3A_39, %add3A_72 : i32
      %get3A_74 = arith.index_cast %add3A_73 : i32 to index
      %get3A_75 = arith.index_cast %mul3A_68 : i32 to index
      %get3A_76 = tpu.vector_load %arg7[%get3A_74, %get3A_75] {strides = array<i32>} : memref<32x1000xf32, #tpu.memory_space<vmem>>, vector<16xf32>,
      %pack3A_77 = tpu.pack_subelements %get3A_71, %get3A_76 {pack_format = #tpu.pack_format<interleaved>, positions = array<i32: 0, 1>} : vector<16xf32>, vector<16xf32> -> vector<32xbf16>
      %bitcast3A_78 = vector.bitcast %pack3A_77 : vector<32xbf16> to vector<16xi32>
      %add3A_79 = arith.addi %mul3A_43, %mul3A_68 : i32
      %swap3A_80 = arith.index_cast %add3A_79 : i32 to index
      %swap3A_81 = tpu.vector_load %arg6[%swap3A_80] {strides = array<i32>} : memref<64000xi32, #tpu.memory_space<vmem>>, vector<16xi32>,
      tpu.vector_store %arg6[%swap3A_80], %bitcast3A_78 {strides = array<i32>} : memref<64000xi32, #tpu.memory_space<vmem>>, vector<16xi32>,
      %scan3A_82 = arith.constant 0 : i32
      %scan3A_83 = arith.constant 58 : i32
      %scan3A_84 = arith.addi %scan3A_45, %scan3A_83 : i32
      %mul3A_85 = arith.constant 16 : i32
      %mul3A_86 = arith.muli %scan3A_84, %mul3A_85 : i32
      %get3A_87 = arith.index_cast %mul3A_39 : i32 to index
      %get3A_88 = arith.index_cast %mul3A_86 : i32 to index
      %get3A_89 = tpu.vector_load %arg7[%get3A_87, %get3A_88] {strides = array<i32>} : memref<32x1000xf32, #tpu.memory_space<vmem>>, vector<16xf32>,
      %add3A_90 = arith.constant 1 : i32
      %add3A_91 = arith.addi %mul3A_39, %add3A_90 : i32
      %get3A_92 = arith.index_cast %add3A_91 : i32 to index
      %get3A_93 = arith.index_cast %mul3A_86 : i32 to index
      %get3A_94 = tpu.vector_load %arg7[%get3A_92, %get3A_93] {strides = array<i32>} : memref<32x1000xf32, #tpu.memory_space<vmem>>, vector<16xf32>,
      %pack3A_95 = tpu.pack_subelements %get3A_89, %get3A_94 {pack_format = #tpu.pack_format<interleaved>, positions = array<i32: 0, 1>} : vector<16xf32>, vector<16xf32> -> vector<32xbf16>
      %bitcast3A_96 = vector.bitcast %pack3A_95 : vector<32xbf16> to vector<16xi32>
      %add3A_97 = arith.addi %mul3A_43, %mul3A_86 : i32
      %swap3A_98 = arith.index_cast %add3A_97 : i32 to index
      %swap3A_99 = tpu.vector_load %arg6[%swap3A_98] {strides = array<i32>} : memref<64000xi32, #tpu.memory_space<vmem>>, vector<16xi32>,
      tpu.vector_store %arg6[%swap3A_98], %bitcast3A_96 {strides = array<i32>} : memref<64000xi32, #tpu.memory_space<vmem>>, vector<16xi32>,
      %scan3A_100 = arith.constant 0 : i32
      %scan3A_101 = arith.constant 59 : i32
      %scan3A_102 = arith.addi %scan3A_45, %scan3A_101 : i32
      %mul3A_103 = arith.constant 16 : i32
      %mul3A_104 = arith.muli %scan3A_102, %mul3A_103 : i32
      %get3A_105 = arith.index_cast %mul3A_39 : i32 to index
      %get3A_106 = arith.index_cast %mul3A_104 : i32 to index
      %get3A_107 = tpu.vector_load %arg7[%get3A_105, %get3A_106] {strides = array<i32>} : memref<32x1000xf32, #tpu.memory_space<vmem>>, vector<16xf32>,
      %add3A_108 = arith.constant 1 : i32
      %add3A_109 = arith.addi %mul3A_39, %add3A_108 : i32
      %get3A_110 = arith.index_cast %add3A_109 : i32 to index
      %get3A_111 = arith.index_cast %mul3A_104 : i32 to index
      %get3A_112 = tpu.vector_load %arg7[%get3A_110, %get3A_111] {strides = array<i32>} : memref<32x1000xf32, #tpu.memory_space<vmem>>, vector<16xf32>,
      %pack3A_113 = tpu.pack_subelements %get3A_107, %get3A_112 {pack_format = #tpu.pack_format<interleaved>, positions = array<i32: 0, 1>} : vector<16xf32>, vector<16xf32> -> vector<32xbf16>
      %bitcast3A_114 = vector.bitcast %pack3A_113 : vector<32xbf16> to vector<16xi32>
      %add3A_115 = arith.addi %mul3A_43, %mul3A_104 : i32
      %swap3A_116 = arith.index_cast %add3A_115 : i32 to index
      %swap3A_117 = tpu.vector_load %arg6[%swap3A_116] {strides = array<i32>} : memref<64000xi32, #tpu.memory_space<vmem>>, vector<16xi32>,
      tpu.vector_store %arg6[%swap3A_116], %bitcast3A_114 {strides = array<i32>} : memref<64000xi32, #tpu.memory_space<vmem>>, vector<16xi32>,
      %scan3A_118 = arith.constant 0 : i32
      %scan3A_119 = arith.constant 60 : i32
      %scan3A_120 = arith.addi %scan3A_45, %scan3A_119 : i32
      %mul3A_121 = arith.constant 16 : i32
      %mul3A_122 = arith.muli %scan3A_120, %mul3A_121 : i32
      %get3A_123 = arith.index_cast %mul3A_39 : i32 to index
      %get3A_124 = arith.index_cast %mul3A_122 : i32 to index
      %get3A_125 = tpu.vector_load %arg7[%get3A_123, %get3A_124] {strides = array<i32>} : memref<32x1000xf32, #tpu.memory_space<vmem>>, vector<16xf32>,
      %add3A_126 = arith.constant 1 : i32
      %add3A_127 = arith.addi %mul3A_39, %add3A_126 : i32
      %get3A_128 = arith.index_cast %add3A_127 : i32 to index
      %get3A_129 = arith.index_cast %mul3A_122 : i32 to index
      %get3A_130 = tpu.vector_load %arg7[%get3A_128, %get3A_129] {strides = array<i32>} : memref<32x1000xf32, #tpu.memory_space<vmem>>, vector<16xf32>,
      %pack3A_131 = tpu.pack_subelements %get3A_125, %get3A_130 {pack_format = #tpu.pack_format<interleaved>, positions = array<i32: 0, 1>} : vector<16xf32>, vector<16xf32> -> vector<32xbf16>
      %bitcast3A_132 = vector.bitcast %pack3A_131 : vector<32xbf16> to vector<16xi32>
      %add3A_133 = arith.addi %mul3A_43, %mul3A_122 : i32
      %swap3A_134 = arith.index_cast %add3A_133 : i32 to index
      %swap3A_135 = tpu.vector_load %arg6[%swap3A_134] {strides = array<i32>} : memref<64000xi32, #tpu.memory_space<vmem>>, vector<16xi32>,
      tpu.vector_store %arg6[%swap3A_134], %bitcast3A_132 {strides = array<i32>} : memref<64000xi32, #tpu.memory_space<vmem>>, vector<16xi32>,
      %scan3A_136 = arith.constant 0 : i32
      %scan3A_137 = arith.constant 61 : i32
      %scan3A_138 = arith.addi %scan3A_45, %scan3A_137 : i32
      %mul3A_139 = arith.constant 16 : i32
      %mul3A_140 = arith.muli %scan3A_138, %mul3A_139 : i32
      %get3A_141 = arith.index_cast %mul3A_39 : i32 to index
      %get3A_142 = arith.index_cast %mul3A_140 : i32 to index
      %get3A_143 = tpu.vector_load %arg7[%get3A_141, %get3A_142] {strides = array<i32>} : memref<32x1000xf32, #tpu.memory_space<vmem>>, vector<16xf32>,
      %add3A_144 = arith.constant 1 : i32
      %add3A_145 = arith.addi %mul3A_39, %add3A_144 : i32
      %get3A_146 = arith.index_cast %add3A_145 : i32 to index
      %get3A_147 = arith.index_cast %mul3A_140 : i32 to index
      %get3A_148 = tpu.vector_load %arg7[%get3A_146, %get3A_147] {strides = array<i32>} : memref<32x1000xf32, #tpu.memory_space<vmem>>, vector<16xf32>,
      %pack3A_149 = tpu.pack_subelements %get3A_143, %get3A_148 {pack_format = #tpu.pack_format<interleaved>, positions = array<i32: 0, 1>} : vector<16xf32>, vector<16xf32> -> vector<32xbf16>
      %bitcast3A_150 = vector.bitcast %pack3A_149 : vector<32xbf16> to vector<16xi32>
      %add3A_151 = arith.addi %mul3A_43, %mul3A_140 : i32
      %swap3A_152 = arith.index_cast %add3A_151 : i32 to index
      %swap3A_153 = tpu.vector_load %arg6[%swap3A_152] {strides = array<i32>} : memref<64000xi32, #tpu.memory_space<vmem>>, vector<16xi32>,
      tpu.vector_store %arg6[%swap3A_152], %bitcast3A_150 {strides = array<i32>} : memref<64000xi32, #tpu.memory_space<vmem>>, vector<16xi32>,
      %scan3A_154 = arith.constant 0 : i32
      %scan3A_155 = arith.constant 62 : i32
      %get3A_156 = arith.index_cast %mul3A_39 : i32 to index
      %get3A_157 = arith.constant 984 : index
      %get3A_158 = tpu.vector_load %arg7[%get3A_156, %get3A_157] {strides = array<i32>} : memref<32x1000xf32, #tpu.memory_space<vmem>>, vector<16xf32>,
      %add3A_159 = arith.constant 1 : i32
      %add3A_160 = arith.addi %mul3A_39, %add3A_159 : i32
      %get3A_161 = arith.index_cast %add3A_160 : i32 to index
      %get3A_162 = arith.constant 984 : index
      %get3A_163 = tpu.vector_load %arg7[%get3A_161, %get3A_162] {strides = array<i32>} : memref<32x1000xf32, #tpu.memory_space<vmem>>, vector<16xf32>,
      %pack3A_164 = tpu.pack_subelements %get3A_158, %get3A_163 {pack_format = #tpu.pack_format<interleaved>, positions = array<i32: 0, 1>} : vector<16xf32>, vector<16xf32> -> vector<32xbf16>
      %bitcast3A_165 = vector.bitcast %pack3A_164 : vector<32xbf16> to vector<16xi32>
      %add3A_166 = arith.constant 984 : i32
      %add3A_167 = arith.addi %mul3A_43, %add3A_166 : i32
      %swap3A_168 = arith.index_cast %add3A_167 : i32 to index
      %swap3A_169 = tpu.vector_load %arg6[%swap3A_168] {strides = array<i32>} : memref<64000xi32, #tpu.memory_space<vmem>>, vector<16xi32>,
      tpu.vector_store %arg6[%swap3A_168], %bitcast3A_165 {strides = array<i32>} : memref<64000xi32, #tpu.memory_space<vmem>>, vector<16xi32>,
      %scan3A_170 = arith.constant 0 : i32
      scf.yield %scan3A_170 : i32
    }
    %scan3A_6 = arith.constant 16 : i32
    "tpu.region"() ({
      %run_scoped3A = tpu.sem_alloc : memref<!tpu.dma_semaphore, #tpu.memory_space<semaphore_mem>>
      %dma_start3A = arith.constant 32 : i32
      %dma_start3A_36 = arith.constant 0 : i32
      %dma_start3A_37 = tpu.memref_slice %arg2[%add3A, %dma_start3A, %dma_start3A_36] : memref<32x128x1000xf32, #tpu.memory_space<hbm>> -> memref<1x32x1000xf32, #tpu.memory_space<hbm>>
      %dma_start3A_38 = tpu.memref_squeeze %dma_start3A_37 : memref<1x32x1000xf32, #tpu.memory_space<hbm>> -> memref<32x1000xf32, #tpu.memory_space<hbm>>
      %dma_start3A_39 = arith.constant 32 : i32
      %dma_start3A_40 = arith.constant 0 : i32
      %dma_start3A_41 = tpu.memref_slice %arg2[%add3A, %dma_start3A_39, %dma_start3A_40] : memref<32x128x1000xf32, #tpu.memory_space<hbm>> -> memref<1x32x1000xf32, #tpu.memory_space<hbm>>
      %dma_start3A_42 = tpu.memref_squeeze %dma_start3A_41 : memref<1x32x1000xf32, #tpu.memory_space<hbm>> -> memref<32x1000xf32, #tpu.memory_space<hbm>>
      tpu.enqueue_dma source(%dma_start3A_42 : memref<32x1000xf32, #tpu.memory_space<hbm>>) target(%arg7 : memref<32x1000xf32, #tpu.memory_space<vmem>>) target_semaphore(%run_scoped3A : memref<!tpu.dma_semaphore, #tpu.memory_space<semaphore_mem>>)
      %dma_wait3A = arith.constant 32 : i32
      %dma_wait3A_43 = arith.constant 0 : i32
      %dma_wait3A_44 = tpu.memref_slice %arg2[%add3A, %dma_wait3A, %dma_wait3A_43] : memref<32x128x1000xf32, #tpu.memory_space<hbm>> -> memref<1x32x1000xf32, #tpu.memory_space<hbm>>
      %dma_wait3A_45 = tpu.memref_squeeze %dma_wait3A_44 : memref<1x32x1000xf32, #tpu.memory_space<hbm>> -> memref<32x1000xf32, #tpu.memory_space<hbm>>
      %dma_wait3A_46 = arith.constant 32 : i32
      %dma_wait3A_47 = arith.constant 0 : i32
      %dma_wait3A_48 = tpu.memref_slice %arg2[%add3A, %dma_wait3A_46, %dma_wait3A_47] : memref<32x128x1000xf32, #tpu.memory_space<hbm>> -> memref<1x32x1000xf32, #tpu.memory_space<hbm>>
      %dma_wait3A_49 = tpu.memref_squeeze %dma_wait3A_48 : memref<1x32x1000xf32, #tpu.memory_space<hbm>> -> memref<32x1000xf32, #tpu.memory_space<hbm>>
      tpu.wait_dma2 semaphore(%run_scoped3A : memref<!tpu.dma_semaphore, #tpu.memory_space<semaphore_mem>>) src(%dma_wait3A_49 : memref<32x1000xf32, #tpu.memory_space<hbm>>) dst(%arg7 : memref<32x1000xf32, #tpu.memory_space<vmem>>)
      tpu.yield
    }) : () -> ()
    %scan3A_7 = arith.constant 0 : i32
    %scan3A_8 = arith.constant 0 : i32
    %scan3A_9 = arith.constant 16 : i32
    %scan3A_10 = arith.addi %scan3A_8, %scan3A_9 : i32
    %scan3A_11 = arith.constant 1 : i32
    %scan3A_12 = scf.for %scan3A_36 = %scan3A_8 to %scan3A_10 step %scan3A_11 iter_args(%scan3A_37 = %scan3A_7) -> (i32)  : i32 {
      %mul3A_38 = arith.constant 2 : i32
      %mul3A_39 = arith.muli %mul3A_38, %scan3A_36 : i32
      %add3A_40 = arith.constant 16 : i32
      %add3A_41 = arith.addi %add3A_40, %scan3A_36 : i32
      %mul3A_42 = arith.constant 1000 : i32
      %mul3A_43 = arith.muli %add3A_41, %mul3A_42 : i32
      %scan3A_44 = arith.constant 0 : i32
      %scan3A_45 = arith.constant 0 : i32
      %scan3A_46 = arith.constant 56 : i32
      %scan3A_47 = arith.addi %scan3A_45, %scan3A_46 : i32
      %scan3A_48 = arith.constant 8 : i32
      %scan3A_49 = scf.for %scan3A_171 = %scan3A_45 to %scan3A_47 step %scan3A_48 iter_args(%scan3A_172 = %scan3A_44) -> (i32)  : i32 {
        %mul3A_173 = arith.constant 16 : i32
        %mul3A_174 = arith.muli %scan3A_171, %mul3A_173 : i32
        %get3A_175 = arith.index_cast %mul3A_39 : i32 to index
        %get3A_176 = arith.index_cast %mul3A_174 : i32 to index
        %get3A_177 = tpu.vector_load %arg7[%get3A_175, %get3A_176] {strides = array<i32>} : memref<32x1000xf32, #tpu.memory_space<vmem>>, vector<16xf32>,
        %add3A_178 = arith.constant 1 : i32
        %add3A_179 = arith.addi %mul3A_39, %add3A_178 : i32
        %get3A_180 = arith.index_cast %add3A_179 : i32 to index
        %get3A_181 = arith.index_cast %mul3A_174 : i32 to index
        %get3A_182 = tpu.vector_load %arg7[%get3A_180, %get3A_181] {strides = array<i32>} : memref<32x1000xf32, #tpu.memory_space<vmem>>, vector<16xf32>,
        %pack3A_183 = tpu.pack_subelements %get3A_177, %get3A_182 {pack_format = #tpu.pack_format<interleaved>, positions = array<i32: 0, 1>} : vector<16xf32>, vector<16xf32> -> vector<32xbf16>
        %bitcast3A_184 = vector.bitcast %pack3A_183 : vector<32xbf16> to vector<16xi32>
        %add3A_185 = arith.addi %mul3A_43, %mul3A_174 : i32
        %swap3A_186 = arith.index_cast %add3A_185 : i32 to index
        %swap3A_187 = tpu.vector_load %arg6[%swap3A_186] {strides = array<i32>} : memref<64000xi32, #tpu.memory_space<vmem>>, vector<16xi32>,
        tpu.vector_store %arg6[%swap3A_186], %bitcast3A_184 {strides = array<i32>} : memref<64000xi32, #tpu.memory_space<vmem>>, vector<16xi32>,
        %scan3A_188 = arith.constant 0 : i32
        %scan3A_189 = arith.constant 1 : i32
        %scan3A_190 = arith.addi %scan3A_171, %scan3A_189 : i32
        %mul3A_191 = arith.constant 16 : i32
        %mul3A_192 = arith.muli %scan3A_190, %mul3A_191 : i32
        %get3A_193 = arith.index_cast %mul3A_39 : i32 to index
        %get3A_194 = arith.index_cast %mul3A_192 : i32 to index
        %get3A_195 = tpu.vector_load %arg7[%get3A_193, %get3A_194] {strides = array<i32>} : memref<32x1000xf32, #tpu.memory_space<vmem>>, vector<16xf32>,
        %add3A_196 = arith.constant 1 : i32
        %add3A_197 = arith.addi %mul3A_39, %add3A_196 : i32
        %get3A_198 = arith.index_cast %add3A_197 : i32 to index
        %get3A_199 = arith.index_cast %mul3A_192 : i32 to index
        %get3A_200 = tpu.vector_load %arg7[%get3A_198, %get3A_199] {strides = array<i32>} : memref<32x1000xf32, #tpu.memory_space<vmem>>, vector<16xf32>,
        %pack3A_201 = tpu.pack_subelements %get3A_195, %get3A_200 {pack_format = #tpu.pack_format<interleaved>, positions = array<i32: 0, 1>} : vector<16xf32>, vector<16xf32> -> vector<32xbf16>
        %bitcast3A_202 = vector.bitcast %pack3A_201 : vector<32xbf16> to vector<16xi32>
        %add3A_203 = arith.addi %mul3A_43, %mul3A_192 : i32
        %swap3A_204 = arith.index_cast %add3A_203 : i32 to index
        %swap3A_205 = tpu.vector_load %arg6[%swap3A_204] {strides = array<i32>} : memref<64000xi32, #tpu.memory_space<vmem>>, vector<16xi32>,
        tpu.vector_store %arg6[%swap3A_204], %bitcast3A_202 {strides = array<i32>} : memref<64000xi32, #tpu.memory_space<vmem>>, vector<16xi32>,
        %scan3A_206 = arith.constant 0 : i32
        %scan3A_207 = arith.constant 2 : i32
        %scan3A_208 = arith.addi %scan3A_171, %scan3A_207 : i32
        %mul3A_209 = arith.constant 16 : i32
        %mul3A_210 = arith.muli %scan3A_208, %mul3A_209 : i32
        %get3A_211 = arith.index_cast %mul3A_39 : i32 to index
        %get3A_212 = arith.index_cast %mul3A_210 : i32 to index
        %get3A_213 = tpu.vector_load %arg7[%get3A_211, %get3A_212] {strides = array<i32>} : memref<32x1000xf32, #tpu.memory_space<vmem>>, vector<16xf32>,
        %add3A_214 = arith.constant 1 : i32
        %add3A_215 = arith.addi %mul3A_39, %add3A_214 : i32
        %get3A_216 = arith.index_cast %add3A_215 : i32 to index
        %get3A_217 = arith.index_cast %mul3A_210 : i32 to index
        %get3A_218 = tpu.vector_load %arg7[%get3A_216, %get3A_217] {strides = array<i32>} : memref<32x1000xf32, #tpu.memory_space<vmem>>, vector<16xf32>,
        %pack3A_219 = tpu.pack_subelements %get3A_213, %get3A_218 {pack_format = #tpu.pack_format<interleaved>, positions = array<i32: 0, 1>} : vector<16xf32>, vector<16xf32> -> vector<32xbf16>
        %bitcast3A_220 = vector.bitcast %pack3A_219 : vector<32xbf16> to vector<16xi32>
        %add3A_221 = arith.addi %mul3A_43, %mul3A_210 : i32
        %swap3A_222 = arith.index_cast %add3A_221 : i32 to index
        %swap3A_223 = tpu.vector_load %arg6[%swap3A_222] {strides = array<i32>} : memref<64000xi32, #tpu.memory_space<vmem>>, vector<16xi32>,
        tpu.vector_store %arg6[%swap3A_222], %bitcast3A_220 {strides = array<i32>} : memref<64000xi32, #tpu.memory_space<vmem>>, vector<16xi32>,
        %scan3A_224 = arith.constant 0 : i32
        %scan3A_225 = arith.constant 3 : i32
        %scan3A_226 = arith.addi %scan3A_171, %scan3A_225 : i32
        %mul3A_227 = arith.constant 16 : i32
        %mul3A_228 = arith.muli %scan3A_226, %mul3A_227 : i32
        %get3A_229 = arith.index_cast %mul3A_39 : i32 to index
        %get3A_230 = arith.index_cast %mul3A_228 : i32 to index
        %get3A_231 = tpu.vector_load %arg7[%get3A_229, %get3A_230] {strides = array<i32>} : memref<32x1000xf32, #tpu.memory_space<vmem>>, vector<16xf32>,
        %add3A_232 = arith.constant 1 : i32
        %add3A_233 = arith.addi %mul3A_39, %add3A_232 : i32
        %get3A_234 = arith.index_cast %add3A_233 : i32 to index
        %get3A_235 = arith.index_cast %mul3A_228 : i32 to index
        %get3A_236 = tpu.vector_load %arg7[%get3A_234, %get3A_235] {strides = array<i32>} : memref<32x1000xf32, #tpu.memory_space<vmem>>, vector<16xf32>,
        %pack3A_237 = tpu.pack_subelements %get3A_231, %get3A_236 {pack_format = #tpu.pack_format<interleaved>, positions = array<i32: 0, 1>} : vector<16xf32>, vector<16xf32> -> vector<32xbf16>
        %bitcast3A_238 = vector.bitcast %pack3A_237 : vector<32xbf16> to vector<16xi32>
        %add3A_239 = arith.addi %mul3A_43, %mul3A_228 : i32
        %swap3A_240 = arith.index_cast %add3A_239 : i32 to index
        %swap3A_241 = tpu.vector_load %arg6[%swap3A_240] {strides = array<i32>} : memref<64000xi32, #tpu.memory_space<vmem>>, vector<16xi32>,
        tpu.vector_store %arg6[%swap3A_240], %bitcast3A_238 {strides = array<i32>} : memref<64000xi32, #tpu.memory_space<vmem>>, vector<16xi32>,
        %scan3A_242 = arith.constant 0 : i32
        %scan3A_243 = arith.constant 4 : i32
        %scan3A_244 = arith.addi %scan3A_171, %scan3A_243 : i32
        %mul3A_245 = arith.constant 16 : i32
        %mul3A_246 = arith.muli %scan3A_244, %mul3A_245 : i32
        %get3A_247 = arith.index_cast %mul3A_39 : i32 to index
        %get3A_248 = arith.index_cast %mul3A_246 : i32 to index
        %get3A_249 = tpu.vector_load %arg7[%get3A_247, %get3A_248] {strides = array<i32>} : memref<32x1000xf32, #tpu.memory_space<vmem>>, vector<16xf32>,
        %add3A_250 = arith.constant 1 : i32
        %add3A_251 = arith.addi %mul3A_39, %add3A_250 : i32
        %get3A_252 = arith.index_cast %add3A_251 : i32 to index
        %get3A_253 = arith.index_cast %mul3A_246 : i32 to index
        %get3A_254 = tpu.vector_load %arg7[%get3A_252, %get3A_253] {strides = array<i32>} : memref<32x1000xf32, #tpu.memory_space<vmem>>, vector<16xf32>,
        %pack3A_255 = tpu.pack_subelements %get3A_249, %get3A_254 {pack_format = #tpu.pack_format<interleaved>, positions = array<i32: 0, 1>} : vector<16xf32>, vector<16xf32> -> vector<32xbf16>
        %bitcast3A_256 = vector.bitcast %pack3A_255 : vector<32xbf16> to vector<16xi32>
        %add3A_257 = arith.addi %mul3A_43, %mul3A_246 : i32
        %swap3A_258 = arith.index_cast %add3A_257 : i32 to index
        %swap3A_259 = tpu.vector_load %arg6[%swap3A_258] {strides = array<i32>} : memref<64000xi32, #tpu.memory_space<vmem>>, vector<16xi32>,
        tpu.vector_store %arg6[%swap3A_258], %bitcast3A_256 {strides = array<i32>} : memref<64000xi32, #tpu.memory_space<vmem>>, vector<16xi32>,
        %scan3A_260 = arith.constant 0 : i32
        %scan3A_261 = arith.constant 5 : i32
        %scan3A_262 = arith.addi %scan3A_171, %scan3A_261 : i32
        %mul3A_263 = arith.constant 16 : i32
        %mul3A_264 = arith.muli %scan3A_262, %mul3A_263 : i32
        %get3A_265 = arith.index_cast %mul3A_39 : i32 to index
        %get3A_266 = arith.index_cast %mul3A_264 : i32 to index
        %get3A_267 = tpu.vector_load %arg7[%get3A_265, %get3A_266] {strides = array<i32>} : memref<32x1000xf32, #tpu.memory_space<vmem>>, vector<16xf32>,
        %add3A_268 = arith.constant 1 : i32
        %add3A_269 = arith.addi %mul3A_39, %add3A_268 : i32
        %get3A_270 = arith.index_cast %add3A_269 : i32 to index
        %get3A_271 = arith.index_cast %mul3A_264 : i32 to index
        %get3A_272 = tpu.vector_load %arg7[%get3A_270, %get3A_271] {strides = array<i32>} : memref<32x1000xf32, #tpu.memory_space<vmem>>, vector<16xf32>,
        %pack3A_273 = tpu.pack_subelements %get3A_267, %get3A_272 {pack_format = #tpu.pack_format<interleaved>, positions = array<i32: 0, 1>} : vector<16xf32>, vector<16xf32> -> vector<32xbf16>
        %bitcast3A_274 = vector.bitcast %pack3A_273 : vector<32xbf16> to vector<16xi32>
        %add3A_275 = arith.addi %mul3A_43, %mul3A_264 : i32
        %swap3A_276 = arith.index_cast %add3A_275 : i32 to index
        %swap3A_277 = tpu.vector_load %arg6[%swap3A_276] {strides = array<i32>} : memref<64000xi32, #tpu.memory_space<vmem>>, vector<16xi32>,
        tpu.vector_store %arg6[%swap3A_276], %bitcast3A_274 {strides = array<i32>} : memref<64000xi32, #tpu.memory_space<vmem>>, vector<16xi32>,
        %scan3A_278 = arith.constant 0 : i32
        %scan3A_279 = arith.constant 6 : i32
        %scan3A_280 = arith.addi %scan3A_171, %scan3A_279 : i32
        %mul3A_281 = arith.constant 16 : i32
        %mul3A_282 = arith.muli %scan3A_280, %mul3A_281 : i32
        %get3A_283 = arith.index_cast %mul3A_39 : i32 to index
        %get3A_284 = arith.index_cast %mul3A_282 : i32 to index
        %get3A_285 = tpu.vector_load %arg7[%get3A_283, %get3A_284] {strides = array<i32>} : memref<32x1000xf32, #tpu.memory_space<vmem>>, vector<16xf32>,
        %add3A_286 = arith.constant 1 : i32
        %add3A_287 = arith.addi %mul3A_39, %add3A_286 : i32
        %get3A_288 = arith.index_cast %add3A_287 : i32 to index
        %get3A_289 = arith.index_cast %mul3A_282 : i32 to index
        %get3A_290 = tpu.vector_load %arg7[%get3A_288, %get3A_289] {strides = array<i32>} : memref<32x1000xf32, #tpu.memory_space<vmem>>, vector<16xf32>,
        %pack3A_291 = tpu.pack_subelements %get3A_285, %get3A_290 {pack_format = #tpu.pack_format<interleaved>, positions = array<i32: 0, 1>} : vector<16xf32>, vector<16xf32> -> vector<32xbf16>
        %bitcast3A_292 = vector.bitcast %pack3A_291 : vector<32xbf16> to vector<16xi32>
        %add3A_293 = arith.addi %mul3A_43, %mul3A_282 : i32
        %swap3A_294 = arith.index_cast %add3A_293 : i32 to index
        %swap3A_295 = tpu.vector_load %arg6[%swap3A_294] {strides = array<i32>} : memref<64000xi32, #tpu.memory_space<vmem>>, vector<16xi32>,
        tpu.vector_store %arg6[%swap3A_294], %bitcast3A_292 {strides = array<i32>} : memref<64000xi32, #tpu.memory_space<vmem>>, vector<16xi32>,
        %scan3A_296 = arith.constant 0 : i32
        %scan3A_297 = arith.constant 7 : i32
        %scan3A_298 = arith.addi %scan3A_171, %scan3A_297 : i32
        %mul3A_299 = arith.constant 16 : i32
        %mul3A_300 = arith.muli %scan3A_298, %mul3A_299 : i32
        %get3A_301 = arith.index_cast %mul3A_39 : i32 to index
        %get3A_302 = arith.index_cast %mul3A_300 : i32 to index
        %get3A_303 = tpu.vector_load %arg7[%get3A_301, %get3A_302] {strides = array<i32>} : memref<32x1000xf32, #tpu.memory_space<vmem>>, vector<16xf32>,
        %add3A_304 = arith.constant 1 : i32
        %add3A_305 = arith.addi %mul3A_39, %add3A_304 : i32
        %get3A_306 = arith.index_cast %add3A_305 : i32 to index
        %get3A_307 = arith.index_cast %mul3A_300 : i32 to index
        %get3A_308 = tpu.vector_load %arg7[%get3A_306, %get3A_307] {strides = array<i32>} : memref<32x1000xf32, #tpu.memory_space<vmem>>, vector<16xf32>,
        %pack3A_309 = tpu.pack_subelements %get3A_303, %get3A_308 {pack_format = #tpu.pack_format<interleaved>, positions = array<i32: 0, 1>} : vector<16xf32>, vector<16xf32> -> vector<32xbf16>
        %bitcast3A_310 = vector.bitcast %pack3A_309 : vector<32xbf16> to vector<16xi32>
        %add3A_311 = arith.addi %mul3A_43, %mul3A_300 : i32
        %swap3A_312 = arith.index_cast %add3A_311 : i32 to index
        %swap3A_313 = tpu.vector_load %arg6[%swap3A_312] {strides = array<i32>} : memref<64000xi32, #tpu.memory_space<vmem>>, vector<16xi32>,
        tpu.vector_store %arg6[%swap3A_312], %bitcast3A_310 {strides = array<i32>} : memref<64000xi32, #tpu.memory_space<vmem>>, vector<16xi32>,
        %scan3A_314 = arith.constant 0 : i32
        scf.yield %scan3A_314 : i32
      }
      %scan3A_50 = arith.constant 56 : i32
      %scan3A_51 = arith.addi %scan3A_45, %scan3A_50 : i32
      %mul3A_52 = arith.constant 16 : i32
      %mul3A_53 = arith.muli %scan3A_51, %mul3A_52 : i32
      %get3A = arith.index_cast %mul3A_39 : i32 to index
      %get3A_54 = arith.index_cast %mul3A_53 : i32 to index
      %get3A_55 = tpu.vector_load %arg7[%get3A, %get3A_54] {strides = array<i32>} : memref<32x1000xf32, #tpu.memory_space<vmem>>, vector<16xf32>,
      %add3A_56 = arith.constant 1 : i32
      %add3A_57 = arith.addi %mul3A_39, %add3A_56 : i32
      %get3A_58 = arith.index_cast %add3A_57 : i32 to index
      %get3A_59 = arith.index_cast %mul3A_53 : i32 to index
      %get3A_60 = tpu.vector_load %arg7[%get3A_58, %get3A_59] {strides = array<i32>} : memref<32x1000xf32, #tpu.memory_space<vmem>>, vector<16xf32>,
      %pack3A = tpu.pack_subelements %get3A_55, %get3A_60 {pack_format = #tpu.pack_format<interleaved>, positions = array<i32: 0, 1>} : vector<16xf32>, vector<16xf32> -> vector<32xbf16>
      %bitcast3A = vector.bitcast %pack3A : vector<32xbf16> to vector<16xi32>
      %add3A_61 = arith.addi %mul3A_43, %mul3A_53 : i32
      %swap3A_62 = arith.index_cast %add3A_61 : i32 to index
      %swap3A_63 = tpu.vector_load %arg6[%swap3A_62] {strides = array<i32>} : memref<64000xi32, #tpu.memory_space<vmem>>, vector<16xi32>,
      tpu.vector_store %arg6[%swap3A_62], %bitcast3A {strides = array<i32>} : memref<64000xi32, #tpu.memory_space<vmem>>, vector<16xi32>,
      %scan3A_64 = arith.constant 0 : i32
      %scan3A_65 = arith.constant 57 : i32
      %scan3A_66 = arith.addi %scan3A_45, %scan3A_65 : i32
      %mul3A_67 = arith.constant 16 : i32
      %mul3A_68 = arith.muli %scan3A_66, %mul3A_67 : i32
      %get3A_69 = arith.index_cast %mul3A_39 : i32 to index
      %get3A_70 = arith.index_cast %mul3A_68 : i32 to index
      %get3A_71 = tpu.vector_load %arg7[%get3A_69, %get3A_70] {strides = array<i32>} : memref<32x1000xf32, #tpu.memory_space<vmem>>, vector<16xf32>,
      %add3A_72 = arith.constant 1 : i32
      %add3A_73 = arith.addi %mul3A_39, %add3A_72 : i32
      %get3A_74 = arith.index_cast %add3A_73 : i32 to index
      %get3A_75 = arith.index_cast %mul3A_68 : i32 to index
      %get3A_76 = tpu.vector_load %arg7[%get3A_74, %get3A_75] {strides = array<i32>} : memref<32x1000xf32, #tpu.memory_space<vmem>>, vector<16xf32>,
      %pack3A_77 = tpu.pack_subelements %get3A_71, %get3A_76 {pack_format = #tpu.pack_format<interleaved>, positions = array<i32: 0, 1>} : vector<16xf32>, vector<16xf32> -> vector<32xbf16>
      %bitcast3A_78 = vector.bitcast %pack3A_77 : vector<32xbf16> to vector<16xi32>
      %add3A_79 = arith.addi %mul3A_43, %mul3A_68 : i32
      %swap3A_80 = arith.index_cast %add3A_79 : i32 to index
      %swap3A_81 = tpu.vector_load %arg6[%swap3A_80] {strides = array<i32>} : memref<64000xi32, #tpu.memory_space<vmem>>, vector<16xi32>,
      tpu.vector_store %arg6[%swap3A_80], %bitcast3A_78 {strides = array<i32>} : memref<64000xi32, #tpu.memory_space<vmem>>, vector<16xi32>,
      %scan3A_82 = arith.constant 0 : i32
      %scan3A_83 = arith.constant 58 : i32
      %scan3A_84 = arith.addi %scan3A_45, %scan3A_83 : i32
      %mul3A_85 = arith.constant 16 : i32
      %mul3A_86 = arith.muli %scan3A_84, %mul3A_85 : i32
      %get3A_87 = arith.index_cast %mul3A_39 : i32 to index
      %get3A_88 = arith.index_cast %mul3A_86 : i32 to index
      %get3A_89 = tpu.vector_load %arg7[%get3A_87, %get3A_88] {strides = array<i32>} : memref<32x1000xf32, #tpu.memory_space<vmem>>, vector<16xf32>,
      %add3A_90 = arith.constant 1 : i32
      %add3A_91 = arith.addi %mul3A_39, %add3A_90 : i32
      %get3A_92 = arith.index_cast %add3A_91 : i32 to index
      %get3A_93 = arith.index_cast %mul3A_86 : i32 to index
      %get3A_94 = tpu.vector_load %arg7[%get3A_92, %get3A_93] {strides = array<i32>} : memref<32x1000xf32, #tpu.memory_space<vmem>>, vector<16xf32>,
      %pack3A_95 = tpu.pack_subelements %get3A_89, %get3A_94 {pack_format = #tpu.pack_format<interleaved>, positions = array<i32: 0, 1>} : vector<16xf32>, vector<16xf32> -> vector<32xbf16>
      %bitcast3A_96 = vector.bitcast %pack3A_95 : vector<32xbf16> to vector<16xi32>
      %add3A_97 = arith.addi %mul3A_43, %mul3A_86 : i32
      %swap3A_98 = arith.index_cast %add3A_97 : i32 to index
      %swap3A_99 = tpu.vector_load %arg6[%swap3A_98] {strides = array<i32>} : memref<64000xi32, #tpu.memory_space<vmem>>, vector<16xi32>,
      tpu.vector_store %arg6[%swap3A_98], %bitcast3A_96 {strides = array<i32>} : memref<64000xi32, #tpu.memory_space<vmem>>, vector<16xi32>,
      %scan3A_100 = arith.constant 0 : i32
      %scan3A_101 = arith.constant 59 : i32
      %scan3A_102 = arith.addi %scan3A_45, %scan3A_101 : i32
      %mul3A_103 = arith.constant 16 : i32
      %mul3A_104 = arith.muli %scan3A_102, %mul3A_103 : i32
      %get3A_105 = arith.index_cast %mul3A_39 : i32 to index
      %get3A_106 = arith.index_cast %mul3A_104 : i32 to index
      %get3A_107 = tpu.vector_load %arg7[%get3A_105, %get3A_106] {strides = array<i32>} : memref<32x1000xf32, #tpu.memory_space<vmem>>, vector<16xf32>,
      %add3A_108 = arith.constant 1 : i32
      %add3A_109 = arith.addi %mul3A_39, %add3A_108 : i32
      %get3A_110 = arith.index_cast %add3A_109 : i32 to index
      %get3A_111 = arith.index_cast %mul3A_104 : i32 to index
      %get3A_112 = tpu.vector_load %arg7[%get3A_110, %get3A_111] {strides = array<i32>} : memref<32x1000xf32, #tpu.memory_space<vmem>>, vector<16xf32>,
      %pack3A_113 = tpu.pack_subelements %get3A_107, %get3A_112 {pack_format = #tpu.pack_format<interleaved>, positions = array<i32: 0, 1>} : vector<16xf32>, vector<16xf32> -> vector<32xbf16>
      %bitcast3A_114 = vector.bitcast %pack3A_113 : vector<32xbf16> to vector<16xi32>
      %add3A_115 = arith.addi %mul3A_43, %mul3A_104 : i32
      %swap3A_116 = arith.index_cast %add3A_115 : i32 to index
      %swap3A_117 = tpu.vector_load %arg6[%swap3A_116] {strides = array<i32>} : memref<64000xi32, #tpu.memory_space<vmem>>, vector<16xi32>,
      tpu.vector_store %arg6[%swap3A_116], %bitcast3A_114 {strides = array<i32>} : memref<64000xi32, #tpu.memory_space<vmem>>, vector<16xi32>,
      %scan3A_118 = arith.constant 0 : i32
      %scan3A_119 = arith.constant 60 : i32
      %scan3A_120 = arith.addi %scan3A_45, %scan3A_119 : i32
      %mul3A_121 = arith.constant 16 : i32
      %mul3A_122 = arith.muli %scan3A_120, %mul3A_121 : i32
      %get3A_123 = arith.index_cast %mul3A_39 : i32 to index
      %get3A_124 = arith.index_cast %mul3A_122 : i32 to index
      %get3A_125 = tpu.vector_load %arg7[%get3A_123, %get3A_124] {strides = array<i32>} : memref<32x1000xf32, #tpu.memory_space<vmem>>, vector<16xf32>,
      %add3A_126 = arith.constant 1 : i32
      %add3A_127 = arith.addi %mul3A_39, %add3A_126 : i32
      %get3A_128 = arith.index_cast %add3A_127 : i32 to index
      %get3A_129 = arith.index_cast %mul3A_122 : i32 to index
      %get3A_130 = tpu.vector_load %arg7[%get3A_128, %get3A_129] {strides = array<i32>} : memref<32x1000xf32, #tpu.memory_space<vmem>>, vector<16xf32>,
      %pack3A_131 = tpu.pack_subelements %get3A_125, %get3A_130 {pack_format = #tpu.pack_format<interleaved>, positions = array<i32: 0, 1>} : vector<16xf32>, vector<16xf32> -> vector<32xbf16>
      %bitcast3A_132 = vector.bitcast %pack3A_131 : vector<32xbf16> to vector<16xi32>
      %add3A_133 = arith.addi %mul3A_43, %mul3A_122 : i32
      %swap3A_134 = arith.index_cast %add3A_133 : i32 to index
      %swap3A_135 = tpu.vector_load %arg6[%swap3A_134] {strides = array<i32>} : memref<64000xi32, #tpu.memory_space<vmem>>, vector<16xi32>,
      tpu.vector_store %arg6[%swap3A_134], %bitcast3A_132 {strides = array<i32>} : memref<64000xi32, #tpu.memory_space<vmem>>, vector<16xi32>,
      %scan3A_136 = arith.constant 0 : i32
      %scan3A_137 = arith.constant 61 : i32
      %scan3A_138 = arith.addi %scan3A_45, %scan3A_137 : i32
      %mul3A_139 = arith.constant 16 : i32
      %mul3A_140 = arith.muli %scan3A_138, %mul3A_139 : i32
      %get3A_141 = arith.index_cast %mul3A_39 : i32 to index
      %get3A_142 = arith.index_cast %mul3A_140 : i32 to index
      %get3A_143 = tpu.vector_load %arg7[%get3A_141, %get3A_142] {strides = array<i32>} : memref<32x1000xf32, #tpu.memory_space<vmem>>, vector<16xf32>,
      %add3A_144 = arith.constant 1 : i32
      %add3A_145 = arith.addi %mul3A_39, %add3A_144 : i32
      %get3A_146 = arith.index_cast %add3A_145 : i32 to index
      %get3A_147 = arith.index_cast %mul3A_140 : i32 to index
      %get3A_148 = tpu.vector_load %arg7[%get3A_146, %get3A_147] {strides = array<i32>} : memref<32x1000xf32, #tpu.memory_space<vmem>>, vector<16xf32>,
      %pack3A_149 = tpu.pack_subelements %get3A_143, %get3A_148 {pack_format = #tpu.pack_format<interleaved>, positions = array<i32: 0, 1>} : vector<16xf32>, vector<16xf32> -> vector<32xbf16>
      %bitcast3A_150 = vector.bitcast %pack3A_149 : vector<32xbf16> to vector<16xi32>
      %add3A_151 = arith.addi %mul3A_43, %mul3A_140 : i32
      %swap3A_152 = arith.index_cast %add3A_151 : i32 to index
      %swap3A_153 = tpu.vector_load %arg6[%swap3A_152] {strides = array<i32>} : memref<64000xi32, #tpu.memory_space<vmem>>, vector<16xi32>,
      tpu.vector_store %arg6[%swap3A_152], %bitcast3A_150 {strides = array<i32>} : memref<64000xi32, #tpu.memory_space<vmem>>, vector<16xi32>,
      %scan3A_154 = arith.constant 0 : i32
      %scan3A_155 = arith.constant 62 : i32
      %get3A_156 = arith.index_cast %mul3A_39 : i32 to index
      %get3A_157 = arith.constant 984 : index
      %get3A_158 = tpu.vector_load %arg7[%get3A_156, %get3A_157] {strides = array<i32>} : memref<32x1000xf32, #tpu.memory_space<vmem>>, vector<16xf32>,
      %add3A_159 = arith.constant 1 : i32
      %add3A_160 = arith.addi %mul3A_39, %add3A_159 : i32
      %get3A_161 = arith.index_cast %add3A_160 : i32 to index
      %get3A_162 = arith.constant 984 : index
      %get3A_163 = tpu.vector_load %arg7[%get3A_161, %get3A_162] {strides = array<i32>} : memref<32x1000xf32, #tpu.memory_space<vmem>>, vector<16xf32>,
      %pack3A_164 = tpu.pack_subelements %get3A_158, %get3A_163 {pack_format = #tpu.pack_format<interleaved>, positions = array<i32: 0, 1>} : vector<16xf32>, vector<16xf32> -> vector<32xbf16>
      %bitcast3A_165 = vector.bitcast %pack3A_164 : vector<32xbf16> to vector<16xi32>
      %add3A_166 = arith.constant 984 : i32
      %add3A_167 = arith.addi %mul3A_43, %add3A_166 : i32
      %swap3A_168 = arith.index_cast %add3A_167 : i32 to index
      %swap3A_169 = tpu.vector_load %arg6[%swap3A_168] {strides = array<i32>} : memref<64000xi32, #tpu.memory_space<vmem>>, vector<16xi32>,
      tpu.vector_store %arg6[%swap3A_168], %bitcast3A_165 {strides = array<i32>} : memref<64000xi32, #tpu.memory_space<vmem>>, vector<16xi32>,
      %scan3A_170 = arith.constant 0 : i32
      scf.yield %scan3A_170 : i32
    }
    %scan3A_13 = arith.constant 16 : i32
    "tpu.region"() ({
      %run_scoped3A = tpu.sem_alloc : memref<!tpu.dma_semaphore, #tpu.memory_space<semaphore_mem>>
      %dma_start3A = arith.constant 64 : i32
      %dma_start3A_36 = arith.constant 0 : i32
      %dma_start3A_37 = tpu.memref_slice %arg2[%add3A, %dma_start3A, %dma_start3A_36] : memref<32x128x1000xf32, #tpu.memory_space<hbm>> -> memref<1x32x1000xf32, #tpu.memory_space<hbm>>
      %dma_start3A_38 = tpu.memref_squeeze %dma_start3A_37 : memref<1x32x1000xf32, #tpu.memory_space<hbm>> -> memref<32x1000xf32, #tpu.memory_space<hbm>>
      %dma_start3A_39 = arith.constant 64 : i32
      %dma_start3A_40 = arith.constant 0 : i32
      %dma_start3A_41 = tpu.memref_slice %arg2[%add3A, %dma_start3A_39, %dma_start3A_40] : memref<32x128x1000xf32, #tpu.memory_space<hbm>> -> memref<1x32x1000xf32, #tpu.memory_space<hbm>>
      %dma_start3A_42 = tpu.memref_squeeze %dma_start3A_41 : memref<1x32x1000xf32, #tpu.memory_space<hbm>> -> memref<32x1000xf32, #tpu.memory_space<hbm>>
      tpu.enqueue_dma source(%dma_start3A_42 : memref<32x1000xf32, #tpu.memory_space<hbm>>) target(%arg7 : memref<32x1000xf32, #tpu.memory_space<vmem>>) target_semaphore(%run_scoped3A : memref<!tpu.dma_semaphore, #tpu.memory_space<semaphore_mem>>)
      %dma_wait3A = arith.constant 64 : i32
      %dma_wait3A_43 = arith.constant 0 : i32
      %dma_wait3A_44 = tpu.memref_slice %arg2[%add3A, %dma_wait3A, %dma_wait3A_43] : memref<32x128x1000xf32, #tpu.memory_space<hbm>> -> memref<1x32x1000xf32, #tpu.memory_space<hbm>>
      %dma_wait3A_45 = tpu.memref_squeeze %dma_wait3A_44 : memref<1x32x1000xf32, #tpu.memory_space<hbm>> -> memref<32x1000xf32, #tpu.memory_space<hbm>>
      %dma_wait3A_46 = arith.constant 64 : i32
      %dma_wait3A_47 = arith.constant 0 : i32
      %dma_wait3A_48 = tpu.memref_slice %arg2[%add3A, %dma_wait3A_46, %dma_wait3A_47] : memref<32x128x1000xf32, #tpu.memory_space<hbm>> -> memref<1x32x1000xf32, #tpu.memory_space<hbm>>
      %dma_wait3A_49 = tpu.memref_squeeze %dma_wait3A_48 : memref<1x32x1000xf32, #tpu.memory_space<hbm>> -> memref<32x1000xf32, #tpu.memory_space<hbm>>
      tpu.wait_dma2 semaphore(%run_scoped3A : memref<!tpu.dma_semaphore, #tpu.memory_space<semaphore_mem>>) src(%dma_wait3A_49 : memref<32x1000xf32, #tpu.memory_space<hbm>>) dst(%arg7 : memref<32x1000xf32, #tpu.memory_space<vmem>>)
      tpu.yield
    }) : () -> ()
    %scan3A_14 = arith.constant 0 : i32
    %scan3A_15 = arith.constant 0 : i32
    %scan3A_16 = arith.constant 16 : i32
    %scan3A_17 = arith.addi %scan3A_15, %scan3A_16 : i32
    %scan3A_18 = arith.constant 1 : i32
    %scan3A_19 = scf.for %scan3A_36 = %scan3A_15 to %scan3A_17 step %scan3A_18 iter_args(%scan3A_37 = %scan3A_14) -> (i32)  : i32 {
      %mul3A_38 = arith.constant 2 : i32
      %mul3A_39 = arith.muli %mul3A_38, %scan3A_36 : i32
      %add3A_40 = arith.constant 32 : i32
      %add3A_41 = arith.addi %add3A_40, %scan3A_36 : i32
      %mul3A_42 = arith.constant 1000 : i32
      %mul3A_43 = arith.muli %add3A_41, %mul3A_42 : i32
      %scan3A_44 = arith.constant 0 : i32
      %scan3A_45 = arith.constant 0 : i32
      %scan3A_46 = arith.constant 56 : i32
      %scan3A_47 = arith.addi %scan3A_45, %scan3A_46 : i32
      %scan3A_48 = arith.constant 8 : i32
      %scan3A_49 = scf.for %scan3A_171 = %scan3A_45 to %scan3A_47 step %scan3A_48 iter_args(%scan3A_172 = %scan3A_44) -> (i32)  : i32 {
        %mul3A_173 = arith.constant 16 : i32
        %mul3A_174 = arith.muli %scan3A_171, %mul3A_173 : i32
        %get3A_175 = arith.index_cast %mul3A_39 : i32 to index
        %get3A_176 = arith.index_cast %mul3A_174 : i32 to index
        %get3A_177 = tpu.vector_load %arg7[%get3A_175, %get3A_176] {strides = array<i32>} : memref<32x1000xf32, #tpu.memory_space<vmem>>, vector<16xf32>,
        %add3A_178 = arith.constant 1 : i32
        %add3A_179 = arith.addi %mul3A_39, %add3A_178 : i32
        %get3A_180 = arith.index_cast %add3A_179 : i32 to index
        %get3A_181 = arith.index_cast %mul3A_174 : i32 to index
        %get3A_182 = tpu.vector_load %arg7[%get3A_180, %get3A_181] {strides = array<i32>} : memref<32x1000xf32, #tpu.memory_space<vmem>>, vector<16xf32>,
        %pack3A_183 = tpu.pack_subelements %get3A_177, %get3A_182 {pack_format = #tpu.pack_format<interleaved>, positions = array<i32: 0, 1>} : vector<16xf32>, vector<16xf32> -> vector<32xbf16>
        %bitcast3A_184 = vector.bitcast %pack3A_183 : vector<32xbf16> to vector<16xi32>
        %add3A_185 = arith.addi %mul3A_43, %mul3A_174 : i32
        %swap3A_186 = arith.index_cast %add3A_185 : i32 to index
        %swap3A_187 = tpu.vector_load %arg6[%swap3A_186] {strides = array<i32>} : memref<64000xi32, #tpu.memory_space<vmem>>, vector<16xi32>,
        tpu.vector_store %arg6[%swap3A_186], %bitcast3A_184 {strides = array<i32>} : memref<64000xi32, #tpu.memory_space<vmem>>, vector<16xi32>,
        %scan3A_188 = arith.constant 0 : i32
        %scan3A_189 = arith.constant 1 : i32
        %scan3A_190 = arith.addi %scan3A_171, %scan3A_189 : i32
        %mul3A_191 = arith.constant 16 : i32
        %mul3A_192 = arith.muli %scan3A_190, %mul3A_191 : i32
        %get3A_193 = arith.index_cast %mul3A_39 : i32 to index
        %get3A_194 = arith.index_cast %mul3A_192 : i32 to index
        %get3A_195 = tpu.vector_load %arg7[%get3A_193, %get3A_194] {strides = array<i32>} : memref<32x1000xf32, #tpu.memory_space<vmem>>, vector<16xf32>,
        %add3A_196 = arith.constant 1 : i32
        %add3A_197 = arith.addi %mul3A_39, %add3A_196 : i32
        %get3A_198 = arith.index_cast %add3A_197 : i32 to index
        %get3A_199 = arith.index_cast %mul3A_192 : i32 to index
        %get3A_200 = tpu.vector_load %arg7[%get3A_198, %get3A_199] {strides = array<i32>} : memref<32x1000xf32, #tpu.memory_space<vmem>>, vector<16xf32>,
        %pack3A_201 = tpu.pack_subelements %get3A_195, %get3A_200 {pack_format = #tpu.pack_format<interleaved>, positions = array<i32: 0, 1>} : vector<16xf32>, vector<16xf32> -> vector<32xbf16>
        %bitcast3A_202 = vector.bitcast %pack3A_201 : vector<32xbf16> to vector<16xi32>
        %add3A_203 = arith.addi %mul3A_43, %mul3A_192 : i32
        %swap3A_204 = arith.index_cast %add3A_203 : i32 to index
        %swap3A_205 = tpu.vector_load %arg6[%swap3A_204] {strides = array<i32>} : memref<64000xi32, #tpu.memory_space<vmem>>, vector<16xi32>,
        tpu.vector_store %arg6[%swap3A_204], %bitcast3A_202 {strides = array<i32>} : memref<64000xi32, #tpu.memory_space<vmem>>, vector<16xi32>,
        %scan3A_206 = arith.constant 0 : i32
        %scan3A_207 = arith.constant 2 : i32
        %scan3A_208 = arith.addi %scan3A_171, %scan3A_207 : i32
        %mul3A_209 = arith.constant 16 : i32
        %mul3A_210 = arith.muli %scan3A_208, %mul3A_209 : i32
        %get3A_211 = arith.index_cast %mul3A_39 : i32 to index
        %get3A_212 = arith.index_cast %mul3A_210 : i32 to index
        %get3A_213 = tpu.vector_load %arg7[%get3A_211, %get3A_212] {strides = array<i32>} : memref<32x1000xf32, #tpu.memory_space<vmem>>, vector<16xf32>,
        %add3A_214 = arith.constant 1 : i32
        %add3A_215 = arith.addi %mul3A_39, %add3A_214 : i32
        %get3A_216 = arith.index_cast %add3A_215 : i32 to index
        %get3A_217 = arith.index_cast %mul3A_210 : i32 to index
        %get3A_218 = tpu.vector_load %arg7[%get3A_216, %get3A_217] {strides = array<i32>} : memref<32x1000xf32, #tpu.memory_space<vmem>>, vector<16xf32>,
        %pack3A_219 = tpu.pack_subelements %get3A_213, %get3A_218 {pack_format = #tpu.pack_format<interleaved>, positions = array<i32: 0, 1>} : vector<16xf32>, vector<16xf32> -> vector<32xbf16>
        %bitcast3A_220 = vector.bitcast %pack3A_219 : vector<32xbf16> to vector<16xi32>
        %add3A_221 = arith.addi %mul3A_43, %mul3A_210 : i32
        %swap3A_222 = arith.index_cast %add3A_221 : i32 to index
        %swap3A_223 = tpu.vector_load %arg6[%swap3A_222] {strides = array<i32>} : memref<64000xi32, #tpu.memory_space<vmem>>, vector<16xi32>,
        tpu.vector_store %arg6[%swap3A_222], %bitcast3A_220 {strides = array<i32>} : memref<64000xi32, #tpu.memory_space<vmem>>, vector<16xi32>,
        %scan3A_224 = arith.constant 0 : i32
        %scan3A_225 = arith.constant 3 : i32
        %scan3A_226 = arith.addi %scan3A_171, %scan3A_225 : i32
        %mul3A_227 = arith.constant 16 : i32
        %mul3A_228 = arith.muli %scan3A_226, %mul3A_227 : i32
        %get3A_229 = arith.index_cast %mul3A_39 : i32 to index
        %get3A_230 = arith.index_cast %mul3A_228 : i32 to index
        %get3A_231 = tpu.vector_load %arg7[%get3A_229, %get3A_230] {strides = array<i32>} : memref<32x1000xf32, #tpu.memory_space<vmem>>, vector<16xf32>,
        %add3A_232 = arith.constant 1 : i32
        %add3A_233 = arith.addi %mul3A_39, %add3A_232 : i32
        %get3A_234 = arith.index_cast %add3A_233 : i32 to index
        %get3A_235 = arith.index_cast %mul3A_228 : i32 to index
        %get3A_236 = tpu.vector_load %arg7[%get3A_234, %get3A_235] {strides = array<i32>} : memref<32x1000xf32, #tpu.memory_space<vmem>>, vector<16xf32>,
        %pack3A_237 = tpu.pack_subelements %get3A_231, %get3A_236 {pack_format = #tpu.pack_format<interleaved>, positions = array<i32: 0, 1>} : vector<16xf32>, vector<16xf32> -> vector<32xbf16>
        %bitcast3A_238 = vector.bitcast %pack3A_237 : vector<32xbf16> to vector<16xi32>
        %add3A_239 = arith.addi %mul3A_43, %mul3A_228 : i32
        %swap3A_240 = arith.index_cast %add3A_239 : i32 to index
        %swap3A_241 = tpu.vector_load %arg6[%swap3A_240] {strides = array<i32>} : memref<64000xi32, #tpu.memory_space<vmem>>, vector<16xi32>,
        tpu.vector_store %arg6[%swap3A_240], %bitcast3A_238 {strides = array<i32>} : memref<64000xi32, #tpu.memory_space<vmem>>, vector<16xi32>,
        %scan3A_242 = arith.constant 0 : i32
        %scan3A_243 = arith.constant 4 : i32
        %scan3A_244 = arith.addi %scan3A_171, %scan3A_243 : i32
        %mul3A_245 = arith.constant 16 : i32
        %mul3A_246 = arith.muli %scan3A_244, %mul3A_245 : i32
        %get3A_247 = arith.index_cast %mul3A_39 : i32 to index
        %get3A_248 = arith.index_cast %mul3A_246 : i32 to index
        %get3A_249 = tpu.vector_load %arg7[%get3A_247, %get3A_248] {strides = array<i32>} : memref<32x1000xf32, #tpu.memory_space<vmem>>, vector<16xf32>,
        %add3A_250 = arith.constant 1 : i32
        %add3A_251 = arith.addi %mul3A_39, %add3A_250 : i32
        %get3A_252 = arith.index_cast %add3A_251 : i32 to index
        %get3A_253 = arith.index_cast %mul3A_246 : i32 to index
        %get3A_254 = tpu.vector_load %arg7[%get3A_252, %get3A_253] {strides = array<i32>} : memref<32x1000xf32, #tpu.memory_space<vmem>>, vector<16xf32>,
        %pack3A_255 = tpu.pack_subelements %get3A_249, %get3A_254 {pack_format = #tpu.pack_format<interleaved>, positions = array<i32: 0, 1>} : vector<16xf32>, vector<16xf32> -> vector<32xbf16>
        %bitcast3A_256 = vector.bitcast %pack3A_255 : vector<32xbf16> to vector<16xi32>
        %add3A_257 = arith.addi %mul3A_43, %mul3A_246 : i32
        %swap3A_258 = arith.index_cast %add3A_257 : i32 to index
        %swap3A_259 = tpu.vector_load %arg6[%swap3A_258] {strides = array<i32>} : memref<64000xi32, #tpu.memory_space<vmem>>, vector<16xi32>,
        tpu.vector_store %arg6[%swap3A_258], %bitcast3A_256 {strides = array<i32>} : memref<64000xi32, #tpu.memory_space<vmem>>, vector<16xi32>,
        %scan3A_260 = arith.constant 0 : i32
        %scan3A_261 = arith.constant 5 : i32
        %scan3A_262 = arith.addi %scan3A_171, %scan3A_261 : i32
        %mul3A_263 = arith.constant 16 : i32
        %mul3A_264 = arith.muli %scan3A_262, %mul3A_263 : i32
        %get3A_265 = arith.index_cast %mul3A_39 : i32 to index
        %get3A_266 = arith.index_cast %mul3A_264 : i32 to index
        %get3A_267 = tpu.vector_load %arg7[%get3A_265, %get3A_266] {strides = array<i32>} : memref<32x1000xf32, #tpu.memory_space<vmem>>, vector<16xf32>,
        %add3A_268 = arith.constant 1 : i32
        %add3A_269 = arith.addi %mul3A_39, %add3A_268 : i32
        %get3A_270 = arith.index_cast %add3A_269 : i32 to index
        %get3A_271 = arith.index_cast %mul3A_264 : i32 to index
        %get3A_272 = tpu.vector_load %arg7[%get3A_270, %get3A_271] {strides = array<i32>} : memref<32x1000xf32, #tpu.memory_space<vmem>>, vector<16xf32>,
        %pack3A_273 = tpu.pack_subelements %get3A_267, %get3A_272 {pack_format = #tpu.pack_format<interleaved>, positions = array<i32: 0, 1>} : vector<16xf32>, vector<16xf32> -> vector<32xbf16>
        %bitcast3A_274 = vector.bitcast %pack3A_273 : vector<32xbf16> to vector<16xi32>
        %add3A_275 = arith.addi %mul3A_43, %mul3A_264 : i32
        %swap3A_276 = arith.index_cast %add3A_275 : i32 to index
        %swap3A_277 = tpu.vector_load %arg6[%swap3A_276] {strides = array<i32>} : memref<64000xi32, #tpu.memory_space<vmem>>, vector<16xi32>,
        tpu.vector_store %arg6[%swap3A_276], %bitcast3A_274 {strides = array<i32>} : memref<64000xi32, #tpu.memory_space<vmem>>, vector<16xi32>,
        %scan3A_278 = arith.constant 0 : i32
        %scan3A_279 = arith.constant 6 : i32
        %scan3A_280 = arith.addi %scan3A_171, %scan3A_279 : i32
        %mul3A_281 = arith.constant 16 : i32
        %mul3A_282 = arith.muli %scan3A_280, %mul3A_281 : i32
        %get3A_283 = arith.index_cast %mul3A_39 : i32 to index
        %get3A_284 = arith.index_cast %mul3A_282 : i32 to index
        %get3A_285 = tpu.vector_load %arg7[%get3A_283, %get3A_284] {strides = array<i32>} : memref<32x1000xf32, #tpu.memory_space<vmem>>, vector<16xf32>,
        %add3A_286 = arith.constant 1 : i32
        %add3A_287 = arith.addi %mul3A_39, %add3A_286 : i32
        %get3A_288 = arith.index_cast %add3A_287 : i32 to index
        %get3A_289 = arith.index_cast %mul3A_282 : i32 to index
        %get3A_290 = tpu.vector_load %arg7[%get3A_288, %get3A_289] {strides = array<i32>} : memref<32x1000xf32, #tpu.memory_space<vmem>>, vector<16xf32>,
        %pack3A_291 = tpu.pack_subelements %get3A_285, %get3A_290 {pack_format = #tpu.pack_format<interleaved>, positions = array<i32: 0, 1>} : vector<16xf32>, vector<16xf32> -> vector<32xbf16>
        %bitcast3A_292 = vector.bitcast %pack3A_291 : vector<32xbf16> to vector<16xi32>
        %add3A_293 = arith.addi %mul3A_43, %mul3A_282 : i32
        %swap3A_294 = arith.index_cast %add3A_293 : i32 to index
        %swap3A_295 = tpu.vector_load %arg6[%swap3A_294] {strides = array<i32>} : memref<64000xi32, #tpu.memory_space<vmem>>, vector<16xi32>,
        tpu.vector_store %arg6[%swap3A_294], %bitcast3A_292 {strides = array<i32>} : memref<64000xi32, #tpu.memory_space<vmem>>, vector<16xi32>,
        %scan3A_296 = arith.constant 0 : i32
        %scan3A_297 = arith.constant 7 : i32
        %scan3A_298 = arith.addi %scan3A_171, %scan3A_297 : i32
        %mul3A_299 = arith.constant 16 : i32
        %mul3A_300 = arith.muli %scan3A_298, %mul3A_299 : i32
        %get3A_301 = arith.index_cast %mul3A_39 : i32 to index
        %get3A_302 = arith.index_cast %mul3A_300 : i32 to index
        %get3A_303 = tpu.vector_load %arg7[%get3A_301, %get3A_302] {strides = array<i32>} : memref<32x1000xf32, #tpu.memory_space<vmem>>, vector<16xf32>,
        %add3A_304 = arith.constant 1 : i32
        %add3A_305 = arith.addi %mul3A_39, %add3A_304 : i32
        %get3A_306 = arith.index_cast %add3A_305 : i32 to index
        %get3A_307 = arith.index_cast %mul3A_300 : i32 to index
        %get3A_308 = tpu.vector_load %arg7[%get3A_306, %get3A_307] {strides = array<i32>} : memref<32x1000xf32, #tpu.memory_space<vmem>>, vector<16xf32>,
        %pack3A_309 = tpu.pack_subelements %get3A_303, %get3A_308 {pack_format = #tpu.pack_format<interleaved>, positions = array<i32: 0, 1>} : vector<16xf32>, vector<16xf32> -> vector<32xbf16>
        %bitcast3A_310 = vector.bitcast %pack3A_309 : vector<32xbf16> to vector<16xi32>
        %add3A_311 = arith.addi %mul3A_43, %mul3A_300 : i32
        %swap3A_312 = arith.index_cast %add3A_311 : i32 to index
        %swap3A_313 = tpu.vector_load %arg6[%swap3A_312] {strides = array<i32>} : memref<64000xi32, #tpu.memory_space<vmem>>, vector<16xi32>,
        tpu.vector_store %arg6[%swap3A_312], %bitcast3A_310 {strides = array<i32>} : memref<64000xi32, #tpu.memory_space<vmem>>, vector<16xi32>,
        %scan3A_314 = arith.constant 0 : i32
        scf.yield %scan3A_314 : i32
      }
      %scan3A_50 = arith.constant 56 : i32
      %scan3A_51 = arith.addi %scan3A_45, %scan3A_50 : i32
      %mul3A_52 = arith.constant 16 : i32
      %mul3A_53 = arith.muli %scan3A_51, %mul3A_52 : i32
      %get3A = arith.index_cast %mul3A_39 : i32 to index
      %get3A_54 = arith.index_cast %mul3A_53 : i32 to index
      %get3A_55 = tpu.vector_load %arg7[%get3A, %get3A_54] {strides = array<i32>} : memref<32x1000xf32, #tpu.memory_space<vmem>>, vector<16xf32>,
      %add3A_56 = arith.constant 1 : i32
      %add3A_57 = arith.addi %mul3A_39, %add3A_56 : i32
      %get3A_58 = arith.index_cast %add3A_57 : i32 to index
      %get3A_59 = arith.index_cast %mul3A_53 : i32 to index
      %get3A_60 = tpu.vector_load %arg7[%get3A_58, %get3A_59] {strides = array<i32>} : memref<32x1000xf32, #tpu.memory_space<vmem>>, vector<16xf32>,
      %pack3A = tpu.pack_subelements %get3A_55, %get3A_60 {pack_format = #tpu.pack_format<interleaved>, positions = array<i32: 0, 1>} : vector<16xf32>, vector<16xf32> -> vector<32xbf16>
      %bitcast3A = vector.bitcast %pack3A : vector<32xbf16> to vector<16xi32>
      %add3A_61 = arith.addi %mul3A_43, %mul3A_53 : i32
      %swap3A_62 = arith.index_cast %add3A_61 : i32 to index
      %swap3A_63 = tpu.vector_load %arg6[%swap3A_62] {strides = array<i32>} : memref<64000xi32, #tpu.memory_space<vmem>>, vector<16xi32>,
      tpu.vector_store %arg6[%swap3A_62], %bitcast3A {strides = array<i32>} : memref<64000xi32, #tpu.memory_space<vmem>>, vector<16xi32>,
      %scan3A_64 = arith.constant 0 : i32
      %scan3A_65 = arith.constant 57 : i32
      %scan3A_66 = arith.addi %scan3A_45, %scan3A_65 : i32
      %mul3A_67 = arith.constant 16 : i32
      %mul3A_68 = arith.muli %scan3A_66, %mul3A_67 : i32
      %get3A_69 = arith.index_cast %mul3A_39 : i32 to index
      %get3A_70 = arith.index_cast %mul3A_68 : i32 to index
      %get3A_71 = tpu.vector_load %arg7[%get3A_69, %get3A_70] {strides = array<i32>} : memref<32x1000xf32, #tpu.memory_space<vmem>>, vector<16xf32>,
      %add3A_72 = arith.constant 1 : i32
      %add3A_73 = arith.addi %mul3A_39, %add3A_72 : i32
      %get3A_74 = arith.index_cast %add3A_73 : i32 to index
      %get3A_75 = arith.index_cast %mul3A_68 : i32 to index
      %get3A_76 = tpu.vector_load %arg7[%get3A_74, %get3A_75] {strides = array<i32>} : memref<32x1000xf32, #tpu.memory_space<vmem>>, vector<16xf32>,
      %pack3A_77 = tpu.pack_subelements %get3A_71, %get3A_76 {pack_format = #tpu.pack_format<interleaved>, positions = array<i32: 0, 1>} : vector<16xf32>, vector<16xf32> -> vector<32xbf16>
      %bitcast3A_78 = vector.bitcast %pack3A_77 : vector<32xbf16> to vector<16xi32>
      %add3A_79 = arith.addi %mul3A_43, %mul3A_68 : i32
      %swap3A_80 = arith.index_cast %add3A_79 : i32 to index
      %swap3A_81 = tpu.vector_load %arg6[%swap3A_80] {strides = array<i32>} : memref<64000xi32, #tpu.memory_space<vmem>>, vector<16xi32>,
      tpu.vector_store %arg6[%swap3A_80], %bitcast3A_78 {strides = array<i32>} : memref<64000xi32, #tpu.memory_space<vmem>>, vector<16xi32>,
      %scan3A_82 = arith.constant 0 : i32
      %scan3A_83 = arith.constant 58 : i32
      %scan3A_84 = arith.addi %scan3A_45, %scan3A_83 : i32
      %mul3A_85 = arith.constant 16 : i32
      %mul3A_86 = arith.muli %scan3A_84, %mul3A_85 : i32
      %get3A_87 = arith.index_cast %mul3A_39 : i32 to index
      %get3A_88 = arith.index_cast %mul3A_86 : i32 to index
      %get3A_89 = tpu.vector_load %arg7[%get3A_87, %get3A_88] {strides = array<i32>} : memref<32x1000xf32, #tpu.memory_space<vmem>>, vector<16xf32>,
      %add3A_90 = arith.constant 1 : i32
      %add3A_91 = arith.addi %mul3A_39, %add3A_90 : i32
      %get3A_92 = arith.index_cast %add3A_91 : i32 to index
      %get3A_93 = arith.index_cast %mul3A_86 : i32 to index
      %get3A_94 = tpu.vector_load %arg7[%get3A_92, %get3A_93] {strides = array<i32>} : memref<32x1000xf32, #tpu.memory_space<vmem>>, vector<16xf32>,
      %pack3A_95 = tpu.pack_subelements %get3A_89, %get3A_94 {pack_format = #tpu.pack_format<interleaved>, positions = array<i32: 0, 1>} : vector<16xf32>, vector<16xf32> -> vector<32xbf16>
      %bitcast3A_96 = vector.bitcast %pack3A_95 : vector<32xbf16> to vector<16xi32>
      %add3A_97 = arith.addi %mul3A_43, %mul3A_86 : i32
      %swap3A_98 = arith.index_cast %add3A_97 : i32 to index
      %swap3A_99 = tpu.vector_load %arg6[%swap3A_98] {strides = array<i32>} : memref<64000xi32, #tpu.memory_space<vmem>>, vector<16xi32>,
      tpu.vector_store %arg6[%swap3A_98], %bitcast3A_96 {strides = array<i32>} : memref<64000xi32, #tpu.memory_space<vmem>>, vector<16xi32>,
      %scan3A_100 = arith.constant 0 : i32
      %scan3A_101 = arith.constant 59 : i32
      %scan3A_102 = arith.addi %scan3A_45, %scan3A_101 : i32
      %mul3A_103 = arith.constant 16 : i32
      %mul3A_104 = arith.muli %scan3A_102, %mul3A_103 : i32
      %get3A_105 = arith.index_cast %mul3A_39 : i32 to index
      %get3A_106 = arith.index_cast %mul3A_104 : i32 to index
      %get3A_107 = tpu.vector_load %arg7[%get3A_105, %get3A_106] {strides = array<i32>} : memref<32x1000xf32, #tpu.memory_space<vmem>>, vector<16xf32>,
      %add3A_108 = arith.constant 1 : i32
      %add3A_109 = arith.addi %mul3A_39, %add3A_108 : i32
      %get3A_110 = arith.index_cast %add3A_109 : i32 to index
      %get3A_111 = arith.index_cast %mul3A_104 : i32 to index
      %get3A_112 = tpu.vector_load %arg7[%get3A_110, %get3A_111] {strides = array<i32>} : memref<32x1000xf32, #tpu.memory_space<vmem>>, vector<16xf32>,
      %pack3A_113 = tpu.pack_subelements %get3A_107, %get3A_112 {pack_format = #tpu.pack_format<interleaved>, positions = array<i32: 0, 1>} : vector<16xf32>, vector<16xf32> -> vector<32xbf16>
      %bitcast3A_114 = vector.bitcast %pack3A_113 : vector<32xbf16> to vector<16xi32>
      %add3A_115 = arith.addi %mul3A_43, %mul3A_104 : i32
      %swap3A_116 = arith.index_cast %add3A_115 : i32 to index
      %swap3A_117 = tpu.vector_load %arg6[%swap3A_116] {strides = array<i32>} : memref<64000xi32, #tpu.memory_space<vmem>>, vector<16xi32>,
      tpu.vector_store %arg6[%swap3A_116], %bitcast3A_114 {strides = array<i32>} : memref<64000xi32, #tpu.memory_space<vmem>>, vector<16xi32>,
      %scan3A_118 = arith.constant 0 : i32
      %scan3A_119 = arith.constant 60 : i32
      %scan3A_120 = arith.addi %scan3A_45, %scan3A_119 : i32
      %mul3A_121 = arith.constant 16 : i32
      %mul3A_122 = arith.muli %scan3A_120, %mul3A_121 : i32
      %get3A_123 = arith.index_cast %mul3A_39 : i32 to index
      %get3A_124 = arith.index_cast %mul3A_122 : i32 to index
      %get3A_125 = tpu.vector_load %arg7[%get3A_123, %get3A_124] {strides = array<i32>} : memref<32x1000xf32, #tpu.memory_space<vmem>>, vector<16xf32>,
      %add3A_126 = arith.constant 1 : i32
      %add3A_127 = arith.addi %mul3A_39, %add3A_126 : i32
      %get3A_128 = arith.index_cast %add3A_127 : i32 to index
      %get3A_129 = arith.index_cast %mul3A_122 : i32 to index
      %get3A_130 = tpu.vector_load %arg7[%get3A_128, %get3A_129] {strides = array<i32>} : memref<32x1000xf32, #tpu.memory_space<vmem>>, vector<16xf32>,
      %pack3A_131 = tpu.pack_subelements %get3A_125, %get3A_130 {pack_format = #tpu.pack_format<interleaved>, positions = array<i32: 0, 1>} : vector<16xf32>, vector<16xf32> -> vector<32xbf16>
      %bitcast3A_132 = vector.bitcast %pack3A_131 : vector<32xbf16> to vector<16xi32>
      %add3A_133 = arith.addi %mul3A_43, %mul3A_122 : i32
      %swap3A_134 = arith.index_cast %add3A_133 : i32 to index
      %swap3A_135 = tpu.vector_load %arg6[%swap3A_134] {strides = array<i32>} : memref<64000xi32, #tpu.memory_space<vmem>>, vector<16xi32>,
      tpu.vector_store %arg6[%swap3A_134], %bitcast3A_132 {strides = array<i32>} : memref<64000xi32, #tpu.memory_space<vmem>>, vector<16xi32>,
      %scan3A_136 = arith.constant 0 : i32
      %scan3A_137 = arith.constant 61 : i32
      %scan3A_138 = arith.addi %scan3A_45, %scan3A_137 : i32
      %mul3A_139 = arith.constant 16 : i32
      %mul3A_140 = arith.muli %scan3A_138, %mul3A_139 : i32
      %get3A_141 = arith.index_cast %mul3A_39 : i32 to index
      %get3A_142 = arith.index_cast %mul3A_140 : i32 to index
      %get3A_143 = tpu.vector_load %arg7[%get3A_141, %get3A_142] {strides = array<i32>} : memref<32x1000xf32, #tpu.memory_space<vmem>>, vector<16xf32>,
      %add3A_144 = arith.constant 1 : i32
      %add3A_145 = arith.addi %mul3A_39, %add3A_144 : i32
      %get3A_146 = arith.index_cast %add3A_145 : i32 to index
      %get3A_147 = arith.index_cast %mul3A_140 : i32 to index
      %get3A_148 = tpu.vector_load %arg7[%get3A_146, %get3A_147] {strides = array<i32>} : memref<32x1000xf32, #tpu.memory_space<vmem>>, vector<16xf32>,
      %pack3A_149 = tpu.pack_subelements %get3A_143, %get3A_148 {pack_format = #tpu.pack_format<interleaved>, positions = array<i32: 0, 1>} : vector<16xf32>, vector<16xf32> -> vector<32xbf16>
      %bitcast3A_150 = vector.bitcast %pack3A_149 : vector<32xbf16> to vector<16xi32>
      %add3A_151 = arith.addi %mul3A_43, %mul3A_140 : i32
      %swap3A_152 = arith.index_cast %add3A_151 : i32 to index
      %swap3A_153 = tpu.vector_load %arg6[%swap3A_152] {strides = array<i32>} : memref<64000xi32, #tpu.memory_space<vmem>>, vector<16xi32>,
      tpu.vector_store %arg6[%swap3A_152], %bitcast3A_150 {strides = array<i32>} : memref<64000xi32, #tpu.memory_space<vmem>>, vector<16xi32>,
      %scan3A_154 = arith.constant 0 : i32
      %scan3A_155 = arith.constant 62 : i32
      %get3A_156 = arith.index_cast %mul3A_39 : i32 to index
      %get3A_157 = arith.constant 984 : index
      %get3A_158 = tpu.vector_load %arg7[%get3A_156, %get3A_157] {strides = array<i32>} : memref<32x1000xf32, #tpu.memory_space<vmem>>, vector<16xf32>,
      %add3A_159 = arith.constant 1 : i32
      %add3A_160 = arith.addi %mul3A_39, %add3A_159 : i32
      %get3A_161 = arith.index_cast %add3A_160 : i32 to index
      %get3A_162 = arith.constant 984 : index
      %get3A_163 = tpu.vector_load %arg7[%get3A_161, %get3A_162] {strides = array<i32>} : memref<32x1000xf32, #tpu.memory_space<vmem>>, vector<16xf32>,
      %pack3A_164 = tpu.pack_subelements %get3A_158, %get3A_163 {pack_format = #tpu.pack_format<interleaved>, positions = array<i32: 0, 1>} : vector<16xf32>, vector<16xf32> -> vector<32xbf16>
      %bitcast3A_165 = vector.bitcast %pack3A_164 : vector<32xbf16> to vector<16xi32>
      %add3A_166 = arith.constant 984 : i32
      %add3A_167 = arith.addi %mul3A_43, %add3A_166 : i32
      %swap3A_168 = arith.index_cast %add3A_167 : i32 to index
      %swap3A_169 = tpu.vector_load %arg6[%swap3A_168] {strides = array<i32>} : memref<64000xi32, #tpu.memory_space<vmem>>, vector<16xi32>,
      tpu.vector_store %arg6[%swap3A_168], %bitcast3A_165 {strides = array<i32>} : memref<64000xi32, #tpu.memory_space<vmem>>, vector<16xi32>,
      %scan3A_170 = arith.constant 0 : i32
      scf.yield %scan3A_170 : i32
    }
    %scan3A_20 = arith.constant 16 : i32
    "tpu.region"() ({
      %run_scoped3A = tpu.sem_alloc : memref<!tpu.dma_semaphore, #tpu.memory_space<semaphore_mem>>
      %dma_start3A = arith.constant 96 : i32
      %dma_start3A_36 = arith.constant 0 : i32
      %dma_start3A_37 = tpu.memref_slice %arg2[%add3A, %dma_start3A, %dma_start3A_36] : memref<32x128x1000xf32, #tpu.memory_space<hbm>> -> memref<1x32x1000xf32, #tpu.memory_space<hbm>>
      %dma_start3A_38 = tpu.memref_squeeze %dma_start3A_37 : memref<1x32x1000xf32, #tpu.memory_space<hbm>> -> memref<32x1000xf32, #tpu.memory_space<hbm>>
      %dma_start3A_39 = arith.constant 96 : i32
      %dma_start3A_40 = arith.constant 0 : i32
      %dma_start3A_41 = tpu.memref_slice %arg2[%add3A, %dma_start3A_39, %dma_start3A_40] : memref<32x128x1000xf32, #tpu.memory_space<hbm>> -> memref<1x32x1000xf32, #tpu.memory_space<hbm>>
      %dma_start3A_42 = tpu.memref_squeeze %dma_start3A_41 : memref<1x32x1000xf32, #tpu.memory_space<hbm>> -> memref<32x1000xf32, #tpu.memory_space<hbm>>
      tpu.enqueue_dma source(%dma_start3A_42 : memref<32x1000xf32, #tpu.memory_space<hbm>>) target(%arg7 : memref<32x1000xf32, #tpu.memory_space<vmem>>) target_semaphore(%run_scoped3A : memref<!tpu.dma_semaphore, #tpu.memory_space<semaphore_mem>>)
      %dma_wait3A = arith.constant 96 : i32
      %dma_wait3A_43 = arith.constant 0 : i32
      %dma_wait3A_44 = tpu.memref_slice %arg2[%add3A, %dma_wait3A, %dma_wait3A_43] : memref<32x128x1000xf32, #tpu.memory_space<hbm>> -> memref<1x32x1000xf32, #tpu.memory_space<hbm>>
      %dma_wait3A_45 = tpu.memref_squeeze %dma_wait3A_44 : memref<1x32x1000xf32, #tpu.memory_space<hbm>> -> memref<32x1000xf32, #tpu.memory_space<hbm>>
      %dma_wait3A_46 = arith.constant 96 : i32
      %dma_wait3A_47 = arith.constant 0 : i32
      %dma_wait3A_48 = tpu.memref_slice %arg2[%add3A, %dma_wait3A_46, %dma_wait3A_47] : memref<32x128x1000xf32, #tpu.memory_space<hbm>> -> memref<1x32x1000xf32, #tpu.memory_space<hbm>>
      %dma_wait3A_49 = tpu.memref_squeeze %dma_wait3A_48 : memref<1x32x1000xf32, #tpu.memory_space<hbm>> -> memref<32x1000xf32, #tpu.memory_space<hbm>>
      tpu.wait_dma2 semaphore(%run_scoped3A : memref<!tpu.dma_semaphore, #tpu.memory_space<semaphore_mem>>) src(%dma_wait3A_49 : memref<32x1000xf32, #tpu.memory_space<hbm>>) dst(%arg7 : memref<32x1000xf32, #tpu.memory_space<vmem>>)
      tpu.yield
    }) : () -> ()
    %scan3A_21 = arith.constant 0 : i32
    %scan3A_22 = arith.constant 0 : i32
    %scan3A_23 = arith.constant 16 : i32
    %scan3A_24 = arith.addi %scan3A_22, %scan3A_23 : i32
    %scan3A_25 = arith.constant 1 : i32
    %scan3A_26 = scf.for %scan3A_36 = %scan3A_22 to %scan3A_24 step %scan3A_25 iter_args(%scan3A_37 = %scan3A_21) -> (i32)  : i32 {
      %mul3A_38 = arith.constant 2 : i32
      %mul3A_39 = arith.muli %mul3A_38, %scan3A_36 : i32
      %add3A_40 = arith.constant 48 : i32
      %add3A_41 = arith.addi %add3A_40, %scan3A_36 : i32
      %mul3A_42 = arith.constant 1000 : i32
      %mul3A_43 = arith.muli %add3A_41, %mul3A_42 : i32
      %scan3A_44 = arith.constant 0 : i32
      %scan3A_45 = arith.constant 0 : i32
      %scan3A_46 = arith.constant 56 : i32
      %scan3A_47 = arith.addi %scan3A_45, %scan3A_46 : i32
      %scan3A_48 = arith.constant 8 : i32
      %scan3A_49 = scf.for %scan3A_171 = %scan3A_45 to %scan3A_47 step %scan3A_48 iter_args(%scan3A_172 = %scan3A_44) -> (i32)  : i32 {
        %mul3A_173 = arith.constant 16 : i32
        %mul3A_174 = arith.muli %scan3A_171, %mul3A_173 : i32
        %get3A_175 = arith.index_cast %mul3A_39 : i32 to index
        %get3A_176 = arith.index_cast %mul3A_174 : i32 to index
        %get3A_177 = tpu.vector_load %arg7[%get3A_175, %get3A_176] {strides = array<i32>} : memref<32x1000xf32, #tpu.memory_space<vmem>>, vector<16xf32>,
        %add3A_178 = arith.constant 1 : i32
        %add3A_179 = arith.addi %mul3A_39, %add3A_178 : i32
        %get3A_180 = arith.index_cast %add3A_179 : i32 to index
        %get3A_181 = arith.index_cast %mul3A_174 : i32 to index
        %get3A_182 = tpu.vector_load %arg7[%get3A_180, %get3A_181] {strides = array<i32>} : memref<32x1000xf32, #tpu.memory_space<vmem>>, vector<16xf32>,
        %pack3A_183 = tpu.pack_subelements %get3A_177, %get3A_182 {pack_format = #tpu.pack_format<interleaved>, positions = array<i32: 0, 1>} : vector<16xf32>, vector<16xf32> -> vector<32xbf16>
        %bitcast3A_184 = vector.bitcast %pack3A_183 : vector<32xbf16> to vector<16xi32>
        %add3A_185 = arith.addi %mul3A_43, %mul3A_174 : i32
        %swap3A_186 = arith.index_cast %add3A_185 : i32 to index
        %swap3A_187 = tpu.vector_load %arg6[%swap3A_186] {strides = array<i32>} : memref<64000xi32, #tpu.memory_space<vmem>>, vector<16xi32>,
        tpu.vector_store %arg6[%swap3A_186], %bitcast3A_184 {strides = array<i32>} : memref<64000xi32, #tpu.memory_space<vmem>>, vector<16xi32>,
        %scan3A_188 = arith.constant 0 : i32
        %scan3A_189 = arith.constant 1 : i32
        %scan3A_190 = arith.addi %scan3A_171, %scan3A_189 : i32
        %mul3A_191 = arith.constant 16 : i32
        %mul3A_192 = arith.muli %scan3A_190, %mul3A_191 : i32
        %get3A_193 = arith.index_cast %mul3A_39 : i32 to index
        %get3A_194 = arith.index_cast %mul3A_192 : i32 to index
        %get3A_195 = tpu.vector_load %arg7[%get3A_193, %get3A_194] {strides = array<i32>} : memref<32x1000xf32, #tpu.memory_space<vmem>>, vector<16xf32>,
        %add3A_196 = arith.constant 1 : i32
        %add3A_197 = arith.addi %mul3A_39, %add3A_196 : i32
        %get3A_198 = arith.index_cast %add3A_197 : i32 to index
        %get3A_199 = arith.index_cast %mul3A_192 : i32 to index
        %get3A_200 = tpu.vector_load %arg7[%get3A_198, %get3A_199] {strides = array<i32>} : memref<32x1000xf32, #tpu.memory_space<vmem>>, vector<16xf32>,
        %pack3A_201 = tpu.pack_subelements %get3A_195, %get3A_200 {pack_format = #tpu.pack_format<interleaved>, positions = array<i32: 0, 1>} : vector<16xf32>, vector<16xf32> -> vector<32xbf16>
        %bitcast3A_202 = vector.bitcast %pack3A_201 : vector<32xbf16> to vector<16xi32>
        %add3A_203 = arith.addi %mul3A_43, %mul3A_192 : i32
        %swap3A_204 = arith.index_cast %add3A_203 : i32 to index
        %swap3A_205 = tpu.vector_load %arg6[%swap3A_204] {strides = array<i32>} : memref<64000xi32, #tpu.memory_space<vmem>>, vector<16xi32>,
        tpu.vector_store %arg6[%swap3A_204], %bitcast3A_202 {strides = array<i32>} : memref<64000xi32, #tpu.memory_space<vmem>>, vector<16xi32>,
        %scan3A_206 = arith.constant 0 : i32
        %scan3A_207 = arith.constant 2 : i32
        %scan3A_208 = arith.addi %scan3A_171, %scan3A_207 : i32
        %mul3A_209 = arith.constant 16 : i32
        %mul3A_210 = arith.muli %scan3A_208, %mul3A_209 : i32
        %get3A_211 = arith.index_cast %mul3A_39 : i32 to index
        %get3A_212 = arith.index_cast %mul3A_210 : i32 to index
        %get3A_213 = tpu.vector_load %arg7[%get3A_211, %get3A_212] {strides = array<i32>} : memref<32x1000xf32, #tpu.memory_space<vmem>>, vector<16xf32>,
        %add3A_214 = arith.constant 1 : i32
        %add3A_215 = arith.addi %mul3A_39, %add3A_214 : i32
        %get3A_216 = arith.index_cast %add3A_215 : i32 to index
        %get3A_217 = arith.index_cast %mul3A_210 : i32 to index
        %get3A_218 = tpu.vector_load %arg7[%get3A_216, %get3A_217] {strides = array<i32>} : memref<32x1000xf32, #tpu.memory_space<vmem>>, vector<16xf32>,
        %pack3A_219 = tpu.pack_subelements %get3A_213, %get3A_218 {pack_format = #tpu.pack_format<interleaved>, positions = array<i32: 0, 1>} : vector<16xf32>, vector<16xf32> -> vector<32xbf16>
        %bitcast3A_220 = vector.bitcast %pack3A_219 : vector<32xbf16> to vector<16xi32>
        %add3A_221 = arith.addi %mul3A_43, %mul3A_210 : i32
        %swap3A_222 = arith.index_cast %add3A_221 : i32 to index
        %swap3A_223 = tpu.vector_load %arg6[%swap3A_222] {strides = array<i32>} : memref<64000xi32, #tpu.memory_space<vmem>>, vector<16xi32>,
        tpu.vector_store %arg6[%swap3A_222], %bitcast3A_220 {strides = array<i32>} : memref<64000xi32, #tpu.memory_space<vmem>>, vector<16xi32>,
        %scan3A_224 = arith.constant 0 : i32
        %scan3A_225 = arith.constant 3 : i32
        %scan3A_226 = arith.addi %scan3A_171, %scan3A_225 : i32
        %mul3A_227 = arith.constant 16 : i32
        %mul3A_228 = arith.muli %scan3A_226, %mul3A_227 : i32
        %get3A_229 = arith.index_cast %mul3A_39 : i32 to index
        %get3A_230 = arith.index_cast %mul3A_228 : i32 to index
        %get3A_231 = tpu.vector_load %arg7[%get3A_229, %get3A_230] {strides = array<i32>} : memref<32x1000xf32, #tpu.memory_space<vmem>>, vector<16xf32>,
        %add3A_232 = arith.constant 1 : i32
        %add3A_233 = arith.addi %mul3A_39, %add3A_232 : i32
        %get3A_234 = arith.index_cast %add3A_233 : i32 to index
        %get3A_235 = arith.index_cast %mul3A_228 : i32 to index
        %get3A_236 = tpu.vector_load %arg7[%get3A_234, %get3A_235] {strides = array<i32>} : memref<32x1000xf32, #tpu.memory_space<vmem>>, vector<16xf32>,
        %pack3A_237 = tpu.pack_subelements %get3A_231, %get3A_236 {pack_format = #tpu.pack_format<interleaved>, positions = array<i32: 0, 1>} : vector<16xf32>, vector<16xf32> -> vector<32xbf16>
        %bitcast3A_238 = vector.bitcast %pack3A_237 : vector<32xbf16> to vector<16xi32>
        %add3A_239 = arith.addi %mul3A_43, %mul3A_228 : i32
        %swap3A_240 = arith.index_cast %add3A_239 : i32 to index
        %swap3A_241 = tpu.vector_load %arg6[%swap3A_240] {strides = array<i32>} : memref<64000xi32, #tpu.memory_space<vmem>>, vector<16xi32>,
        tpu.vector_store %arg6[%swap3A_240], %bitcast3A_238 {strides = array<i32>} : memref<64000xi32, #tpu.memory_space<vmem>>, vector<16xi32>,
        %scan3A_242 = arith.constant 0 : i32
        %scan3A_243 = arith.constant 4 : i32
        %scan3A_244 = arith.addi %scan3A_171, %scan3A_243 : i32
        %mul3A_245 = arith.constant 16 : i32
        %mul3A_246 = arith.muli %scan3A_244, %mul3A_245 : i32
        %get3A_247 = arith.index_cast %mul3A_39 : i32 to index
        %get3A_248 = arith.index_cast %mul3A_246 : i32 to index
        %get3A_249 = tpu.vector_load %arg7[%get3A_247, %get3A_248] {strides = array<i32>} : memref<32x1000xf32, #tpu.memory_space<vmem>>, vector<16xf32>,
        %add3A_250 = arith.constant 1 : i32
        %add3A_251 = arith.addi %mul3A_39, %add3A_250 : i32
        %get3A_252 = arith.index_cast %add3A_251 : i32 to index
        %get3A_253 = arith.index_cast %mul3A_246 : i32 to index
        %get3A_254 = tpu.vector_load %arg7[%get3A_252, %get3A_253] {strides = array<i32>} : memref<32x1000xf32, #tpu.memory_space<vmem>>, vector<16xf32>,
        %pack3A_255 = tpu.pack_subelements %get3A_249, %get3A_254 {pack_format = #tpu.pack_format<interleaved>, positions = array<i32: 0, 1>} : vector<16xf32>, vector<16xf32> -> vector<32xbf16>
        %bitcast3A_256 = vector.bitcast %pack3A_255 : vector<32xbf16> to vector<16xi32>
        %add3A_257 = arith.addi %mul3A_43, %mul3A_246 : i32
        %swap3A_258 = arith.index_cast %add3A_257 : i32 to index
        %swap3A_259 = tpu.vector_load %arg6[%swap3A_258] {strides = array<i32>} : memref<64000xi32, #tpu.memory_space<vmem>>, vector<16xi32>,
        tpu.vector_store %arg6[%swap3A_258], %bitcast3A_256 {strides = array<i32>} : memref<64000xi32, #tpu.memory_space<vmem>>, vector<16xi32>,
        %scan3A_260 = arith.constant 0 : i32
        %scan3A_261 = arith.constant 5 : i32
        %scan3A_262 = arith.addi %scan3A_171, %scan3A_261 : i32
        %mul3A_263 = arith.constant 16 : i32
        %mul3A_264 = arith.muli %scan3A_262, %mul3A_263 : i32
        %get3A_265 = arith.index_cast %mul3A_39 : i32 to index
        %get3A_266 = arith.index_cast %mul3A_264 : i32 to index
        %get3A_267 = tpu.vector_load %arg7[%get3A_265, %get3A_266] {strides = array<i32>} : memref<32x1000xf32, #tpu.memory_space<vmem>>, vector<16xf32>,
        %add3A_268 = arith.constant 1 : i32
        %add3A_269 = arith.addi %mul3A_39, %add3A_268 : i32
        %get3A_270 = arith.index_cast %add3A_269 : i32 to index
        %get3A_271 = arith.index_cast %mul3A_264 : i32 to index
        %get3A_272 = tpu.vector_load %arg7[%get3A_270, %get3A_271] {strides = array<i32>} : memref<32x1000xf32, #tpu.memory_space<vmem>>, vector<16xf32>,
        %pack3A_273 = tpu.pack_subelements %get3A_267, %get3A_272 {pack_format = #tpu.pack_format<interleaved>, positions = array<i32: 0, 1>} : vector<16xf32>, vector<16xf32> -> vector<32xbf16>
        %bitcast3A_274 = vector.bitcast %pack3A_273 : vector<32xbf16> to vector<16xi32>
        %add3A_275 = arith.addi %mul3A_43, %mul3A_264 : i32
        %swap3A_276 = arith.index_cast %add3A_275 : i32 to index
        %swap3A_277 = tpu.vector_load %arg6[%swap3A_276] {strides = array<i32>} : memref<64000xi32, #tpu.memory_space<vmem>>, vector<16xi32>,
        tpu.vector_store %arg6[%swap3A_276], %bitcast3A_274 {strides = array<i32>} : memref<64000xi32, #tpu.memory_space<vmem>>, vector<16xi32>,
        %scan3A_278 = arith.constant 0 : i32
        %scan3A_279 = arith.constant 6 : i32
        %scan3A_280 = arith.addi %scan3A_171, %scan3A_279 : i32
        %mul3A_281 = arith.constant 16 : i32
        %mul3A_282 = arith.muli %scan3A_280, %mul3A_281 : i32
        %get3A_283 = arith.index_cast %mul3A_39 : i32 to index
        %get3A_284 = arith.index_cast %mul3A_282 : i32 to index
        %get3A_285 = tpu.vector_load %arg7[%get3A_283, %get3A_284] {strides = array<i32>} : memref<32x1000xf32, #tpu.memory_space<vmem>>, vector<16xf32>,
        %add3A_286 = arith.constant 1 : i32
        %add3A_287 = arith.addi %mul3A_39, %add3A_286 : i32
        %get3A_288 = arith.index_cast %add3A_287 : i32 to index
        %get3A_289 = arith.index_cast %mul3A_282 : i32 to index
        %get3A_290 = tpu.vector_load %arg7[%get3A_288, %get3A_289] {strides = array<i32>} : memref<32x1000xf32, #tpu.memory_space<vmem>>, vector<16xf32>,
        %pack3A_291 = tpu.pack_subelements %get3A_285, %get3A_290 {pack_format = #tpu.pack_format<interleaved>, positions = array<i32: 0, 1>} : vector<16xf32>, vector<16xf32> -> vector<32xbf16>
        %bitcast3A_292 = vector.bitcast %pack3A_291 : vector<32xbf16> to vector<16xi32>
        %add3A_293 = arith.addi %mul3A_43, %mul3A_282 : i32
        %swap3A_294 = arith.index_cast %add3A_293 : i32 to index
        %swap3A_295 = tpu.vector_load %arg6[%swap3A_294] {strides = array<i32>} : memref<64000xi32, #tpu.memory_space<vmem>>, vector<16xi32>,
        tpu.vector_store %arg6[%swap3A_294], %bitcast3A_292 {strides = array<i32>} : memref<64000xi32, #tpu.memory_space<vmem>>, vector<16xi32>,
        %scan3A_296 = arith.constant 0 : i32
        %scan3A_297 = arith.constant 7 : i32
        %scan3A_298 = arith.addi %scan3A_171, %scan3A_297 : i32
        %mul3A_299 = arith.constant 16 : i32
        %mul3A_300 = arith.muli %scan3A_298, %mul3A_299 : i32
        %get3A_301 = arith.index_cast %mul3A_39 : i32 to index
        %get3A_302 = arith.index_cast %mul3A_300 : i32 to index
        %get3A_303 = tpu.vector_load %arg7[%get3A_301, %get3A_302] {strides = array<i32>} : memref<32x1000xf32, #tpu.memory_space<vmem>>, vector<16xf32>,
        %add3A_304 = arith.constant 1 : i32
        %add3A_305 = arith.addi %mul3A_39, %add3A_304 : i32
        %get3A_306 = arith.index_cast %add3A_305 : i32 to index
        %get3A_307 = arith.index_cast %mul3A_300 : i32 to index
        %get3A_308 = tpu.vector_load %arg7[%get3A_306, %get3A_307] {strides = array<i32>} : memref<32x1000xf32, #tpu.memory_space<vmem>>, vector<16xf32>,
        %pack3A_309 = tpu.pack_subelements %get3A_303, %get3A_308 {pack_format = #tpu.pack_format<interleaved>, positions = array<i32: 0, 1>} : vector<16xf32>, vector<16xf32> -> vector<32xbf16>
        %bitcast3A_310 = vector.bitcast %pack3A_309 : vector<32xbf16> to vector<16xi32>
        %add3A_311 = arith.addi %mul3A_43, %mul3A_300 : i32
        %swap3A_312 = arith.index_cast %add3A_311 : i32 to index
        %swap3A_313 = tpu.vector_load %arg6[%swap3A_312] {strides = array<i32>} : memref<64000xi32, #tpu.memory_space<vmem>>, vector<16xi32>,
        tpu.vector_store %arg6[%swap3A_312], %bitcast3A_310 {strides = array<i32>} : memref<64000xi32, #tpu.memory_space<vmem>>, vector<16xi32>,
        %scan3A_314 = arith.constant 0 : i32
        scf.yield %scan3A_314 : i32
      }
      %scan3A_50 = arith.constant 56 : i32
      %scan3A_51 = arith.addi %scan3A_45, %scan3A_50 : i32
      %mul3A_52 = arith.constant 16 : i32
      %mul3A_53 = arith.muli %scan3A_51, %mul3A_52 : i32
      %get3A = arith.index_cast %mul3A_39 : i32 to index
      %get3A_54 = arith.index_cast %mul3A_53 : i32 to index
      %get3A_55 = tpu.vector_load %arg7[%get3A, %get3A_54] {strides = array<i32>} : memref<32x1000xf32, #tpu.memory_space<vmem>>, vector<16xf32>,
      %add3A_56 = arith.constant 1 : i32
      %add3A_57 = arith.addi %mul3A_39, %add3A_56 : i32
      %get3A_58 = arith.index_cast %add3A_57 : i32 to index
      %get3A_59 = arith.index_cast %mul3A_53 : i32 to index
      %get3A_60 = tpu.vector_load %arg7[%get3A_58, %get3A_59] {strides = array<i32>} : memref<32x1000xf32, #tpu.memory_space<vmem>>, vector<16xf32>,
      %pack3A = tpu.pack_subelements %get3A_55, %get3A_60 {pack_format = #tpu.pack_format<interleaved>, positions = array<i32: 0, 1>} : vector<16xf32>, vector<16xf32> -> vector<32xbf16>
      %bitcast3A = vector.bitcast %pack3A : vector<32xbf16> to vector<16xi32>
      %add3A_61 = arith.addi %mul3A_43, %mul3A_53 : i32
      %swap3A_62 = arith.index_cast %add3A_61 : i32 to index
      %swap3A_63 = tpu.vector_load %arg6[%swap3A_62] {strides = array<i32>} : memref<64000xi32, #tpu.memory_space<vmem>>, vector<16xi32>,
      tpu.vector_store %arg6[%swap3A_62], %bitcast3A {strides = array<i32>} : memref<64000xi32, #tpu.memory_space<vmem>>, vector<16xi32>,
      %scan3A_64 = arith.constant 0 : i32
      %scan3A_65 = arith.constant 57 : i32
      %scan3A_66 = arith.addi %scan3A_45, %scan3A_65 : i32
      %mul3A_67 = arith.constant 16 : i32
      %mul3A_68 = arith.muli %scan3A_66, %mul3A_67 : i32
      %get3A_69 = arith.index_cast %mul3A_39 : i32 to index
      %get3A_70 = arith.index_cast %mul3A_68 : i32 to index
      %get3A_71 = tpu.vector_load %arg7[%get3A_69, %get3A_70] {strides = array<i32>} : memref<32x1000xf32, #tpu.memory_space<vmem>>, vector<16xf32>,
      %add3A_72 = arith.constant 1 : i32
      %add3A_73 = arith.addi %mul3A_39, %add3A_72 : i32
      %get3A_74 = arith.index_cast %add3A_73 : i32 to index
      %get3A_75 = arith.index_cast %mul3A_68 : i32 to index
      %get3A_76 = tpu.vector_load %arg7[%get3A_74, %get3A_75] {strides = array<i32>} : memref<32x1000xf32, #tpu.memory_space<vmem>>, vector<16xf32>,
      %pack3A_77 = tpu.pack_subelements %get3A_71, %get3A_76 {pack_format = #tpu.pack_format<interleaved>, positions = array<i32: 0, 1>} : vector<16xf32>, vector<16xf32> -> vector<32xbf16>
      %bitcast3A_78 = vector.bitcast %pack3A_77 : vector<32xbf16> to vector<16xi32>
      %add3A_79 = arith.addi %mul3A_43, %mul3A_68 : i32
      %swap3A_80 = arith.index_cast %add3A_79 : i32 to index
      %swap3A_81 = tpu.vector_load %arg6[%swap3A_80] {strides = array<i32>} : memref<64000xi32, #tpu.memory_space<vmem>>, vector<16xi32>,
      tpu.vector_store %arg6[%swap3A_80], %bitcast3A_78 {strides = array<i32>} : memref<64000xi32, #tpu.memory_space<vmem>>, vector<16xi32>,
      %scan3A_82 = arith.constant 0 : i32
      %scan3A_83 = arith.constant 58 : i32
      %scan3A_84 = arith.addi %scan3A_45, %scan3A_83 : i32
      %mul3A_85 = arith.constant 16 : i32
      %mul3A_86 = arith.muli %scan3A_84, %mul3A_85 : i32
      %get3A_87 = arith.index_cast %mul3A_39 : i32 to index
      %get3A_88 = arith.index_cast %mul3A_86 : i32 to index
      %get3A_89 = tpu.vector_load %arg7[%get3A_87, %get3A_88] {strides = array<i32>} : memref<32x1000xf32, #tpu.memory_space<vmem>>, vector<16xf32>,
      %add3A_90 = arith.constant 1 : i32
      %add3A_91 = arith.addi %mul3A_39, %add3A_90 : i32
      %get3A_92 = arith.index_cast %add3A_91 : i32 to index
      %get3A_93 = arith.index_cast %mul3A_86 : i32 to index
      %get3A_94 = tpu.vector_load %arg7[%get3A_92, %get3A_93] {strides = array<i32>} : memref<32x1000xf32, #tpu.memory_space<vmem>>, vector<16xf32>,
      %pack3A_95 = tpu.pack_subelements %get3A_89, %get3A_94 {pack_format = #tpu.pack_format<interleaved>, positions = array<i32: 0, 1>} : vector<16xf32>, vector<16xf32> -> vector<32xbf16>
      %bitcast3A_96 = vector.bitcast %pack3A_95 : vector<32xbf16> to vector<16xi32>
      %add3A_97 = arith.addi %mul3A_43, %mul3A_86 : i32
      %swap3A_98 = arith.index_cast %add3A_97 : i32 to index
      %swap3A_99 = tpu.vector_load %arg6[%swap3A_98] {strides = array<i32>} : memref<64000xi32, #tpu.memory_space<vmem>>, vector<16xi32>,
      tpu.vector_store %arg6[%swap3A_98], %bitcast3A_96 {strides = array<i32>} : memref<64000xi32, #tpu.memory_space<vmem>>, vector<16xi32>,
      %scan3A_100 = arith.constant 0 : i32
      %scan3A_101 = arith.constant 59 : i32
      %scan3A_102 = arith.addi %scan3A_45, %scan3A_101 : i32
      %mul3A_103 = arith.constant 16 : i32
      %mul3A_104 = arith.muli %scan3A_102, %mul3A_103 : i32
      %get3A_105 = arith.index_cast %mul3A_39 : i32 to index
      %get3A_106 = arith.index_cast %mul3A_104 : i32 to index
      %get3A_107 = tpu.vector_load %arg7[%get3A_105, %get3A_106] {strides = array<i32>} : memref<32x1000xf32, #tpu.memory_space<vmem>>, vector<16xf32>,
      %add3A_108 = arith.constant 1 : i32
      %add3A_109 = arith.addi %mul3A_39, %add3A_108 : i32
      %get3A_110 = arith.index_cast %add3A_109 : i32 to index
      %get3A_111 = arith.index_cast %mul3A_104 : i32 to index
      %get3A_112 = tpu.vector_load %arg7[%get3A_110, %get3A_111] {strides = array<i32>} : memref<32x1000xf32, #tpu.memory_space<vmem>>, vector<16xf32>,
      %pack3A_113 = tpu.pack_subelements %get3A_107, %get3A_112 {pack_format = #tpu.pack_format<interleaved>, positions = array<i32: 0, 1>} : vector<16xf32>, vector<16xf32> -> vector<32xbf16>
      %bitcast3A_114 = vector.bitcast %pack3A_113 : vector<32xbf16> to vector<16xi32>
      %add3A_115 = arith.addi %mul3A_43, %mul3A_104 : i32
      %swap3A_116 = arith.index_cast %add3A_115 : i32 to index
      %swap3A_117 = tpu.vector_load %arg6[%swap3A_116] {strides = array<i32>} : memref<64000xi32, #tpu.memory_space<vmem>>, vector<16xi32>,
      tpu.vector_store %arg6[%swap3A_116], %bitcast3A_114 {strides = array<i32>} : memref<64000xi32, #tpu.memory_space<vmem>>, vector<16xi32>,
      %scan3A_118 = arith.constant 0 : i32
      %scan3A_119 = arith.constant 60 : i32
      %scan3A_120 = arith.addi %scan3A_45, %scan3A_119 : i32
      %mul3A_121 = arith.constant 16 : i32
      %mul3A_122 = arith.muli %scan3A_120, %mul3A_121 : i32
      %get3A_123 = arith.index_cast %mul3A_39 : i32 to index
      %get3A_124 = arith.index_cast %mul3A_122 : i32 to index
      %get3A_125 = tpu.vector_load %arg7[%get3A_123, %get3A_124] {strides = array<i32>} : memref<32x1000xf32, #tpu.memory_space<vmem>>, vector<16xf32>,
      %add3A_126 = arith.constant 1 : i32
      %add3A_127 = arith.addi %mul3A_39, %add3A_126 : i32
      %get3A_128 = arith.index_cast %add3A_127 : i32 to index
      %get3A_129 = arith.index_cast %mul3A_122 : i32 to index
      %get3A_130 = tpu.vector_load %arg7[%get3A_128, %get3A_129] {strides = array<i32>} : memref<32x1000xf32, #tpu.memory_space<vmem>>, vector<16xf32>,
      %pack3A_131 = tpu.pack_subelements %get3A_125, %get3A_130 {pack_format = #tpu.pack_format<interleaved>, positions = array<i32: 0, 1>} : vector<16xf32>, vector<16xf32> -> vector<32xbf16>
      %bitcast3A_132 = vector.bitcast %pack3A_131 : vector<32xbf16> to vector<16xi32>
      %add3A_133 = arith.addi %mul3A_43, %mul3A_122 : i32
      %swap3A_134 = arith.index_cast %add3A_133 : i32 to index
      %swap3A_135 = tpu.vector_load %arg6[%swap3A_134] {strides = array<i32>} : memref<64000xi32, #tpu.memory_space<vmem>>, vector<16xi32>,
      tpu.vector_store %arg6[%swap3A_134], %bitcast3A_132 {strides = array<i32>} : memref<64000xi32, #tpu.memory_space<vmem>>, vector<16xi32>,
      %scan3A_136 = arith.constant 0 : i32
      %scan3A_137 = arith.constant 61 : i32
      %scan3A_138 = arith.addi %scan3A_45, %scan3A_137 : i32
      %mul3A_139 = arith.constant 16 : i32
      %mul3A_140 = arith.muli %scan3A_138, %mul3A_139 : i32
      %get3A_141 = arith.index_cast %mul3A_39 : i32 to index
      %get3A_142 = arith.index_cast %mul3A_140 : i32 to index
      %get3A_143 = tpu.vector_load %arg7[%get3A_141, %get3A_142] {strides = array<i32>} : memref<32x1000xf32, #tpu.memory_space<vmem>>, vector<16xf32>,
      %add3A_144 = arith.constant 1 : i32
      %add3A_145 = arith.addi %mul3A_39, %add3A_144 : i32
      %get3A_146 = arith.index_cast %add3A_145 : i32 to index
      %get3A_147 = arith.index_cast %mul3A_140 : i32 to index
      %get3A_148 = tpu.vector_load %arg7[%get3A_146, %get3A_147] {strides = array<i32>} : memref<32x1000xf32, #tpu.memory_space<vmem>>, vector<16xf32>,
      %pack3A_149 = tpu.pack_subelements %get3A_143, %get3A_148 {pack_format = #tpu.pack_format<interleaved>, positions = array<i32: 0, 1>} : vector<16xf32>, vector<16xf32> -> vector<32xbf16>
      %bitcast3A_150 = vector.bitcast %pack3A_149 : vector<32xbf16> to vector<16xi32>
      %add3A_151 = arith.addi %mul3A_43, %mul3A_140 : i32
      %swap3A_152 = arith.index_cast %add3A_151 : i32 to index
      %swap3A_153 = tpu.vector_load %arg6[%swap3A_152] {strides = array<i32>} : memref<64000xi32, #tpu.memory_space<vmem>>, vector<16xi32>,
      tpu.vector_store %arg6[%swap3A_152], %bitcast3A_150 {strides = array<i32>} : memref<64000xi32, #tpu.memory_space<vmem>>, vector<16xi32>,
      %scan3A_154 = arith.constant 0 : i32
      %scan3A_155 = arith.constant 62 : i32
      %get3A_156 = arith.index_cast %mul3A_39 : i32 to index
      %get3A_157 = arith.constant 984 : index
      %get3A_158 = tpu.vector_load %arg7[%get3A_156, %get3A_157] {strides = array<i32>} : memref<32x1000xf32, #tpu.memory_space<vmem>>, vector<16xf32>,
      %add3A_159 = arith.constant 1 : i32
      %add3A_160 = arith.addi %mul3A_39, %add3A_159 : i32
      %get3A_161 = arith.index_cast %add3A_160 : i32 to index
      %get3A_162 = arith.constant 984 : index
      %get3A_163 = tpu.vector_load %arg7[%get3A_161, %get3A_162] {strides = array<i32>} : memref<32x1000xf32, #tpu.memory_space<vmem>>, vector<16xf32>,
      %pack3A_164 = tpu.pack_subelements %get3A_158, %get3A_163 {pack_format = #tpu.pack_format<interleaved>, positions = array<i32: 0, 1>} : vector<16xf32>, vector<16xf32> -> vector<32xbf16>
      %bitcast3A_165 = vector.bitcast %pack3A_164 : vector<32xbf16> to vector<16xi32>
      %add3A_166 = arith.constant 984 : i32
      %add3A_167 = arith.addi %mul3A_43, %add3A_166 : i32
      %swap3A_168 = arith.index_cast %add3A_167 : i32 to index
      %swap3A_169 = tpu.vector_load %arg6[%swap3A_168] {strides = array<i32>} : memref<64000xi32, #tpu.memory_space<vmem>>, vector<16xi32>,
      tpu.vector_store %arg6[%swap3A_168], %bitcast3A_165 {strides = array<i32>} : memref<64000xi32, #tpu.memory_space<vmem>>, vector<16xi32>,
      %scan3A_170 = arith.constant 0 : i32
      scf.yield %scan3A_170 : i32
    }
    %scan3A_27 = arith.constant 16 : i32
    %broadcast_in_dim3A = arith.constant 0.000000e+00 : f32
    %broadcast_in_dim3A_28 = vector.broadcast %broadcast_in_dim3A : f32 to vector<16xf32>
    %scan3A_29 = arith.constant 0 : i32
    %scan3A_30 = arith.constant 192 : i32
    %scan3A_31 = arith.addi %scan3A_29, %scan3A_30 : i32
    %scan3A_32 = arith.constant 1 : i32
    %scan3A_33 = scf.for %scan3A_36 = %scan3A_29 to %scan3A_31 step %scan3A_32 iter_args(%scan3A_37 = %broadcast_in_dim3A_28) -> (vector<16xf32>)  : i32 {
      %mul3A_38 = arith.constant 16 : i32
      %mul3A_39 = arith.muli %scan3A_36, %mul3A_38 : i32
      %get3A = arith.index_cast %mul3A_39 : i32 to index
      %get3A_40 = tpu.vector_load %arg8[%get3A] {strides = array<i32>} : memref<3072xi32, #tpu.memory_space<vmem>>, vector<16xi32>,
      %mul3A_41 = arith.constant 16 : i32
      %mul3A_42 = arith.muli %scan3A_36, %mul3A_41 : i32
      %get3A_43 = arith.index_cast %mul3A_42 : i32 to index
      %get3A_44 = tpu.vector_load %arg9[%get3A_43] {strides = array<i32>} : memref<3072xi32, #tpu.memory_space<vmem>>, vector<16xi32>,
      %scan3A_45 = arith.constant 0 : i32
      %scan3A_46 = arith.constant 16 : i32
      %scan3A_47 = arith.addi %scan3A_45, %scan3A_46 : i32
      %scan3A_48 = arith.constant 4 : i32
      %scan3A_49:3 = scf.for %scan3A_51 = %scan3A_45 to %scan3A_47 step %scan3A_48 iter_args(%scan3A_52 = %get3A_40, %scan3A_53 = %get3A_44, %scan3A_54 = %scan3A_37) -> (vector<16xi32>, vector<16xi32>, vector<16xf32>)  : i32 {
        %broadcast_in_dim3A_55 = arith.constant 0.000000e+00 : bf16
        %broadcast_in_dim3A_56 = vector.broadcast %broadcast_in_dim3A_55 : bf16 to vector<32xbf16>
        %gather3A = tpu.vector_load_idx %arg6[%scan3A_52] : memref<64000xi32, #tpu.memory_space<vmem>>[vector<16xi32>], vector<16xi32>,
        %gather3A_57 = tpu.vector_load_idx %arg6[%scan3A_53] : memref<64000xi32, #tpu.memory_space<vmem>>[vector<16xi32>], vector<16xi32>,
        %bitcast3A = vector.bitcast %gather3A : vector<16xi32> to vector<32xbf16>
        %bitcast3A_58 = vector.bitcast %gather3A_57 : vector<16xi32> to vector<32xbf16>
        %sub3A = arith.subf %bitcast3A, %bitcast3A_58 : vector<32xbf16>
        %max3A = arith.constant 0.000000e+00 : bf16
        %max3A_59 = vector.broadcast %max3A : bf16 to vector<32xbf16>
        %max3A_60 = arith.maximumf %sub3A, %max3A_59 : vector<32xbf16>
        %add3A_61 = arith.addf %broadcast_in_dim3A_56, %max3A_60 : vector<32xbf16>
        %add3A_62 = arith.constant 1000 : i32
        %add3A_63 = vector.broadcast %add3A_62 : i32 to vector<16xi32>
        %add3A_64 = arith.addi %scan3A_52, %add3A_63 : vector<16xi32>
        %add3A_65 = arith.constant 1000 : i32
        %add3A_66 = vector.broadcast %add3A_65 : i32 to vector<16xi32>
        %add3A_67 = arith.addi %scan3A_53, %add3A_66 : vector<16xi32>
        %gather3A_68 = tpu.vector_load_idx %arg6[%add3A_64] : memref<64000xi32, #tpu.memory_space<vmem>>[vector<16xi32>], vector<16xi32>,
        %gather3A_69 = tpu.vector_load_idx %arg6[%add3A_67] : memref<64000xi32, #tpu.memory_space<vmem>>[vector<16xi32>], vector<16xi32>,
        %bitcast3A_70 = vector.bitcast %gather3A_68 : vector<16xi32> to vector<32xbf16>
        %bitcast3A_71 = vector.bitcast %gather3A_69 : vector<16xi32> to vector<32xbf16>
        %sub3A_72 = arith.subf %bitcast3A_70, %bitcast3A_71 : vector<32xbf16>
        %max3A_73 = arith.constant 0.000000e+00 : bf16
        %max3A_74 = vector.broadcast %max3A_73 : bf16 to vector<32xbf16>
        %max3A_75 = arith.maximumf %sub3A_72, %max3A_74 : vector<32xbf16>
        %add3A_76 = arith.addf %add3A_61, %max3A_75 : vector<32xbf16>
        %add3A_77 = arith.constant 1000 : i32
        %add3A_78 = vector.broadcast %add3A_77 : i32 to vector<16xi32>
        %add3A_79 = arith.addi %add3A_64, %add3A_78 : vector<16xi32>
        %add3A_80 = arith.constant 1000 : i32
        %add3A_81 = vector.broadcast %add3A_80 : i32 to vector<16xi32>
        %add3A_82 = arith.addi %add3A_67, %add3A_81 : vector<16xi32>
        %gather3A_83 = tpu.vector_load_idx %arg6[%add3A_79] : memref<64000xi32, #tpu.memory_space<vmem>>[vector<16xi32>], vector<16xi32>,
        %gather3A_84 = tpu.vector_load_idx %arg6[%add3A_82] : memref<64000xi32, #tpu.memory_space<vmem>>[vector<16xi32>], vector<16xi32>,
        %bitcast3A_85 = vector.bitcast %gather3A_83 : vector<16xi32> to vector<32xbf16>
        %bitcast3A_86 = vector.bitcast %gather3A_84 : vector<16xi32> to vector<32xbf16>
        %sub3A_87 = arith.subf %bitcast3A_85, %bitcast3A_86 : vector<32xbf16>
        %max3A_88 = arith.constant 0.000000e+00 : bf16
        %max3A_89 = vector.broadcast %max3A_88 : bf16 to vector<32xbf16>
        %max3A_90 = arith.maximumf %sub3A_87, %max3A_89 : vector<32xbf16>
        %add3A_91 = arith.addf %add3A_76, %max3A_90 : vector<32xbf16>
        %add3A_92 = arith.constant 1000 : i32
        %add3A_93 = vector.broadcast %add3A_92 : i32 to vector<16xi32>
        %add3A_94 = arith.addi %add3A_79, %add3A_93 : vector<16xi32>
        %add3A_95 = arith.constant 1000 : i32
        %add3A_96 = vector.broadcast %add3A_95 : i32 to vector<16xi32>
        %add3A_97 = arith.addi %add3A_82, %add3A_96 : vector<16xi32>
        %gather3A_98 = tpu.vector_load_idx %arg6[%add3A_94] : memref<64000xi32, #tpu.memory_space<vmem>>[vector<16xi32>], vector<16xi32>,
        %gather3A_99 = tpu.vector_load_idx %arg6[%add3A_97] : memref<64000xi32, #tpu.memory_space<vmem>>[vector<16xi32>], vector<16xi32>,
        %bitcast3A_100 = vector.bitcast %gather3A_98 : vector<16xi32> to vector<32xbf16>
        %bitcast3A_101 = vector.bitcast %gather3A_99 : vector<16xi32> to vector<32xbf16>
        %sub3A_102 = arith.subf %bitcast3A_100, %bitcast3A_101 : vector<32xbf16>
        %max3A_103 = arith.constant 0.000000e+00 : bf16
        %max3A_104 = vector.broadcast %max3A_103 : bf16 to vector<32xbf16>
        %max3A_105 = arith.maximumf %sub3A_102, %max3A_104 : vector<32xbf16>
        %add3A_106 = arith.addf %add3A_91, %max3A_105 : vector<32xbf16>
        %add3A_107 = arith.constant 1000 : i32
        %add3A_108 = vector.broadcast %add3A_107 : i32 to vector<16xi32>
        %add3A_109 = arith.addi %add3A_94, %add3A_108 : vector<16xi32>
        %add3A_110 = arith.constant 1000 : i32
        %add3A_111 = vector.broadcast %add3A_110 : i32 to vector<16xi32>
        %add3A_112 = arith.addi %add3A_97, %add3A_111 : vector<16xi32>
        %bitcast3A_113 = vector.bitcast %add3A_106 : vector<32xbf16> to vector<16xi32>
        %shift_left3A = arith.constant 16 : i32
        %shift_left3A_114 = vector.broadcast %shift_left3A : i32 to vector<16xi32>
        %shift_left3A_115 = arith.shli %bitcast3A_113, %shift_left3A_114 : vector<16xi32>
        %bitcast3A_116 = vector.bitcast %shift_left3A_115 : vector<16xi32> to vector<16xf32>
        %add3A_117 = arith.addf %scan3A_54, %bitcast3A_116 : vector<16xf32>
        %and3A = arith.constant -65536 : i32
        %and3A_118 = vector.broadcast %and3A : i32 to vector<16xi32>
        %and3A_119 = arith.andi %bitcast3A_113, %and3A_118 : vector<16xi32>
        %bitcast3A_120 = vector.bitcast %and3A_119 : vector<16xi32> to vector<16xf32>
        %add3A_121 = arith.addf %add3A_117, %bitcast3A_120 : vector<16xf32>
        %scan3A_122 = arith.constant 1 : i32
        %scan3A_123 = arith.addi %scan3A_51, %scan3A_122 : i32
        %broadcast_in_dim3A_124 = arith.constant 0.000000e+00 : bf16
        %broadcast_in_dim3A_125 = vector.broadcast %broadcast_in_dim3A_124 : bf16 to vector<32xbf16>
        %gather3A_126 = tpu.vector_load_idx %arg6[%add3A_109] : memref<64000xi32, #tpu.memory_space<vmem>>[vector<16xi32>], vector<16xi32>,
        %gather3A_127 = tpu.vector_load_idx %arg6[%add3A_112] : memref<64000xi32, #tpu.memory_space<vmem>>[vector<16xi32>], vector<16xi32>,
        %bitcast3A_128 = vector.bitcast %gather3A_126 : vector<16xi32> to vector<32xbf16>
        %bitcast3A_129 = vector.bitcast %gather3A_127 : vector<16xi32> to vector<32xbf16>
        %sub3A_130 = arith.subf %bitcast3A_128, %bitcast3A_129 : vector<32xbf16>
        %max3A_131 = arith.constant 0.000000e+00 : bf16
        %max3A_132 = vector.broadcast %max3A_131 : bf16 to vector<32xbf16>
        %max3A_133 = arith.maximumf %sub3A_130, %max3A_132 : vector<32xbf16>
        %add3A_134 = arith.addf %broadcast_in_dim3A_125, %max3A_133 : vector<32xbf16>
        %add3A_135 = arith.constant 1000 : i32
        %add3A_136 = vector.broadcast %add3A_135 : i32 to vector<16xi32>
        %add3A_137 = arith.addi %add3A_109, %add3A_136 : vector<16xi32>
        %add3A_138 = arith.constant 1000 : i32
        %add3A_139 = vector.broadcast %add3A_138 : i32 to vector<16xi32>
        %add3A_140 = arith.addi %add3A_112, %add3A_139 : vector<16xi32>
        %gather3A_141 = tpu.vector_load_idx %arg6[%add3A_137] : memref<64000xi32, #tpu.memory_space<vmem>>[vector<16xi32>], vector<16xi32>,
        %gather3A_142 = tpu.vector_load_idx %arg6[%add3A_140] : memref<64000xi32, #tpu.memory_space<vmem>>[vector<16xi32>], vector<16xi32>,
        %bitcast3A_143 = vector.bitcast %gather3A_141 : vector<16xi32> to vector<32xbf16>
        %bitcast3A_144 = vector.bitcast %gather3A_142 : vector<16xi32> to vector<32xbf16>
        %sub3A_145 = arith.subf %bitcast3A_143, %bitcast3A_144 : vector<32xbf16>
        %max3A_146 = arith.constant 0.000000e+00 : bf16
        %max3A_147 = vector.broadcast %max3A_146 : bf16 to vector<32xbf16>
        %max3A_148 = arith.maximumf %sub3A_145, %max3A_147 : vector<32xbf16>
        %add3A_149 = arith.addf %add3A_134, %max3A_148 : vector<32xbf16>
        %add3A_150 = arith.constant 1000 : i32
        %add3A_151 = vector.broadcast %add3A_150 : i32 to vector<16xi32>
        %add3A_152 = arith.addi %add3A_137, %add3A_151 : vector<16xi32>
        %add3A_153 = arith.constant 1000 : i32
        %add3A_154 = vector.broadcast %add3A_153 : i32 to vector<16xi32>
        %add3A_155 = arith.addi %add3A_140, %add3A_154 : vector<16xi32>
        %gather3A_156 = tpu.vector_load_idx %arg6[%add3A_152] : memref<64000xi32, #tpu.memory_space<vmem>>[vector<16xi32>], vector<16xi32>,
        %gather3A_157 = tpu.vector_load_idx %arg6[%add3A_155] : memref<64000xi32, #tpu.memory_space<vmem>>[vector<16xi32>], vector<16xi32>,
        %bitcast3A_158 = vector.bitcast %gather3A_156 : vector<16xi32> to vector<32xbf16>
        %bitcast3A_159 = vector.bitcast %gather3A_157 : vector<16xi32> to vector<32xbf16>
        %sub3A_160 = arith.subf %bitcast3A_158, %bitcast3A_159 : vector<32xbf16>
        %max3A_161 = arith.constant 0.000000e+00 : bf16
        %max3A_162 = vector.broadcast %max3A_161 : bf16 to vector<32xbf16>
        %max3A_163 = arith.maximumf %sub3A_160, %max3A_162 : vector<32xbf16>
        %add3A_164 = arith.addf %add3A_149, %max3A_163 : vector<32xbf16>
        %add3A_165 = arith.constant 1000 : i32
        %add3A_166 = vector.broadcast %add3A_165 : i32 to vector<16xi32>
        %add3A_167 = arith.addi %add3A_152, %add3A_166 : vector<16xi32>
        %add3A_168 = arith.constant 1000 : i32
        %add3A_169 = vector.broadcast %add3A_168 : i32 to vector<16xi32>
        %add3A_170 = arith.addi %add3A_155, %add3A_169 : vector<16xi32>
        %gather3A_171 = tpu.vector_load_idx %arg6[%add3A_167] : memref<64000xi32, #tpu.memory_space<vmem>>[vector<16xi32>], vector<16xi32>,
        %gather3A_172 = tpu.vector_load_idx %arg6[%add3A_170] : memref<64000xi32, #tpu.memory_space<vmem>>[vector<16xi32>], vector<16xi32>,
        %bitcast3A_173 = vector.bitcast %gather3A_171 : vector<16xi32> to vector<32xbf16>
        %bitcast3A_174 = vector.bitcast %gather3A_172 : vector<16xi32> to vector<32xbf16>
        %sub3A_175 = arith.subf %bitcast3A_173, %bitcast3A_174 : vector<32xbf16>
        %max3A_176 = arith.constant 0.000000e+00 : bf16
        %max3A_177 = vector.broadcast %max3A_176 : bf16 to vector<32xbf16>
        %max3A_178 = arith.maximumf %sub3A_175, %max3A_177 : vector<32xbf16>
        %add3A_179 = arith.addf %add3A_164, %max3A_178 : vector<32xbf16>
        %add3A_180 = arith.constant 1000 : i32
        %add3A_181 = vector.broadcast %add3A_180 : i32 to vector<16xi32>
        %add3A_182 = arith.addi %add3A_167, %add3A_181 : vector<16xi32>
        %add3A_183 = arith.constant 1000 : i32
        %add3A_184 = vector.broadcast %add3A_183 : i32 to vector<16xi32>
        %add3A_185 = arith.addi %add3A_170, %add3A_184 : vector<16xi32>
        %bitcast3A_186 = vector.bitcast %add3A_179 : vector<32xbf16> to vector<16xi32>
        %shift_left3A_187 = arith.constant 16 : i32
        %shift_left3A_188 = vector.broadcast %shift_left3A_187 : i32 to vector<16xi32>
        %shift_left3A_189 = arith.shli %bitcast3A_186, %shift_left3A_188 : vector<16xi32>
        %bitcast3A_190 = vector.bitcast %shift_left3A_189 : vector<16xi32> to vector<16xf32>
        %add3A_191 = arith.addf %add3A_121, %bitcast3A_190 : vector<16xf32>
        %and3A_192 = arith.constant -65536 : i32
        %and3A_193 = vector.broadcast %and3A_192 : i32 to vector<16xi32>
        %and3A_194 = arith.andi %bitcast3A_186, %and3A_193 : vector<16xi32>
        %bitcast3A_195 = vector.bitcast %and3A_194 : vector<16xi32> to vector<16xf32>
        %add3A_196 = arith.addf %add3A_191, %bitcast3A_195 : vector<16xf32>
        %scan3A_197 = arith.constant 2 : i32
        %scan3A_198 = arith.addi %scan3A_51, %scan3A_197 : i32
        %broadcast_in_dim3A_199 = arith.constant 0.000000e+00 : bf16
        %broadcast_in_dim3A_200 = vector.broadcast %broadcast_in_dim3A_199 : bf16 to vector<32xbf16>
        %gather3A_201 = tpu.vector_load_idx %arg6[%add3A_182] : memref<64000xi32, #tpu.memory_space<vmem>>[vector<16xi32>], vector<16xi32>,
        %gather3A_202 = tpu.vector_load_idx %arg6[%add3A_185] : memref<64000xi32, #tpu.memory_space<vmem>>[vector<16xi32>], vector<16xi32>,
        %bitcast3A_203 = vector.bitcast %gather3A_201 : vector<16xi32> to vector<32xbf16>
        %bitcast3A_204 = vector.bitcast %gather3A_202 : vector<16xi32> to vector<32xbf16>
        %sub3A_205 = arith.subf %bitcast3A_203, %bitcast3A_204 : vector<32xbf16>
        %max3A_206 = arith.constant 0.000000e+00 : bf16
        %max3A_207 = vector.broadcast %max3A_206 : bf16 to vector<32xbf16>
        %max3A_208 = arith.maximumf %sub3A_205, %max3A_207 : vector<32xbf16>
        %add3A_209 = arith.addf %broadcast_in_dim3A_200, %max3A_208 : vector<32xbf16>
        %add3A_210 = arith.constant 1000 : i32
        %add3A_211 = vector.broadcast %add3A_210 : i32 to vector<16xi32>
        %add3A_212 = arith.addi %add3A_182, %add3A_211 : vector<16xi32>
        %add3A_213 = arith.constant 1000 : i32
        %add3A_214 = vector.broadcast %add3A_213 : i32 to vector<16xi32>
        %add3A_215 = arith.addi %add3A_185, %add3A_214 : vector<16xi32>
        %gather3A_216 = tpu.vector_load_idx %arg6[%add3A_212] : memref<64000xi32, #tpu.memory_space<vmem>>[vector<16xi32>], vector<16xi32>,
        %gather3A_217 = tpu.vector_load_idx %arg6[%add3A_215] : memref<64000xi32, #tpu.memory_space<vmem>>[vector<16xi32>], vector<16xi32>,
        %bitcast3A_218 = vector.bitcast %gather3A_216 : vector<16xi32> to vector<32xbf16>
        %bitcast3A_219 = vector.bitcast %gather3A_217 : vector<16xi32> to vector<32xbf16>
        %sub3A_220 = arith.subf %bitcast3A_218, %bitcast3A_219 : vector<32xbf16>
        %max3A_221 = arith.constant 0.000000e+00 : bf16
        %max3A_222 = vector.broadcast %max3A_221 : bf16 to vector<32xbf16>
        %max3A_223 = arith.maximumf %sub3A_220, %max3A_222 : vector<32xbf16>
        %add3A_224 = arith.addf %add3A_209, %max3A_223 : vector<32xbf16>
        %add3A_225 = arith.constant 1000 : i32
        %add3A_226 = vector.broadcast %add3A_225 : i32 to vector<16xi32>
        %add3A_227 = arith.addi %add3A_212, %add3A_226 : vector<16xi32>
        %add3A_228 = arith.constant 1000 : i32
        %add3A_229 = vector.broadcast %add3A_228 : i32 to vector<16xi32>
        %add3A_230 = arith.addi %add3A_215, %add3A_229 : vector<16xi32>
        %gather3A_231 = tpu.vector_load_idx %arg6[%add3A_227] : memref<64000xi32, #tpu.memory_space<vmem>>[vector<16xi32>], vector<16xi32>,
        %gather3A_232 = tpu.vector_load_idx %arg6[%add3A_230] : memref<64000xi32, #tpu.memory_space<vmem>>[vector<16xi32>], vector<16xi32>,
        %bitcast3A_233 = vector.bitcast %gather3A_231 : vector<16xi32> to vector<32xbf16>
        %bitcast3A_234 = vector.bitcast %gather3A_232 : vector<16xi32> to vector<32xbf16>
        %sub3A_235 = arith.subf %bitcast3A_233, %bitcast3A_234 : vector<32xbf16>
        %max3A_236 = arith.constant 0.000000e+00 : bf16
        %max3A_237 = vector.broadcast %max3A_236 : bf16 to vector<32xbf16>
        %max3A_238 = arith.maximumf %sub3A_235, %max3A_237 : vector<32xbf16>
        %add3A_239 = arith.addf %add3A_224, %max3A_238 : vector<32xbf16>
        %add3A_240 = arith.constant 1000 : i32
        %add3A_241 = vector.broadcast %add3A_240 : i32 to vector<16xi32>
        %add3A_242 = arith.addi %add3A_227, %add3A_241 : vector<16xi32>
        %add3A_243 = arith.constant 1000 : i32
        %add3A_244 = vector.broadcast %add3A_243 : i32 to vector<16xi32>
        %add3A_245 = arith.addi %add3A_230, %add3A_244 : vector<16xi32>
        %gather3A_246 = tpu.vector_load_idx %arg6[%add3A_242] : memref<64000xi32, #tpu.memory_space<vmem>>[vector<16xi32>], vector<16xi32>,
        %gather3A_247 = tpu.vector_load_idx %arg6[%add3A_245] : memref<64000xi32, #tpu.memory_space<vmem>>[vector<16xi32>], vector<16xi32>,
        %bitcast3A_248 = vector.bitcast %gather3A_246 : vector<16xi32> to vector<32xbf16>
        %bitcast3A_249 = vector.bitcast %gather3A_247 : vector<16xi32> to vector<32xbf16>
        %sub3A_250 = arith.subf %bitcast3A_248, %bitcast3A_249 : vector<32xbf16>
        %max3A_251 = arith.constant 0.000000e+00 : bf16
        %max3A_252 = vector.broadcast %max3A_251 : bf16 to vector<32xbf16>
        %max3A_253 = arith.maximumf %sub3A_250, %max3A_252 : vector<32xbf16>
        %add3A_254 = arith.addf %add3A_239, %max3A_253 : vector<32xbf16>
        %add3A_255 = arith.constant 1000 : i32
        %add3A_256 = vector.broadcast %add3A_255 : i32 to vector<16xi32>
        %add3A_257 = arith.addi %add3A_242, %add3A_256 : vector<16xi32>
        %add3A_258 = arith.constant 1000 : i32
        %add3A_259 = vector.broadcast %add3A_258 : i32 to vector<16xi32>
        %add3A_260 = arith.addi %add3A_245, %add3A_259 : vector<16xi32>
        %bitcast3A_261 = vector.bitcast %add3A_254 : vector<32xbf16> to vector<16xi32>
        %shift_left3A_262 = arith.constant 16 : i32
        %shift_left3A_263 = vector.broadcast %shift_left3A_262 : i32 to vector<16xi32>
        %shift_left3A_264 = arith.shli %bitcast3A_261, %shift_left3A_263 : vector<16xi32>
        %bitcast3A_265 = vector.bitcast %shift_left3A_264 : vector<16xi32> to vector<16xf32>
        %add3A_266 = arith.addf %add3A_196, %bitcast3A_265 : vector<16xf32>
        %and3A_267 = arith.constant -65536 : i32
        %and3A_268 = vector.broadcast %and3A_267 : i32 to vector<16xi32>
        %and3A_269 = arith.andi %bitcast3A_261, %and3A_268 : vector<16xi32>
        %bitcast3A_270 = vector.bitcast %and3A_269 : vector<16xi32> to vector<16xf32>
        %add3A_271 = arith.addf %add3A_266, %bitcast3A_270 : vector<16xf32>
        %scan3A_272 = arith.constant 3 : i32
        %scan3A_273 = arith.addi %scan3A_51, %scan3A_272 : i32
        %broadcast_in_dim3A_274 = arith.constant 0.000000e+00 : bf16
        %broadcast_in_dim3A_275 = vector.broadcast %broadcast_in_dim3A_274 : bf16 to vector<32xbf16>
        %gather3A_276 = tpu.vector_load_idx %arg6[%add3A_257] : memref<64000xi32, #tpu.memory_space<vmem>>[vector<16xi32>], vector<16xi32>,
        %gather3A_277 = tpu.vector_load_idx %arg6[%add3A_260] : memref<64000xi32, #tpu.memory_space<vmem>>[vector<16xi32>], vector<16xi32>,
        %bitcast3A_278 = vector.bitcast %gather3A_276 : vector<16xi32> to vector<32xbf16>
        %bitcast3A_279 = vector.bitcast %gather3A_277 : vector<16xi32> to vector<32xbf16>
        %sub3A_280 = arith.subf %bitcast3A_278, %bitcast3A_279 : vector<32xbf16>
        %max3A_281 = arith.constant 0.000000e+00 : bf16
        %max3A_282 = vector.broadcast %max3A_281 : bf16 to vector<32xbf16>
        %max3A_283 = arith.maximumf %sub3A_280, %max3A_282 : vector<32xbf16>
        %add3A_284 = arith.addf %broadcast_in_dim3A_275, %max3A_283 : vector<32xbf16>
        %add3A_285 = arith.constant 1000 : i32
        %add3A_286 = vector.broadcast %add3A_285 : i32 to vector<16xi32>
        %add3A_287 = arith.addi %add3A_257, %add3A_286 : vector<16xi32>
        %add3A_288 = arith.constant 1000 : i32
        %add3A_289 = vector.broadcast %add3A_288 : i32 to vector<16xi32>
        %add3A_290 = arith.addi %add3A_260, %add3A_289 : vector<16xi32>
        %gather3A_291 = tpu.vector_load_idx %arg6[%add3A_287] : memref<64000xi32, #tpu.memory_space<vmem>>[vector<16xi32>], vector<16xi32>,
        %gather3A_292 = tpu.vector_load_idx %arg6[%add3A_290] : memref<64000xi32, #tpu.memory_space<vmem>>[vector<16xi32>], vector<16xi32>,
        %bitcast3A_293 = vector.bitcast %gather3A_291 : vector<16xi32> to vector<32xbf16>
        %bitcast3A_294 = vector.bitcast %gather3A_292 : vector<16xi32> to vector<32xbf16>
        %sub3A_295 = arith.subf %bitcast3A_293, %bitcast3A_294 : vector<32xbf16>
        %max3A_296 = arith.constant 0.000000e+00 : bf16
        %max3A_297 = vector.broadcast %max3A_296 : bf16 to vector<32xbf16>
        %max3A_298 = arith.maximumf %sub3A_295, %max3A_297 : vector<32xbf16>
        %add3A_299 = arith.addf %add3A_284, %max3A_298 : vector<32xbf16>
        %add3A_300 = arith.constant 1000 : i32
        %add3A_301 = vector.broadcast %add3A_300 : i32 to vector<16xi32>
        %add3A_302 = arith.addi %add3A_287, %add3A_301 : vector<16xi32>
        %add3A_303 = arith.constant 1000 : i32
        %add3A_304 = vector.broadcast %add3A_303 : i32 to vector<16xi32>
        %add3A_305 = arith.addi %add3A_290, %add3A_304 : vector<16xi32>
        %gather3A_306 = tpu.vector_load_idx %arg6[%add3A_302] : memref<64000xi32, #tpu.memory_space<vmem>>[vector<16xi32>], vector<16xi32>,
        %gather3A_307 = tpu.vector_load_idx %arg6[%add3A_305] : memref<64000xi32, #tpu.memory_space<vmem>>[vector<16xi32>], vector<16xi32>,
        %bitcast3A_308 = vector.bitcast %gather3A_306 : vector<16xi32> to vector<32xbf16>
        %bitcast3A_309 = vector.bitcast %gather3A_307 : vector<16xi32> to vector<32xbf16>
        %sub3A_310 = arith.subf %bitcast3A_308, %bitcast3A_309 : vector<32xbf16>
        %max3A_311 = arith.constant 0.000000e+00 : bf16
        %max3A_312 = vector.broadcast %max3A_311 : bf16 to vector<32xbf16>
        %max3A_313 = arith.maximumf %sub3A_310, %max3A_312 : vector<32xbf16>
        %add3A_314 = arith.addf %add3A_299, %max3A_313 : vector<32xbf16>
        %add3A_315 = arith.constant 1000 : i32
        %add3A_316 = vector.broadcast %add3A_315 : i32 to vector<16xi32>
        %add3A_317 = arith.addi %add3A_302, %add3A_316 : vector<16xi32>
        %add3A_318 = arith.constant 1000 : i32
        %add3A_319 = vector.broadcast %add3A_318 : i32 to vector<16xi32>
        %add3A_320 = arith.addi %add3A_305, %add3A_319 : vector<16xi32>
        %gather3A_321 = tpu.vector_load_idx %arg6[%add3A_317] : memref<64000xi32, #tpu.memory_space<vmem>>[vector<16xi32>], vector<16xi32>,
        %gather3A_322 = tpu.vector_load_idx %arg6[%add3A_320] : memref<64000xi32, #tpu.memory_space<vmem>>[vector<16xi32>], vector<16xi32>,
        %bitcast3A_323 = vector.bitcast %gather3A_321 : vector<16xi32> to vector<32xbf16>
        %bitcast3A_324 = vector.bitcast %gather3A_322 : vector<16xi32> to vector<32xbf16>
        %sub3A_325 = arith.subf %bitcast3A_323, %bitcast3A_324 : vector<32xbf16>
        %max3A_326 = arith.constant 0.000000e+00 : bf16
        %max3A_327 = vector.broadcast %max3A_326 : bf16 to vector<32xbf16>
        %max3A_328 = arith.maximumf %sub3A_325, %max3A_327 : vector<32xbf16>
        %add3A_329 = arith.addf %add3A_314, %max3A_328 : vector<32xbf16>
        %add3A_330 = arith.constant 1000 : i32
        %add3A_331 = vector.broadcast %add3A_330 : i32 to vector<16xi32>
        %add3A_332 = arith.addi %add3A_317, %add3A_331 : vector<16xi32>
        %add3A_333 = arith.constant 1000 : i32
        %add3A_334 = vector.broadcast %add3A_333 : i32 to vector<16xi32>
        %add3A_335 = arith.addi %add3A_320, %add3A_334 : vector<16xi32>
        %bitcast3A_336 = vector.bitcast %add3A_329 : vector<32xbf16> to vector<16xi32>
        %shift_left3A_337 = arith.constant 16 : i32
        %shift_left3A_338 = vector.broadcast %shift_left3A_337 : i32 to vector<16xi32>
        %shift_left3A_339 = arith.shli %bitcast3A_336, %shift_left3A_338 : vector<16xi32>
        %bitcast3A_340 = vector.bitcast %shift_left3A_339 : vector<16xi32> to vector<16xf32>
        %add3A_341 = arith.addf %add3A_271, %bitcast3A_340 : vector<16xf32>
        %and3A_342 = arith.constant -65536 : i32
        %and3A_343 = vector.broadcast %and3A_342 : i32 to vector<16xi32>
        %and3A_344 = arith.andi %bitcast3A_336, %and3A_343 : vector<16xi32>
        %bitcast3A_345 = vector.bitcast %and3A_344 : vector<16xi32> to vector<16xf32>
        %add3A_346 = arith.addf %add3A_341, %bitcast3A_345 : vector<16xf32>
        scf.yield %add3A_332, %add3A_335, %add3A_346 : vector<16xi32>, vector<16xi32>, vector<16xf32>
      }
      %scan3A_50 = arith.constant 16 : i32
      scf.yield %scan3A_49#2 : vector<16xf32>
    }
    %scan3A_34 = arith.constant 192 : i32
    %swap3A = arith.constant 0 : index
    %swap3A_35 = tpu.vector_load %arg10[%swap3A] {strides = array<i32>} : memref<16xf32, #tpu.memory_space<vmem>>, vector<16xf32>,
    tpu.vector_store %arg10[%swap3A], %scan3A_33 {strides = array<i32>} : memref<16xf32, #tpu.memory_space<vmem>>, vector<16xf32>,
    "tpu.region"() ({
      %run_scoped3A = tpu.sem_alloc : memref<!tpu.dma_semaphore, #tpu.memory_space<semaphore_mem>>
      %dma_start3A = arith.constant 0 : i32
      %dma_start3A_36 = tpu.memref_slice %arg5[%add3A, %dma_start3A] : memref<32x16xf32, #tpu.memory_space<hbm>> -> memref<1x16xf32, #tpu.memory_space<hbm>>
      %dma_start3A_37 = tpu.memref_squeeze %dma_start3A_36 : memref<1x16xf32, #tpu.memory_space<hbm>> -> memref<16xf32, #tpu.memory_space<hbm>>
      %dma_start3A_38 = arith.constant 0 : i32
      %dma_start3A_39 = tpu.memref_slice %arg5[%add3A, %dma_start3A_38] : memref<32x16xf32, #tpu.memory_space<hbm>> -> memref<1x16xf32, #tpu.memory_space<hbm>>
      %dma_start3A_40 = tpu.memref_squeeze %dma_start3A_39 : memref<1x16xf32, #tpu.memory_space<hbm>> -> memref<16xf32, #tpu.memory_space<hbm>>
      tpu.enqueue_dma source(%arg10 : memref<16xf32, #tpu.memory_space<vmem>>) target(%dma_start3A_40 : memref<16xf32, #tpu.memory_space<hbm>>) target_semaphore(%run_scoped3A : memref<!tpu.dma_semaphore, #tpu.memory_space<semaphore_mem>>)
      %dma_wait3A = arith.constant 0 : i32
      %dma_wait3A_41 = tpu.memref_slice %arg5[%add3A, %dma_wait3A] : memref<32x16xf32, #tpu.memory_space<hbm>> -> memref<1x16xf32, #tpu.memory_space<hbm>>
      %dma_wait3A_42 = tpu.memref_squeeze %dma_wait3A_41 : memref<1x16xf32, #tpu.memory_space<hbm>> -> memref<16xf32, #tpu.memory_space<hbm>>
      %dma_wait3A_43 = arith.constant 0 : i32
      %dma_wait3A_44 = tpu.memref_slice %arg5[%add3A, %dma_wait3A_43] : memref<32x16xf32, #tpu.memory_space<hbm>> -> memref<1x16xf32, #tpu.memory_space<hbm>>
      %dma_wait3A_45 = tpu.memref_squeeze %dma_wait3A_44 : memref<1x16xf32, #tpu.memory_space<hbm>> -> memref<16xf32, #tpu.memory_space<hbm>>
      tpu.wait_dma2 semaphore(%run_scoped3A : memref<!tpu.dma_semaphore, #tpu.memory_space<semaphore_mem>>) src(%arg10 : memref<16xf32, #tpu.memory_space<vmem>>) dst(%dma_wait3A_45 : memref<16xf32, #tpu.memory_space<hbm>>)
      tpu.yield
    }) : () -> ()
    return
  }
}

module attributes {stable_mosaic.version = 14 : i64} {
  func.func @_tc_implies_body(%arg0: i32, %arg1: i32, %arg2: memref<512x1000xf32, #tpu.memory_space<vmem>>, %arg3: memref<1x1x512xi32, #tpu.memory_space<vmem>>, %arg4: memref<1x1x512xi32, #tpu.memory_space<vmem>>, %arg5: memref<1x1xf32, #tpu.memory_space<vmem>>, %arg6: memref<1000x512xbf16, #tpu.memory_space<vmem>>, %arg7: memref<1000x512xbf16, #tpu.memory_space<vmem>>) attributes {dimension_semantics = [#tpu.dimension_semantics<arbitrary>, #tpu.dimension_semantics<arbitrary>], iteration_bounds = array<i64: 2, 8>, scalar_prefetch = 0 : i64, scratch_operands = 2 : i64, tpu.core_type = #tpu.core_type<tc>, window_params = [{transform_indices = @transform_0, window_bounds = array<i64: 512, 1000>}, {transform_indices = @transform_1, window_bounds = array<i64: 1, 1, 512>}, {transform_indices = @transform_2, window_bounds = array<i64: 1, 1, 512>}, {pipeline_mode = #tpu.pipeline_mode<synchronous>, transform_indices = @transform_3, window_bounds = array<i64: 1, 1>}]} {
    %eq3A = arith.constant 0 : i32
    %eq3A_0 = arith.cmpi eq, %arg1, %eq3A : i32
    %convert_element_type3A = arith.extui %eq3A_0 : i1 to i32
    %cond3A = arith.constant 0 : i32
    %cond3A_1 = arith.cmpi ne, %convert_element_type3A, %cond3A : i32
    scf.if %cond3A_1 {
      %iota3A = tpu.iota {dimensions = array<i32: 0>} : vector<1000x512xi32>
      %get3A_33 = arith.constant 0 : index
      %get3A_34 = arith.constant 0 : index
      %get3A_35 = arith.constant 0 : index
      %get3A_36 = vector.load %arg3[%get3A_33, %get3A_34, %get3A_35] : memref<1x1x512xi32, #tpu.memory_space<vmem>>, vector<1x1x512xi32>
      %get3A_37 = vector.shape_cast %get3A_36 : vector<1x1x512xi32> to vector<512xi32>
      %broadcast_in_dim3A = vector.shape_cast %get3A_37 : vector<512xi32> to vector<1x512xi32>
      %eq3A_38 = vector.broadcast %broadcast_in_dim3A : vector<1x512xi32> to vector<1000x512xi32>
      %eq3A_39 = arith.cmpi eq, %iota3A, %eq3A_38 : vector<1000x512xi32>
      %convert_element_type3A_40 = arith.extui %eq3A_39 : vector<1000x512xi1> to vector<1000x512xi32>
      %convert_element_type3A_41 = arith.sitofp %convert_element_type3A_40 : vector<1000x512xi32> to vector<1000x512xf32>
      %convert_element_type3A_42 = arith.truncf %convert_element_type3A_41 : vector<1000x512xf32> to vector<1000x512xbf16>
      %swap3A = arith.constant 0 : index
      %swap3A_43 = arith.constant 0 : index
      %swap3A_44 = vector.load %arg6[%swap3A, %swap3A_43] : memref<1000x512xbf16, #tpu.memory_space<vmem>>, vector<1000x512xbf16>
      tpu.vector_store %arg6[%swap3A, %swap3A_43], %convert_element_type3A_42 {strides = array<i32>} : memref<1000x512xbf16, #tpu.memory_space<vmem>>, vector<1000x512xbf16>,
      %get3A_45 = arith.constant 0 : index
      %get3A_46 = arith.constant 0 : index
      %get3A_47 = arith.constant 0 : index
      %get3A_48 = vector.load %arg4[%get3A_45, %get3A_46, %get3A_47] : memref<1x1x512xi32, #tpu.memory_space<vmem>>, vector<1x1x512xi32>
      %get3A_49 = vector.shape_cast %get3A_48 : vector<1x1x512xi32> to vector<512xi32>
      %broadcast_in_dim3A_50 = vector.shape_cast %get3A_49 : vector<512xi32> to vector<1x512xi32>
      %eq3A_51 = vector.broadcast %broadcast_in_dim3A_50 : vector<1x512xi32> to vector<1000x512xi32>
      %eq3A_52 = arith.cmpi eq, %iota3A, %eq3A_51 : vector<1000x512xi32>
      %convert_element_type3A_53 = arith.extui %eq3A_52 : vector<1000x512xi1> to vector<1000x512xi32>
      %convert_element_type3A_54 = arith.sitofp %convert_element_type3A_53 : vector<1000x512xi32> to vector<1000x512xf32>
      %convert_element_type3A_55 = arith.truncf %convert_element_type3A_54 : vector<1000x512xf32> to vector<1000x512xbf16>
      %swap3A_56 = arith.constant 0 : index
      %swap3A_57 = arith.constant 0 : index
      %swap3A_58 = vector.load %arg7[%swap3A_56, %swap3A_57] : memref<1000x512xbf16, #tpu.memory_space<vmem>>, vector<1000x512xbf16>
      tpu.vector_store %arg7[%swap3A_56, %swap3A_57], %convert_element_type3A_55 {strides = array<i32>} : memref<1000x512xbf16, #tpu.memory_space<vmem>>, vector<1000x512xbf16>,
    } else {
    }
    %get3A = arith.constant 0 : index
    %get3A_2 = arith.constant 0 : index
    %get3A_3 = vector.load %arg2[%get3A, %get3A_2] : memref<512x1000xf32, #tpu.memory_space<vmem>>, vector<512x1000xf32>
    %convert_element_type3A_4 = arith.truncf %get3A_3 : vector<512x1000xf32> to vector<512x1000xbf16>
    %get3A_5 = arith.constant 0 : index
    %get3A_6 = arith.constant 0 : index
    %get3A_7 = vector.load %arg6[%get3A_5, %get3A_6] : memref<1000x512xbf16, #tpu.memory_space<vmem>>, vector<1000x512xbf16>
    %dot_general3A = arith.constant dense<0.000000e+00> : vector<512x512xf32>
    %dot_general3A_8 = tpu.matmul %convert_element_type3A_4, %get3A_7, %dot_general3A {dimension_numbers = #tpu.dot_dimension_numbers<[1], [0], [0], [1], [0, 0, 1, 1], [], []>, transpose_lhs_hint = false} : vector<512x1000xbf16>, vector<1000x512xbf16>, vector<512x512xf32> -> vector<512x512xf32>
    %get3A_9 = arith.constant 0 : index
    %get3A_10 = arith.constant 0 : index
    %get3A_11 = vector.load %arg7[%get3A_9, %get3A_10] : memref<1000x512xbf16, #tpu.memory_space<vmem>>, vector<1000x512xbf16>
    %dot_general3A_12 = arith.constant dense<0.000000e+00> : vector<512x512xf32>
    %dot_general3A_13 = tpu.matmul %convert_element_type3A_4, %get3A_11, %dot_general3A_12 {dimension_numbers = #tpu.dot_dimension_numbers<[1], [0], [0], [1], [0, 0, 1, 1], [], []>, transpose_lhs_hint = false} : vector<512x1000xbf16>, vector<1000x512xbf16>, vector<512x512xf32> -> vector<512x512xf32>
    %sub3A = arith.subf %dot_general3A_8, %dot_general3A_13 : vector<512x512xf32>
    %max3A = arith.constant 0.000000e+00 : f32
    %max3A_14 = vector.broadcast %max3A : f32 to vector<512x512xf32>
    %max3A_15 = arith.maximumf %sub3A, %max3A_14 : vector<512x512xf32>
    %reduce_sum3A = vector.shape_cast %max3A_15 : vector<512x512xf32> to vector<1x512x512xf32>
    %reduce_sum3A_16 = arith.constant dense<0.000000e+00> : vector<1xf32>
    %reduce_sum3A_17 = vector.multi_reduction <add>, %reduce_sum3A, %reduce_sum3A_16 [1, 2] : vector<1x512x512xf32> to vector<1xf32>
    %reduce_sum3A_18 = vector.shape_cast %reduce_sum3A_17 : vector<1xf32> to vector<1x1x1xf32>
    %reduce_sum3A_19 = vector.extract %reduce_sum3A_18[0, 0, 0] : f32 from vector<1x1x1xf32>
    %reshape3A = vector.broadcast %reduce_sum3A_19 : f32 to vector<1x1xf32>
    %eq3A_20 = arith.constant 0 : i32
    %eq3A_21 = arith.cmpi eq, %arg0, %eq3A_20 : i32
    %eq3A_22 = arith.constant 0 : i32
    %eq3A_23 = arith.cmpi eq, %arg1, %eq3A_22 : i32
    %and3A = arith.andi %eq3A_21, %eq3A_23 : i1
    %convert_element_type3A_24 = arith.extui %and3A : i1 to i32
    %cond3A_25 = arith.constant 0 : i32
    %cond3A_26 = arith.cmpi ne, %convert_element_type3A_24, %cond3A_25 : i32
    scf.if %cond3A_26 {
      %swap3A = arith.constant 0 : index
      %swap3A_33 = arith.constant 0 : index
      %swap3A_34 = vector.load %arg5[%swap3A, %swap3A_33] : memref<1x1xf32, #tpu.memory_space<vmem>>, vector<1x1xf32>
      tpu.vector_store %arg5[%swap3A, %swap3A_33], %reshape3A {strides = array<i32>} : memref<1x1xf32, #tpu.memory_space<vmem>>, vector<1x1xf32>,
    } else {
    }
    %gt3A = arith.constant 0 : i32
    %gt3A_27 = arith.cmpi sgt, %arg0, %gt3A : i32
    %gt3A_28 = arith.constant 0 : i32
    %gt3A_29 = arith.cmpi sgt, %arg1, %gt3A_28 : i32
    %or3A = arith.ori %gt3A_27, %gt3A_29 : i1
    %convert_element_type3A_30 = arith.extui %or3A : i1 to i32
    %cond3A_31 = arith.constant 0 : i32
    %cond3A_32 = arith.cmpi ne, %convert_element_type3A_30, %cond3A_31 : i32
    scf.if %cond3A_32 {
      %get3A_33 = arith.constant 0 : index
      %get3A_34 = arith.constant 0 : index
      %get3A_35 = vector.load %arg5[%get3A_33, %get3A_34] : memref<1x1xf32, #tpu.memory_space<vmem>>, vector<1x1xf32>
      %add3A = arith.addf %get3A_35, %reshape3A : vector<1x1xf32>
      %swap3A = arith.constant 0 : index
      %swap3A_36 = arith.constant 0 : index
      %swap3A_37 = vector.load %arg5[%swap3A, %swap3A_36] : memref<1x1xf32, #tpu.memory_space<vmem>>, vector<1x1xf32>
      tpu.vector_store %arg5[%swap3A, %swap3A_36], %add3A {strides = array<i32>} : memref<1x1xf32, #tpu.memory_space<vmem>>, vector<1x1xf32>,
    } else {
    }
    return
  }
  func.func @transform_0(%arg0: i32, %arg1: i32) -> (i32, i32) {
    %c0_i32 = arith.constant 0 : i32
    %c0_i32_0 = arith.constant 0 : i32
    return %arg1, %c0_i32 : i32, i32
  }
  func.func @transform_1(%arg0: i32, %arg1: i32) -> (i32, i32, i32) {
    %c0_i32 = arith.constant 0 : i32
    %c0_i32_0 = arith.constant 0 : i32
    %c0_i32_1 = arith.constant 0 : i32
    return %arg0, %c0_i32, %c0_i32_0 : i32, i32, i32
  }
  func.func @transform_2(%arg0: i32, %arg1: i32) -> (i32, i32, i32) {
    %c0_i32 = arith.constant 0 : i32
    %c0_i32_0 = arith.constant 0 : i32
    %c0_i32_1 = arith.constant 0 : i32
    return %arg0, %c0_i32, %c0_i32_0 : i32, i32, i32
  }
  func.func @transform_3(%arg0: i32, %arg1: i32) -> (i32, i32) {
    %c0_i32 = arith.constant 0 : i32
    %c0_i32_0 = arith.constant 0 : i32
    %c0_i32_1 = arith.constant 0 : i32
    return %c0_i32, %c0_i32_0 : i32, i32
  }
}

module attributes {stable_mosaic.version = 14 : i64} {
  func.func @_tc_mutex_body(%arg0: i32, %arg1: memref<512x1000xf32, #tpu.memory_space<vmem>>, %arg2: memref<1x1x512xi32, #tpu.memory_space<vmem>>, %arg3: memref<1x1x512xi32, #tpu.memory_space<vmem>>, %arg4: memref<1x1xf32, #tpu.memory_space<vmem>>, %arg5: memref<1000x1000xf32, #tpu.memory_space<vmem>>, %arg6: memref<1000x1000xf32, #tpu.memory_space<vmem>>) attributes {dimension_semantics = [#tpu.dimension_semantics<arbitrary>], iteration_bounds = array<i64: 8>, scalar_prefetch = 0 : i64, scratch_operands = 2 : i64, tpu.core_type = #tpu.core_type<tc>, window_params = [{transform_indices = @transform_0, window_bounds = array<i64: 512, 1000>}, {transform_indices = @transform_1, window_bounds = array<i64: 1, 1, 512>}, {transform_indices = @transform_2, window_bounds = array<i64: 1, 1, 512>}, {pipeline_mode = #tpu.pipeline_mode<synchronous>, transform_indices = @transform_3, window_bounds = array<i64: 1, 1>}]} {
    %get3A = arith.constant 0 : index
    %get3A_0 = arith.constant 0 : index
    %get3A_1 = vector.load %arg1[%get3A, %get3A_0] : memref<512x1000xf32, #tpu.memory_space<vmem>>, vector<512x1000xf32>
    %convert_element_type3A = arith.truncf %get3A_1 : vector<512x1000xf32> to vector<512x1000xbf16>
    %dot_general3A = arith.constant dense<0.000000e+00> : vector<1000x1000xf32>
    %dot_general3A_2 = tpu.matmul %convert_element_type3A, %convert_element_type3A, %dot_general3A {dimension_numbers = #tpu.dot_dimension_numbers<[0], [0], [1], [1], [0, 1, 1, 1], [], []>, transpose_lhs_hint = false} : vector<512x1000xbf16>, vector<512x1000xbf16>, vector<1000x1000xf32> -> vector<1000x1000xf32>
    %get3A_3 = arith.constant 0 : index
    %get3A_4 = arith.constant 0 : index
    %get3A_5 = arith.constant 0 : index
    %get3A_6 = vector.load %arg2[%get3A_3, %get3A_4, %get3A_5] : memref<1x1x512xi32, #tpu.memory_space<vmem>>, vector<1x1x512xi32>
    %get3A_7 = vector.shape_cast %get3A_6 : vector<1x1x512xi32> to vector<512xi32>
    %get3A_8 = arith.constant 0 : index
    %get3A_9 = arith.constant 0 : index
    %get3A_10 = arith.constant 0 : index
    %get3A_11 = vector.load %arg3[%get3A_8, %get3A_9, %get3A_10] : memref<1x1x512xi32, #tpu.memory_space<vmem>>, vector<1x1x512xi32>
    %get3A_12 = vector.shape_cast %get3A_11 : vector<1x1x512xi32> to vector<512xi32>
    %iota3A = tpu.iota {dimensions = array<i32: 1>} : vector<512x1000xi32>
    %broadcast_in_dim3A = vector.shape_cast %get3A_7 : vector<512xi32> to vector<512x1xi32>
    %eq3A = vector.broadcast %broadcast_in_dim3A : vector<512x1xi32> to vector<512x1000xi32>
    %eq3A_13 = arith.cmpi eq, %iota3A, %eq3A : vector<512x1000xi32>
    %convert_element_type3A_14 = arith.extui %eq3A_13 : vector<512x1000xi1> to vector<512x1000xi32>
    %convert_element_type3A_15 = arith.sitofp %convert_element_type3A_14 : vector<512x1000xi32> to vector<512x1000xf32>
    %convert_element_type3A_16 = arith.truncf %convert_element_type3A_15 : vector<512x1000xf32> to vector<512x1000xbf16>
    %broadcast_in_dim3A_17 = vector.shape_cast %get3A_12 : vector<512xi32> to vector<512x1xi32>
    %eq3A_18 = vector.broadcast %broadcast_in_dim3A_17 : vector<512x1xi32> to vector<512x1000xi32>
    %eq3A_19 = arith.cmpi eq, %iota3A, %eq3A_18 : vector<512x1000xi32>
    %convert_element_type3A_20 = arith.extui %eq3A_19 : vector<512x1000xi1> to vector<512x1000xi32>
    %convert_element_type3A_21 = arith.sitofp %convert_element_type3A_20 : vector<512x1000xi32> to vector<512x1000xf32>
    %convert_element_type3A_22 = arith.truncf %convert_element_type3A_21 : vector<512x1000xf32> to vector<512x1000xbf16>
    %dot_general3A_23 = arith.constant dense<0.000000e+00> : vector<1000x1000xf32>
    %dot_general3A_24 = tpu.matmul %convert_element_type3A_16, %convert_element_type3A_22, %dot_general3A_23 {dimension_numbers = #tpu.dot_dimension_numbers<[0], [0], [1], [1], [0, 1, 1, 1], [], []>, transpose_lhs_hint = false} : vector<512x1000xbf16>, vector<512x1000xbf16>, vector<1000x1000xf32> -> vector<1000x1000xf32>
    %eq3A_25 = arith.constant 0 : i32
    %eq3A_26 = arith.cmpi eq, %arg0, %eq3A_25 : i32
    %convert_element_type3A_27 = arith.extui %eq3A_26 : i1 to i32
    %cond3A = arith.constant 0 : i32
    %cond3A_28 = arith.cmpi ne, %convert_element_type3A_27, %cond3A : i32
    scf.if %cond3A_28 {
      %swap3A = arith.constant 0 : index
      %swap3A_38 = arith.constant 0 : index
      %swap3A_39 = vector.load %arg5[%swap3A, %swap3A_38] : memref<1000x1000xf32, #tpu.memory_space<vmem>>, vector<1000x1000xf32>
      tpu.vector_store %arg5[%swap3A, %swap3A_38], %dot_general3A_2 {strides = array<i32>} : memref<1000x1000xf32, #tpu.memory_space<vmem>>, vector<1000x1000xf32>,
      %swap3A_40 = arith.constant 0 : index
      %swap3A_41 = arith.constant 0 : index
      %swap3A_42 = vector.load %arg6[%swap3A_40, %swap3A_41] : memref<1000x1000xf32, #tpu.memory_space<vmem>>, vector<1000x1000xf32>
      tpu.vector_store %arg6[%swap3A_40, %swap3A_41], %dot_general3A_24 {strides = array<i32>} : memref<1000x1000xf32, #tpu.memory_space<vmem>>, vector<1000x1000xf32>,
    } else {
    }
    %gt3A = arith.constant 0 : i32
    %gt3A_29 = arith.cmpi sgt, %arg0, %gt3A : i32
    %convert_element_type3A_30 = arith.extui %gt3A_29 : i1 to i32
    %cond3A_31 = arith.constant 0 : i32
    %cond3A_32 = arith.cmpi ne, %convert_element_type3A_30, %cond3A_31 : i32
    scf.if %cond3A_32 {
      %get3A_38 = arith.constant 0 : index
      %get3A_39 = arith.constant 0 : index
      %get3A_40 = vector.load %arg5[%get3A_38, %get3A_39] : memref<1000x1000xf32, #tpu.memory_space<vmem>>, vector<1000x1000xf32>
      %add3A = arith.addf %get3A_40, %dot_general3A_2 : vector<1000x1000xf32>
      %swap3A = arith.constant 0 : index
      %swap3A_41 = arith.constant 0 : index
      %swap3A_42 = vector.load %arg5[%swap3A, %swap3A_41] : memref<1000x1000xf32, #tpu.memory_space<vmem>>, vector<1000x1000xf32>
      tpu.vector_store %arg5[%swap3A, %swap3A_41], %add3A {strides = array<i32>} : memref<1000x1000xf32, #tpu.memory_space<vmem>>, vector<1000x1000xf32>,
      %get3A_43 = arith.constant 0 : index
      %get3A_44 = arith.constant 0 : index
      %get3A_45 = vector.load %arg6[%get3A_43, %get3A_44] : memref<1000x1000xf32, #tpu.memory_space<vmem>>, vector<1000x1000xf32>
      %add3A_46 = arith.addf %get3A_45, %dot_general3A_24 : vector<1000x1000xf32>
      %swap3A_47 = arith.constant 0 : index
      %swap3A_48 = arith.constant 0 : index
      %swap3A_49 = vector.load %arg6[%swap3A_47, %swap3A_48] : memref<1000x1000xf32, #tpu.memory_space<vmem>>, vector<1000x1000xf32>
      tpu.vector_store %arg6[%swap3A_47, %swap3A_48], %add3A_46 {strides = array<i32>} : memref<1000x1000xf32, #tpu.memory_space<vmem>>, vector<1000x1000xf32>,
    } else {
    }
    %eq3A_33 = arith.constant 7 : i32
    %eq3A_34 = arith.cmpi eq, %arg0, %eq3A_33 : i32
    %convert_element_type3A_35 = arith.extui %eq3A_34 : i1 to i32
    %cond3A_36 = arith.constant 0 : i32
    %cond3A_37 = arith.cmpi ne, %convert_element_type3A_35, %cond3A_36 : i32
    scf.if %cond3A_37 {
      %get3A_38 = arith.constant 0 : index
      %get3A_39 = arith.constant 0 : index
      %get3A_40 = vector.load %arg5[%get3A_38, %get3A_39] : memref<1000x1000xf32, #tpu.memory_space<vmem>>, vector<1000x1000xf32>
      %get3A_41 = arith.constant 0 : index
      %get3A_42 = arith.constant 0 : index
      %get3A_43 = vector.load %arg6[%get3A_41, %get3A_42] : memref<1000x1000xf32, #tpu.memory_space<vmem>>, vector<1000x1000xf32>
      %mul3A = arith.mulf %get3A_40, %get3A_43 : vector<1000x1000xf32>
      %reduce_sum3A = vector.shape_cast %mul3A : vector<1000x1000xf32> to vector<1x1000x1000xf32>
      %reduce_sum3A_44 = arith.constant dense<0.000000e+00> : vector<1xf32>
      %reduce_sum3A_45 = vector.multi_reduction <add>, %reduce_sum3A, %reduce_sum3A_44 [1, 2] : vector<1x1000x1000xf32> to vector<1xf32>
      %reduce_sum3A_46 = vector.shape_cast %reduce_sum3A_45 : vector<1xf32> to vector<1x1x1xf32>
      %reduce_sum3A_47 = vector.extract %reduce_sum3A_46[0, 0, 0] : f32 from vector<1x1x1xf32>
      %reshape3A = vector.broadcast %reduce_sum3A_47 : f32 to vector<1x1xf32>
      %swap3A = arith.constant 0 : index
      %swap3A_48 = arith.constant 0 : index
      %swap3A_49 = vector.load %arg4[%swap3A, %swap3A_48] : memref<1x1xf32, #tpu.memory_space<vmem>>, vector<1x1xf32>
      tpu.vector_store %arg4[%swap3A, %swap3A_48], %reshape3A {strides = array<i32>} : memref<1x1xf32, #tpu.memory_space<vmem>>, vector<1x1xf32>,
    } else {
    }
    return
  }
  func.func @transform_0(%arg0: i32) -> (i32, i32) {
    %c0_i32 = arith.constant 0 : i32
    %c0_i32_0 = arith.constant 0 : i32
    return %arg0, %c0_i32 : i32, i32
  }
  func.func @transform_1(%arg0: i32) -> (i32, i32, i32) {
    %c0_i32 = arith.constant 0 : i32
    %c0_i32_0 = arith.constant 0 : i32
    %c0_i32_1 = arith.constant 0 : i32
    return %arg0, %c0_i32, %c0_i32_0 : i32, i32, i32
  }
  func.func @transform_2(%arg0: i32) -> (i32, i32, i32) {
    %c0_i32 = arith.constant 0 : i32
    %c0_i32_0 = arith.constant 0 : i32
    %c0_i32_1 = arith.constant 0 : i32
    return %arg0, %c0_i32, %c0_i32_0 : i32, i32, i32
  }
  func.func @transform_3(%arg0: i32) -> (i32, i32) {
    %c0_i32 = arith.constant 0 : i32
    %c0_i32_0 = arith.constant 0 : i32
    %c0_i32_1 = arith.constant 0 : i32
    return %c0_i32, %c0_i32_0 : i32, i32
  }
}

</mosaic_0001>

<sc_bundles>
// kernel: kernel.5.cloned.1.call-start
scs
__scs_entry_jumppad:
0x0: {  	(pc) =	sbr.rel $0x88, $3  }
0x1: {  	(tag) =	ssettag $0x0;
	lr =	simm.s32 $0x1  }
0x2: {  	[smem:$0x3F9E] =	sst lr;
	_ =	strace $0xD0000000  }
0x3: {  	_ = 	snop  }
0x4: {  	_ = 	snop  }
0x5: {  	_ = 	snop  }
0x6: {  	_ = 	snop  }
0x7: {  	_ = 	snop  }
__scs_overlays_trampoline_lowered:
0x8: {  	[smem:$0x3FAD] =	sst s0  }
0x9: {  	[smem:$0x3FAE] =	sst s1  }
0xa: {  	[smem:$0x3FAF] =	sst s2  }
0xb: {  	[smem:$0x3FB0] =	sst s3  }
0xc: {  	[smem:$0x3FB1] =	sst s4  }
0xd: {  	[smem:$0x3FB2] =	sst s5  }
0xe: {  	[smem:$0x3FB3] =	sst s6  }
0xf: {  	[smem:$0x3FB4] =	sst s7  }
0x10: {  	[smem:$0x3FB5] =	sst s8  }
0x11: {  	[smem:$0x3FB6] =	sst s9;
	s0 =	simm.s32 @!p0 $0x0  }
0x12: {  	s1 =	sld [smem:$0x3F9C];
	s0 =	simm.s32 @p0 $0x1  }
0x13: {  	[smem:$0x3FB7] =	sst s0;
	s0 =	simm.s32 @!p1 $0x0  }
0x14: {  	s2 =	sld [smem:$0x3F9B];
	s0 =	simm.s32 @p1 $0x1  }
0x15: {  	[smem:$0x3FB8] =	sst s0;
	s0 =	simm.s32 @!p2 $0x0  }
0x16: {  	s3 =	sld [smem:$0x3FDB];
	s0 =	simm.s32 @p2 $0x1  }
0x17: {  	s4 =	simm.s32 $0x1BF5;
	[smem:$0x3FBA] =	sst s0  }
0x18: {  	s0 =	sld [smem:$0x3F9D];
	_ =	swait.ge [sflag:s4], $0x0  }
0x19: {  	s7 =	sld [smem:$0x3F9E]  }
0x1a: {  	s8 =	sadd.s32 $0xFFFFE003, lr  }
0x1b: {  	s9 =	sadd.s32 $0xFFFFFEF7, lr;
	s5 =	simm.s32 $0xFFFFFFFF;
	p2 =	slt.u32 s8, $0xFFFFF086  }
0x1c: {  	p1 =	slt.u32 s9, $0xF7A;
	s5 =	simm.s32 @!p2 $0x0  }
0x1d: {  	s5 =	simm.s32 @p1 $0x1;
	p0 =	seq.s32 s7, s2  }
0x1e: {  	s7 =	smul.u32 @!p0 $0xF7A, s2;
	p2 =	seq.s32 @!p0 s5, $0x0  }
0x1f: {  	s9 =	smul.u32 $0xF7A, s1;
	s8 =	simm.s32 @!p0 $0x1BF5;
	p2 =	por !p2, p0  }
0x20: {  	[sflag:s8] =	ssyncset.s32 @!p0 $0xFFFFF086;
	s6 =	sadd.s32 @!p0 s3, s7;
	s7 =	simm.s32 @!p0 $0x108  }
0x21: {  	s3 =	sadd.s32 s3, s9;
	s6 =	sadd.s32 @!p0 $0x88, s6;
	s7 =	simm.s32 @p2 $0x1082  }
0x22: {  	[simem:s7], [sflag:s8] =	dma.local @!p0 [hbm:s6], $0xF7A  }
0x23: {  	s9 =	sor.u32 $0xD0000000, s2;
	s6 =	simm.s32 $0x108;
	_ =	swait.ge @!p0 [sflag:s8], $0x0  }
0x24: {  	s3 =	sadd.s32 $0x88, s3;
	s6 =	simm.s32 @!p1 $0x1082;
	[sflag:s4] =	ssyncset.s32 $0xFFFFF086  }
0x25: {  	[simem:s6], [sflag:s4] =	dma.local [hbm:s3], $0xF7A  }
0x26: {  	[smem:$0x3F9E] =	sst s1;
	(tag) =	ssettag s2;
	_ =	strace s9  }
0x27: {  	s1 =	sld [smem:$0x3FAE]  }
0x28: {  	s2 =	sld [smem:$0x3FAF]  }
0x29: {  	s4 =	sld [smem:$0x3FB1]  }
0x2a: {  	p0 =	seq.s32 s5, $0x0;
	s5 =	sld [smem:$0x3FB2]  }
0x2b: {  	s6 =	sld [smem:$0x3FB3]  }
0x2c: {  	s7 =	sld [smem:$0x3FB4]  }
0x2d: {  	s3 =	simm.s32 $0x108;
	s8 =	sld [smem:$0x3FB5]  }
0x2e: {  	s3 =	simm.s32 @!p0 $0x1082;
	s9 =	sld [smem:$0x3FB6]  }
0x2f: {  	lr =	sadd.s32 s0, s3;
	s0 =	sld [smem:$0x3FAD]  }
0x30: {  	s3 =	sld [smem:$0x3FB0]  }
0x31: {  	[smem:$0x3FB9] =	sst s10  }
0x32: {  	s10 =	sld [smem:$0x3FB7];
	_ =	sdelay $0x3  }
0x33: {  	p0 =	seq.s32 s10, $0x1;
	s10 =	sld [smem:$0x3FB9];
	_ =	sdelay $0x3  }
0x34: {  	[smem:$0x3FB9] =	sst s10  }
0x35: {  	s10 =	sld [smem:$0x3FB8];
	_ =	sdelay $0x3  }
0x36: {  	p1 =	seq.s32 s10, $0x1;
	s10 =	sld [smem:$0x3FB9];
	_ =	sdelay $0x3  }
0x37: {  	[smem:$0x3FB9] =	sst s10  }
0x38: {  	s10 =	sld [smem:$0x3FBA]  }
0x39: {  	_ = 	snop;
	(pc) =	sbr.ind lr, $3  }
0x3a: {  	_ = 	snop  }
0x3b: {  	_ = 	snop  }
0x3c: {  	p2 =	seq.s32 s10, $0x1;
	s10 =	sld [smem:$0x3FB9]  }
0x3d: {  	_ =	shalt  }
0x3e: {  	_ =	shalt  }
0x3f: {  	_ =	shalt  }
0x40: {  	_ =	shalt  }
0x41: {  	_ =	shalt  }
0x42: {  	_ =	shalt  }
0x43: {  	_ =	shalt  }
0x44: {  	_ =	shalt  }
0x45: {  	_ =	shalt  }
0x46: {  	_ =	shalt  }
0x47: {  	_ =	shalt  }
0x48: {  	_ =	shalt  }
0x49: {  	_ =	shalt  }
0x4a: {  	_ =	shalt  }
0x4b: {  	_ =	shalt  }
0x4c: {  	_ =	shalt  }
0x4d: {  	_ =	shalt  }
0x4e: {  	_ =	shalt  }
0x4f: {  	_ =	shalt  }
0x50: {  	_ =	shalt  }
0x51: {  	_ =	shalt  }
0x52: {  	_ =	shalt  }
0x53: {  	_ =	shalt  }
0x54: {  	_ =	shalt  }
0x55: {  	_ =	shalt  }
0x56: {  	_ =	shalt  }
0x57: {  	_ =	shalt  }
0x58: {  	_ =	shalt  }
0x59: {  	_ =	shalt  }
0x5a: {  	_ =	shalt  }
0x5b: {  	_ =	shalt  }
0x5c: {  	_ =	shalt  }
0x5d: {  	_ =	shalt  }
0x5e: {  	_ =	shalt  }
0x5f: {  	_ =	shalt  }
0x60: {  	_ =	shalt  }
0x61: {  	_ =	shalt  }
0x62: {  	_ =	shalt  }
0x63: {  	_ =	shalt  }
0x64: {  	_ =	shalt  }
0x65: {  	_ =	shalt  }
0x66: {  	_ =	shalt  }
0x67: {  	_ =	shalt  }
0x68: {  	_ =	shalt  }
0x69: {  	_ =	shalt  }
0x6a: {  	_ =	shalt  }
0x6b: {  	_ =	shalt  }
0x6c: {  	_ =	shalt  }
0x6d: {  	_ =	shalt  }
0x6e: {  	_ =	shalt  }
0x6f: {  	_ =	shalt  }
0x70: {  	_ =	shalt  }
0x71: {  	_ =	shalt  }
0x72: {  	_ =	shalt  }
0x73: {  	_ =	shalt  }
0x74: {  	_ =	shalt  }
0x75: {  	_ =	shalt  }
0x76: {  	_ =	shalt  }
0x77: {  	_ =	shalt  }
0x78: {  	_ =	shalt  }
0x79: {  	_ =	shalt  }
0x7a: {  	_ =	shalt  }
0x7b: {  	_ =	shalt  }
0x7c: {  	_ =	shalt  }
0x7d: {  	_ =	shalt  }
0x7e: {  	_ =	shalt  }
0x7f: {  	_ =	shalt  }
0x80: {  	_ =	shalt  }
0x81: {  	_ =	shalt  }
0x82: {  	_ =	shalt  }
0x83: {  	_ =	shalt  }
0x84: {  	_ =	shalt  }
0x85: {  	_ =	shalt  }
0x86: {  	_ =	shalt  }
0x87: {  	_ =	shalt  }
.Lfunc_end0:
.L_simem_size_0:
called_computation_lowered:
.L_overlay_start_0:
0x88: {  	s2 =	sld [smem:$0x3FD9]  }
0x89: {  	s3 =	sld [smem:$0x3FFE];
	_ =	sdelay $0x1  }
0x8a: {  	s1 =	srdreg.scid  }
0x8b: {  	s0 =	sand.u32 $0x1, s1  }
0x8c: {  	s16 =	sshll.u32 s0, $0xA;
	s2 =	sadd.s32 s3, s2  }
0x8d: {  	s2 =	sadd.s32 s2, s16  }
0x8e: {  	[smem:$0x3FC5] =	sst s2  }
0x8f: {  	_ = 	snop  }
0x90: {  	(tm) =	ssettm $0x1  }
0x91: {  	s17 =	sld [smem:$0x3FFB];
	_ =	sdelay $0x3  }
0x92: {  	_ =	strace s17  }
0x93: {  	s2 =	sld [smem:$0x3FFC];
	_ =	sdelay $0x3  }
0x94: {  	_ =	strace s2  }
0x95: {  	s2 =	sld [smem:$0x3FFD];
	_ =	sdelay $0x3  }
0x96: {  	_ =	strace s2  }
0x97: {  	_ =	strace $0x8FFFFFFF  }
0x98: {  	s18 =	sld [smem:$0x3FDB];
	_ =	sdelay $0x1  }
0x99: {  	s19 =	simm.s32 $_scs_section_size  }
0x9a: {  	s4 =	simm.s32 $_size__tile_overlayer_lowered;
	s5 =	simm.s32 $_tile_overlayer_lowered  }
0x9b: {  	s22 =	simm.s32 $0x1BFF;
	s21 =	sshll.u32 s5, $0x1;
	s2 =	sadd.s32 s19, s18  }
0x9c: {  	s6 =	simm.s32 $0x0;
	s20 =	sshll.u32 s4, $0x1;
	s4 =	sadd.s32 s21, s2  }
0x9d: {  	[timem:s6], [sflag:s22] =	dma.local [hbm:s4], s20  }
0x9e: {  	_ =	swait.ge [sflag:s22], s20  }
0x9f: {  	s3 =	ssub.s32 $0x0, s20;
	[sflag:s22] =	ssyncset.done $0x0  }
0xa0: {  	[sflag:s22] =	ssyncadd.s32 s3;
	_ =	sdelay $0x1  }
0xa1: {  	s23 =	simm.s32 $0x1B8B  }
0xa2: {  	_ =	swait.ge [sflag:s23], $0x1  }
0xa3: {  	[sflag:s23] =	ssyncset.done $0x0  }
0xa4: {  	s25 =	simm.s32 $0x1B8E;
	s24 =	sld [smem:$0x3FFE];
	[sflag:s23] =	ssyncadd.s32 $0xFFFFFFFF  }
0xa5: {  	s26 =	simm.s32 $execute0_lowered;
	[smem:$0x3FD2] =	sst s25  }
0xa6: {  	s4 =	sshll.u32 s26, $0x1;
	_ =	strace $0x80000046;
	[dreg:$0x1] =	wrdreg $0xFFFFFFFF  }
0xa7: {  	s28 =	simm.s32 $_size_execute0_lowered;
	s2 =	sadd.s32 s2, s4;
	[dreg:$0x0] =	wrdreg $0x0  }
0xa8: {  	s4 =	sshll.u32 s28, $0x1;
	[dreg:$0x2] =	wrdreg s2  }
0xa9: {  	[dreg:$0x3] =	wrdreg s4  }
0xaa: {  	[dreg:$0x4] =	wrdreg $0xC0  }
0xab: {  	_ =	task [dreg:s6], $0x5FFFF  }
0xac: {  	[dreg:$0x1] =	wrdreg $0xFFFFFFFF  }
0xad: {  	[dreg:$0x0] =	wrdreg $0x60  }
0xae: {  	[dreg:$0x2] =	wrdreg s24  }
0xaf: {  	[dreg:$0x3] =	wrdreg $0x9  }
0xb0: {  	_ =	task.clear_ibuf [dreg:s6], $0x4FFFF;
	_ =	strace $0x90000046  }
0xb1: {  	s29 =	simm.s32 $0x9;
	_ =	strace $0x80000048  }
0xb2: {  	_ =	swait.ge [sflag:s29], $0x1  }
0xb3: {  	[sflag:s29] =	ssyncadd.s32 $0xFFFFFFFF  }
0xb4: {  	_ =	strace $0x90000048  }
0xb5: {  	_ =	sfence  }
0xb6: {  	s30 =	sld [smem:$0x0];
	_ =	sdelay $0x2  }
0xb7: {  	s31 =	sshll.u32 s1, $0xD;
	s1 =	sshrl.u32 s1, $0x2  }
0xb8: {  	s3 =	sand.u32 $0x4000, s31;
	s1 =	sadd.s32 s1, s30  }
0xb9: {  	s0 =	sor.u32 s3, s0;
	s1 =	sshll.u32 s1, $0x11  }
0xba: {  	s0 =	sor.u32 s1, s0  }
0xbb: {  	s0 =	sadd.s32 $0x8F2B, s0  }
0xbc: {  	[sflag:s0] =	ssyncadd.remote.s32 $0x1  }
0xbd: {  	_ =	sfence.sel $0xFFFF  }
0xbe: {  	[dreg:$0x0] =	wrdreg $0xFFFFFFFF;
	(pc) =	sbr.abs _section_cstart, $3  }
0xbf: {  	[dreg:$0x1] =	wrdreg $0xFFFFFFFF  }
0xc0: {  	_ =	task.clear_ibuf [dreg:s6], $0x2FFFF;
	_ =	strace $0x9FFFFFFF  }
0xc1: {  	(tm) =	ssettm $0x7FFFFFFF  }
tec
execute0_lowered:
.L_overlay_start_1:
0x0: {  	(tag) =	ssettag $0x1  }
0x1: {  	s0 =	srdreg.scid;
	s2 =	stileid.u32  }
0x2: {  	s1 =	rddreg [dreg:$0x0];
	s12 =	simm.s32 $0x1;
	s13 =	simm.s32 $0x18600  }
0x3: {  	s14 =	simm.s32 $0xFA00;
	s15 =	simm.s32 $0x19200;
	s16 =	simm.s32 $0x0  }
0x4: {  	s0 =	sand.u32 $0x1, s0;
	s3 =	sshll.u32 s2, $0x1;
	s2 =	simm.s32 $0x0  }
0x5: {  	s4 =	sor.u32 s0, s3;
	[smem:$0x7FF] =	sst s2;
	s0 =	ssub.s32 $0x2, s0  }
0x6: {  	s3 =	sshll.u32 s4, $0xE;
	_ =	strace $0x80000047;
	s5 =	sshll.u32 s4, $0x4  }
0x7: {  	s6 =	sshrl.u32 s0, $0x1;
	s4 =	sadd.s32 $0x80E00, s1;
	s8 =	sadd.s32 s3, s1  }
0x8: {  	s3 =	sadd.s32 $0x80C00, s1;
	s1 =	sadd.s32 s5, s1;
	s0 =	ssub.s32 s0, s6  }
0x9: {  	s5 =	sadd.s32 $0xC00, s8;
	s6 =	sadd.s32 $0x1C00, s8;
	s7 =	sadd.s32 $0x2C00, s8  }
0xa: {  	v0 =	vimm.bf16 $0.0e+00;
	s8 =	sadd.s32 $0x3C00, s8;
	s9 =	sadd.s32 $0x81000, s1;
	s10 =	smax.u32 s0, $0x1  }
.LBB2_1:
0xb: {  	s0 =	simm.s32 $0x17A00  }
0xc: {  	[tilespmem:s0], [sflag:$0x1] =	stream.linear.gather [hbm4b:s3+s2], $0xC00, $0x38;
	[tilespmem:$0x19280] =	vst v63  }
0xd: {  	_ =	swait.ge [sflag:s12], $0xC00  }
0xe: {  	[sflag:s12] =	ssyncset.done $0x0  }
0xf: {  	[sflag:s12] =	ssyncadd.s32 $0xFFFFF400  }
0x10: {  	[tilespmem:s13], [sflag:$0x1] =	stream.linear.gather [hbm4b:s4+s2], $0xC00, $0x38;
	[tilespmem:$0x19280] =	vst v63  }
0x11: {  	_ =	swait.ge [sflag:s12], $0xC00  }
0x12: {  	[sflag:s12] =	ssyncset.done $0x0  }
0x13: {  	[sflag:s12] =	ssyncadd.s32 $0xFFFFF400  }
0x14: {  	[tilespmem:s14], [sflag:$0x1] =	stream.linear.gather [hbm4b:s5+s2], $0x8000, $0x38;
	[tilespmem:$0x19280] =	vst v63  }
0x15: {  	s17 =	simm.s32 $0x40;
	s18 =	simm.s32 $0x0;
	_ =	swait.ge [sflag:s12], $0x8000  }
0x16: {  	s19 =	simm.s32 $0x0;
	s20 =	simm.s32 $0x0;
	[sflag:s12] =	ssyncset.done $0x0  }
0x17: {  	s21 =	simm.s32 $0x0;
	s22 =	simm.s32 $0x0;
	[sflag:s12] =	ssyncadd.s32 $0xFFFF8000  }
.LBB2_2:
0x18: {  	s0 =	sshll.u32 s19, $0x2;
	s1 =	sand.u32 $0x3, s18  }
0x19: {  	s0 =	sand.u32 $0xFFFF8000, s0;
	s1 =	sshll.u32 s1, $0xA  }
0x1a: {  	s0 =	sor.u32 s1, s0  }
0x1b: {  	s0 =	sshrl.u32 s0, $0x2  }
0x1c: {  	s0 =	sadd.s32 $0xFA80, s0  }
0x1d: {  	v1 =	vld [tilespmem:s0+$0xFFFFFF80]  }
0x1e: {  	v2 =	vld [tilespmem:s0+$0x0];
	_ =	sdelay $0x1  }
0x1f: {  	s25 =	sshll.u32 s21, $0x2;
	s11 =	sand.u32 $0xF, s20  }
0x20: {  	s11 =	sshll.u32 s11, $0x5;
	s1 =	sand.u32 $0xFFFFFE00, s25  }
0x21: {  	s1 =	sor.u32 s11, s1  }
0x22: {  	s25 =	sshrl.u32 s1, $0x2;
	v1 =	vpack.i.f32.bf16 v2, v1  }
0x23: {  	[tilespmem:s25+$0x0] =	vst v1  }
0x24: {  	v1 =	vld [tilespmem:s0+$0x10]  }
0x25: {  	v2 =	vld [tilespmem:s0+$0xFFFFFF90];
	_ =	sdelay $0x4  }
0x26: {  	v1 =	vpack.i.f32.bf16 v1, v2  }
0x27: {  	[tilespmem:s17+$0xFFFFFFD0] =	vst v1  }
0x28: {  	v1 =	vld [tilespmem:s0+$0xFFFFFFA0]  }
0x29: {  	v2 =	vld [tilespmem:s0+$0x20];
	_ =	sdelay $0x4  }
0x2a: {  	v1 =	vpack.i.f32.bf16 v2, v1  }
0x2b: {  	[tilespmem:s17+$0xFFFFFFE0] =	vst v1  }
0x2c: {  	v1 =	vld [tilespmem:s0+$0xFFFFFFB0]  }
0x2d: {  	v2 =	vld [tilespmem:s0+$0x30];
	_ =	sdelay $0x4  }
0x2e: {  	v1 =	vpack.i.f32.bf16 v2, v1  }
0x2f: {  	[tilespmem:s17+$0xFFFFFFF0] =	vst v1  }
0x30: {  	v1 =	vld [tilespmem:s0+$0xFFFFFFC0]  }
0x31: {  	v2 =	vld [tilespmem:s0+$0x40];
	_ =	sdelay $0x4  }
0x32: {  	v1 =	vpack.i.f32.bf16 v2, v1  }
0x33: {  	[tilespmem:s17+$0x0] =	vst v1  }
0x34: {  	v1 =	vld [tilespmem:s0+$0xFFFFFFD0]  }
0x35: {  	v2 =	vld [tilespmem:s0+$0x50];
	_ =	sdelay $0x4  }
0x36: {  	v1 =	vpack.i.f32.bf16 v2, v1  }
0x37: {  	[tilespmem:s17+$0x10] =	vst v1  }
0x38: {  	v1 =	vld [tilespmem:s0+$0xFFFFFFE0]  }
0x39: {  	v2 =	vld [tilespmem:s0+$0x60];
	_ =	sdelay $0x3  }
0x3a: {  	s26 =	sshll.u32 s22, $0x8;
	s23 =	smul.u32 $0x3E8, s22;
	s28 =	sshll.u32 s22, $0xB  }
0x3b: {  	s31 =	simm.s32 $0x0;
	s30 =	smov.u32 s17;
	s29 =	sand.u32 $0x300, s26;
	v1 =	vpack.i.f32.bf16 v2, v1  }
0x3c: {  	s26 =	sand.u32 $0x78, s23;
	s1 =	sadd.s32 $0x80, s17;
	s24 =	smov.u32 s0;
	[tilespmem:s17+$0x20] =	vst v1  }
.LBB2_3:
0x3d: {  	s31 =	sadd.s32 $0x8, s31;
	v1 =	vld [tilespmem:s0+$0xFFFFFFF0];
	s25 =	sadd.s32 $0x80, s25;
	s24 =	sadd.s32 $0x400, s24  }
0x3e: {  	p0 =	slt.u32 s31, $0x30;
	v2 =	vld [tilespmem:s0+$0x70];
	s0 =	smov.u32 s24;
	_ =	sdelay $0x4  }
0x3f: {  	v1 =	vpack.i.f32.bf16 v2, v1  }
0x40: {  	[tilespmem:s30+$0x30] =	vst v1;
	s30 =	smov.u32 s1  }
0x41: {  	v1 =	vld [tilespmem:s24+$0xFFFFFF80]  }
0x42: {  	v2 =	vld [tilespmem:s24+$0x0];
	_ =	sdelay $0x4  }
0x43: {  	v1 =	vpack.i.f32.bf16 v2, v1  }
0x44: {  	[tilespmem:s25+$0x0] =	vst v1  }
0x45: {  	v1 =	vld [tilespmem:s24+$0x10]  }
0x46: {  	v2 =	vld [tilespmem:s24+$0xFFFFFF90];
	_ =	sdelay $0x4  }
0x47: {  	v1 =	vpack.i.f32.bf16 v1, v2  }
0x48: {  	[tilespmem:s1+$0xFFFFFFD0] =	vst v1  }
0x49: {  	v1 =	vld [tilespmem:s24+$0xFFFFFFA0]  }
0x4a: {  	v2 =	vld [tilespmem:s24+$0x20];
	_ =	sdelay $0x4  }
0x4b: {  	v1 =	vpack.i.f32.bf16 v2, v1  }
0x4c: {  	[tilespmem:s1+$0xFFFFFFE0] =	vst v1  }
0x4d: {  	v1 =	vld [tilespmem:s24+$0xFFFFFFB0]  }
0x4e: {  	v2 =	vld [tilespmem:s24+$0x30];
	_ =	sdelay $0x4  }
0x4f: {  	v1 =	vpack.i.f32.bf16 v2, v1  }
0x50: {  	[tilespmem:s1+$0xFFFFFFF0] =	vst v1  }
0x51: {  	v1 =	vld [tilespmem:s24+$0xFFFFFFC0]  }
0x52: {  	v2 =	vld [tilespmem:s24+$0x40];
	_ =	sdelay $0x4  }
0x53: {  	v1 =	vpack.i.f32.bf16 v2, v1  }
0x54: {  	[tilespmem:s1+$0x0] =	vst v1  }
0x55: {  	v1 =	vld [tilespmem:s24+$0xFFFFFFD0]  }
0x56: {  	v2 =	vld [tilespmem:s24+$0x50];
	_ =	sdelay $0x4  }
0x57: {  	v1 =	vpack.i.f32.bf16 v2, v1  }
0x58: {  	[tilespmem:s1+$0x10] =	vst v1  }
0x59: {  	v1 =	vld [tilespmem:s24+$0xFFFFFFE0]  }
0x5a: {  	v2 =	vld [tilespmem:s24+$0x60];
	_ =	sdelay $0x1  }
.Ltmp0:
0x5b: {  	(pc) =	sbr.rel @p0 .LBB2_3-.Ltmp0, $3  }
0x5c: {  	_ =	sdelay $0x1  }
0x5d: {  	v1 =	vpack.i.f32.bf16 v2, v1  }
0x5e: {  	s1 =	sadd.s32 $0x80, s1;
	[tilespmem:s30+$0x20] =	vst v1  }
0x5f: {  	v1 =	vld [tilespmem:s0+$0xFFFFFFF0]  }
0x60: {  	v2 =	vld [tilespmem:s0+$0x70];
	_ =	sdelay $0x4  }
0x61: {  	s0 =	sor.u32 s28, s29;
	v1 =	vpack.i.f32.bf16 v2, v1  }
0x62: {  	s1 =	sor.u32 $0x1C00, s0;
	[tilespmem:s30+$0x30] =	vst v1  }
0x63: {  	s25 =	sor.u32 $0x1C80, s0;
	v1 =	vld [tilespmem:s1+$0xFA00]  }
0x64: {  	v2 =	vld [tilespmem:s25+$0xFA00];
	_ =	sdelay $0x3  }
0x65: {  	s28 =	sand.u32 $0x3F80, s23  }
0x66: {  	s1 =	sor.u32 s26, s28;
	v1 =	vpack.i.f32.bf16 v2, v1  }
0x67: {  	s29 =	sor.u32 $0x1C10, s0;
	[tilespmem:s1+$0x380] =	vst v1  }
0x68: {  	s30 =	sor.u32 $0x1C90, s0;
	v1 =	vld [tilespmem:s29+$0xFA00]  }
0x69: {  	v2 =	vld [tilespmem:s30+$0xFA00];
	_ =	sdelay $0x4  }
0x6a: {  	v1 =	vpack.i.f32.bf16 v2, v1  }
0x6b: {  	s31 =	sor.u32 $0x1C20, s0;
	[tilespmem:s23+$0x390] =	vst v1  }
0x6c: {  	s11 =	sor.u32 $0x1CA0, s0;
	v1 =	vld [tilespmem:s31+$0xFA00]  }
0x6d: {  	v2 =	vld [tilespmem:s11+$0xFA00];
	_ =	sdelay $0x4  }
0x6e: {  	v1 =	vpack.i.f32.bf16 v2, v1  }
0x6f: {  	s24 =	sor.u32 $0x1C30, s0;
	[tilespmem:s23+$0x3A0] =	vst v1  }
0x70: {  	s25 =	sor.u32 $0x1CB0, s0;
	v1 =	vld [tilespmem:s24+$0xFA00]  }
0x71: {  	v2 =	vld [tilespmem:s25+$0xFA00];
	_ =	sdelay $0x4  }
0x72: {  	v1 =	vpack.i.f32.bf16 v2, v1  }
0x73: {  	s26 =	sor.u32 $0x1C40, s0;
	[tilespmem:s23+$0x3B0] =	vst v1  }
0x74: {  	s28 =	sor.u32 $0x1CC0, s0;
	v1 =	vld [tilespmem:s26+$0xFA00]  }
0x75: {  	v2 =	vld [tilespmem:s28+$0xFA00];
	_ =	sdelay $0x4  }
0x76: {  	v1 =	vpack.i.f32.bf16 v2, v1  }
0x77: {  	s29 =	sor.u32 $0x1C50, s0;
	[tilespmem:s23+$0x3C0] =	vst v1  }
0x78: {  	s30 =	sor.u32 $0x1CD0, s0;
	v1 =	vld [tilespmem:s29+$0xFA00]  }
0x79: {  	v2 =	vld [tilespmem:s30+$0xFA00];
	_ =	sdelay $0x4  }
0x7a: {  	v1 =	vpack.i.f32.bf16 v2, v1  }
0x7b: {  	s31 =	sor.u32 $0x1C58, s0;
	[tilespmem:s23+$0x3D0] =	vst v1  }
0x7c: {  	s0 =	sor.u32 $0x1CD8, s0;
	v1 =	vld [tilespmem:s31+$0xFA00]  }
0x7d: {  	s22 =	sadd.s32 $0x1, s22;
	v2 =	vld [tilespmem:s0+$0xFA00]  }
0x7e: {  	p0 =	sne.s32 s22, $0x10  }
.Ltmp1:
0x7f: {  	_ = 	snop;
	(pc) =	sbr.rel @p0 .LBB2_2-.Ltmp1, $3  }
0x80: {  	_ =	sdelay $0x1  }
0x81: {  	s21 =	sadd.s32 $0x3E8, s21;
	s20 =	sadd.s32 $0xD, s20;
	v1 =	vpack.i.f32.bf16 v2, v1  }
0x82: {  	s19 =	sadd.s32 $0x800, s19;
	s18 =	sadd.s32 $0x1, s18;
	s17 =	sadd.s32 $0x3E8, s17;
	[tilespmem:s23+$0x3D8] =	vst v1  }
0x83: {  	s17 =	simm.s32 $0x0  }
0x84: {  	[tilespmem:s14], [sflag:$0x1] =	stream.linear.gather [hbm4b:s6+s17], $0x8000, $0x38;
	[tilespmem:$0x19280] =	vst v63  }
0x85: {  	s18 =	simm.s32 $0x3E80;
	_ =	swait.ge [sflag:s12], $0x8000  }
0x86: {  	s19 =	simm.s32 $0x3EF0;
	s20 =	simm.s32 $0x0;
	[sflag:s12] =	ssyncset.done $0x0  }
0x87: {  	s21 =	simm.s32 $0x0;
	s22 =	simm.s32 $0x0;
	[sflag:s12] =	ssyncadd.s32 $0xFFFF8000  }
.LBB2_6:
0x88: {  	s0 =	sshll.u32 s20, $0x2;
	s1 =	sand.u32 $0x3, s17  }
0x89: {  	s0 =	sand.u32 $0xFFFF8000, s0;
	s1 =	sshll.u32 s1, $0xA  }
0x8a: {  	s0 =	sor.u32 s1, s0  }
0x8b: {  	s0 =	sshrl.u32 s0, $0x2  }
0x8c: {  	s24 =	sadd.s32 $0xFA80, s0  }
0x8d: {  	v1 =	vld [tilespmem:s24+$0xFFFFFF80]  }
0x8e: {  	v2 =	vld [tilespmem:s24+$0x0];
	_ =	sdelay $0x1  }
0x8f: {  	s23 =	sshll.u32 s18, $0x2;
	s25 =	sand.u32 $0xF, s21  }
0x90: {  	s1 =	sshll.u32 s25, $0x5;
	s0 =	sand.u32 $0xFFFFFE00, s23  }
0x91: {  	s0 =	sor.u32 s1, s0  }
0x92: {  	s25 =	sshrl.u32 s0, $0x2;
	v1 =	vpack.i.f32.bf16 v2, v1  }
0x93: {  	[tilespmem:s25+$0x0] =	vst v1  }
0x94: {  	v1 =	vld [tilespmem:s24+$0x10]  }
0x95: {  	v2 =	vld [tilespmem:s24+$0xFFFFFF90];
	_ =	sdelay $0x4  }
0x96: {  	v1 =	vpack.i.f32.bf16 v1, v2  }
0x97: {  	[tilespmem:s19+$0xFFFFFFA0] =	vst v1  }
0x98: {  	v1 =	vld [tilespmem:s24+$0xFFFFFFA0]  }
0x99: {  	v2 =	vld [tilespmem:s24+$0x20];
	_ =	sdelay $0x4  }
0x9a: {  	v1 =	vpack.i.f32.bf16 v2, v1  }
0x9b: {  	[tilespmem:s19+$0xFFFFFFB0] =	vst v1  }
0x9c: {  	v1 =	vld [tilespmem:s24+$0xFFFFFFB0]  }
0x9d: {  	v2 =	vld [tilespmem:s24+$0x30];
	_ =	sdelay $0x4  }
0x9e: {  	v1 =	vpack.i.f32.bf16 v2, v1  }
0x9f: {  	[tilespmem:s19+$0xFFFFFFC0] =	vst v1  }
0xa0: {  	v1 =	vld [tilespmem:s24+$0xFFFFFFC0]  }
0xa1: {  	v2 =	vld [tilespmem:s24+$0x40];
	_ =	sdelay $0x4  }
0xa2: {  	v1 =	vpack.i.f32.bf16 v2, v1  }
0xa3: {  	[tilespmem:s19+$0xFFFFFFD0] =	vst v1  }
0xa4: {  	v1 =	vld [tilespmem:s24+$0xFFFFFFD0]  }
0xa5: {  	v2 =	vld [tilespmem:s24+$0x50];
	_ =	sdelay $0x4  }
0xa6: {  	v1 =	vpack.i.f32.bf16 v2, v1  }
0xa7: {  	[tilespmem:s19+$0xFFFFFFE0] =	vst v1  }
0xa8: {  	v1 =	vld [tilespmem:s24+$0xFFFFFFE0]  }
0xa9: {  	v2 =	vld [tilespmem:s24+$0x60];
	_ =	sdelay $0x3  }
0xaa: {  	s26 =	sshll.u32 s22, $0x8;
	s28 =	sshll.u32 s22, $0xB;
	s23 =	smul.u32 $0x3E8, s22  }
0xab: {  	s31 =	simm.s32 $0x0;
	s30 =	smov.u32 s19;
	s29 =	sand.u32 $0x300, s26;
	v1 =	vpack.i.f32.bf16 v2, v1  }
0xac: {  	s1 =	sadd.s32 $0x80, s19;
	s26 =	sand.u32 $0x78, s23;
	s0 =	smov.u32 s24;
	[tilespmem:s19+$0xFFFFFFF0] =	vst v1  }
.LBB2_7:
0xad: {  	s31 =	sadd.s32 $0x8, s31;
	v1 =	vld [tilespmem:s24+$0xFFFFFFF0];
	s25 =	sadd.s32 $0x80, s25;
	s0 =	sadd.s32 $0x400, s0  }
0xae: {  	p0 =	slt.u32 s31, $0x30;
	v2 =	vld [tilespmem:s24+$0x70];
	s24 =	smov.u32 s0;
	_ =	sdelay $0x4  }
0xaf: {  	v1 =	vpack.i.f32.bf16 v2, v1  }
0xb0: {  	[tilespmem:s30+$0x0] =	vst v1;
	s30 =	smov.u32 s1  }
0xb1: {  	v1 =	vld [tilespmem:s0+$0xFFFFFF80]  }
0xb2: {  	v2 =	vld [tilespmem:s0+$0x0];
	_ =	sdelay $0x4  }
0xb3: {  	v1 =	vpack.i.f32.bf16 v2, v1  }
0xb4: {  	[tilespmem:s25+$0x0] =	vst v1  }
0xb5: {  	v1 =	vld [tilespmem:s0+$0x10]  }
0xb6: {  	v2 =	vld [tilespmem:s0+$0xFFFFFF90];
	_ =	sdelay $0x4  }
0xb7: {  	v1 =	vpack.i.f32.bf16 v1, v2  }
0xb8: {  	[tilespmem:s1+$0xFFFFFFA0] =	vst v1  }
0xb9: {  	v1 =	vld [tilespmem:s0+$0xFFFFFFA0]  }
0xba: {  	v2 =	vld [tilespmem:s0+$0x20];
	_ =	sdelay $0x4  }
0xbb: {  	v1 =	vpack.i.f32.bf16 v2, v1  }
0xbc: {  	[tilespmem:s1+$0xFFFFFFB0] =	vst v1  }
0xbd: {  	v1 =	vld [tilespmem:s0+$0xFFFFFFB0]  }
0xbe: {  	v2 =	vld [tilespmem:s0+$0x30];
	_ =	sdelay $0x4  }
0xbf: {  	v1 =	vpack.i.f32.bf16 v2, v1  }
0xc0: {  	[tilespmem:s1+$0xFFFFFFC0] =	vst v1  }
0xc1: {  	v1 =	vld [tilespmem:s0+$0xFFFFFFC0]  }
0xc2: {  	v2 =	vld [tilespmem:s0+$0x40];
	_ =	sdelay $0x4  }
0xc3: {  	v1 =	vpack.i.f32.bf16 v2, v1  }
0xc4: {  	[tilespmem:s1+$0xFFFFFFD0] =	vst v1  }
0xc5: {  	v1 =	vld [tilespmem:s0+$0xFFFFFFD0]  }
0xc6: {  	v2 =	vld [tilespmem:s0+$0x50];
	_ =	sdelay $0x4  }
0xc7: {  	v1 =	vpack.i.f32.bf16 v2, v1  }
0xc8: {  	[tilespmem:s1+$0xFFFFFFE0] =	vst v1  }
0xc9: {  	v1 =	vld [tilespmem:s0+$0xFFFFFFE0]  }
0xca: {  	v2 =	vld [tilespmem:s0+$0x60];
	_ =	sdelay $0x1  }
.Ltmp2:
0xcb: {  	(pc) =	sbr.rel @p0 .LBB2_7-.Ltmp2, $3  }
0xcc: {  	_ =	sdelay $0x1  }
0xcd: {  	v1 =	vpack.i.f32.bf16 v2, v1  }
0xce: {  	s1 =	sadd.s32 $0x80, s1;
	[tilespmem:s30+$0xFFFFFFF0] =	vst v1  }
0xcf: {  	v1 =	vld [tilespmem:s24+$0xFFFFFFF0]  }
0xd0: {  	v2 =	vld [tilespmem:s24+$0x70];
	_ =	sdelay $0x4  }
0xd1: {  	s0 =	sor.u32 s28, s29;
	v1 =	vpack.i.f32.bf16 v2, v1  }
0xd2: {  	s1 =	sor.u32 $0x1C00, s0;
	[tilespmem:s30+$0x0] =	vst v1  }
0xd3: {  	s25 =	sor.u32 $0x1C80, s0;
	v1 =	vld [tilespmem:s1+$0xFA00]  }
0xd4: {  	v2 =	vld [tilespmem:s25+$0xFA00];
	_ =	sdelay $0x3  }
0xd5: {  	s28 =	sand.u32 $0x3F80, s23  }
0xd6: {  	s1 =	sor.u32 s26, s28;
	v1 =	vpack.i.f32.bf16 v2, v1  }
0xd7: {  	s29 =	sor.u32 $0x1C10, s0;
	[tilespmem:s1+$0x4200] =	vst v1  }
0xd8: {  	s30 =	sor.u32 $0x1C90, s0;
	v1 =	vld [tilespmem:s29+$0xFA00]  }
0xd9: {  	v2 =	vld [tilespmem:s30+$0xFA00];
	_ =	sdelay $0x4  }
0xda: {  	v1 =	vpack.i.f32.bf16 v2, v1  }
0xdb: {  	s31 =	sor.u32 $0x1C20, s0;
	[tilespmem:s23+$0x4210] =	vst v1  }
0xdc: {  	s11 =	sor.u32 $0x1CA0, s0;
	v1 =	vld [tilespmem:s31+$0xFA00]  }
0xdd: {  	v2 =	vld [tilespmem:s11+$0xFA00];
	_ =	sdelay $0x4  }
0xde: {  	v1 =	vpack.i.f32.bf16 v2, v1  }
0xdf: {  	s24 =	sor.u32 $0x1C30, s0;
	[tilespmem:s23+$0x4220] =	vst v1  }
0xe0: {  	s25 =	sor.u32 $0x1CB0, s0;
	v1 =	vld [tilespmem:s24+$0xFA00]  }
0xe1: {  	v2 =	vld [tilespmem:s25+$0xFA00];
	_ =	sdelay $0x4  }
0xe2: {  	v1 =	vpack.i.f32.bf16 v2, v1  }
0xe3: {  	s26 =	sor.u32 $0x1C40, s0;
	[tilespmem:s23+$0x4230] =	vst v1  }
0xe4: {  	s28 =	sor.u32 $0x1CC0, s0;
	v1 =	vld [tilespmem:s26+$0xFA00]  }
0xe5: {  	v2 =	vld [tilespmem:s28+$0xFA00];
	_ =	sdelay $0x4  }
0xe6: {  	v1 =	vpack.i.f32.bf16 v2, v1  }
0xe7: {  	s29 =	sor.u32 $0x1C50, s0;
	[tilespmem:s23+$0x4240] =	vst v1  }
0xe8: {  	s30 =	sor.u32 $0x1CD0, s0;
	v1 =	vld [tilespmem:s29+$0xFA00]  }
0xe9: {  	v2 =	vld [tilespmem:s30+$0xFA00];
	_ =	sdelay $0x4  }
0xea: {  	v1 =	vpack.i.f32.bf16 v2, v1  }
0xeb: {  	s31 =	sor.u32 $0x1C58, s0;
	[tilespmem:s23+$0x4250] =	vst v1  }
0xec: {  	s0 =	sor.u32 $0x1CD8, s0;
	v1 =	vld [tilespmem:s31+$0xFA00]  }
0xed: {  	s22 =	sadd.s32 $0x1, s22;
	v2 =	vld [tilespmem:s0+$0xFA00]  }
0xee: {  	p0 =	sne.s32 s22, $0x10  }
.Ltmp3:
0xef: {  	_ = 	snop;
	(pc) =	sbr.rel @p0 .LBB2_6-.Ltmp3, $3  }
0xf0: {  	_ =	sdelay $0x1  }
0xf1: {  	s18 =	sadd.s32 $0x3E8, s18;
	s21 =	sadd.s32 $0xD, s21;
	v1 =	vpack.i.f32.bf16 v2, v1  }
0xf2: {  	s20 =	sadd.s32 $0x800, s20;
	s17 =	sadd.s32 $0x1, s17;
	s19 =	sadd.s32 $0x3E8, s19;
	[tilespmem:s23+$0x4258] =	vst v1  }
0xf3: {  	s17 =	simm.s32 $0x0  }
0xf4: {  	[tilespmem:s14], [sflag:$0x1] =	stream.linear.gather [hbm4b:s7+s17], $0x8000, $0x38;
	[tilespmem:$0x19280] =	vst v63  }
0xf5: {  	s18 =	simm.s32 $0x7D00;
	s19 =	simm.s32 $0x0;
	_ =	swait.ge [sflag:s12], $0x8000  }
0xf6: {  	s20 =	simm.s32 $0x0;
	s21 =	simm.s32 $0x0;
	[sflag:s12] =	ssyncset.done $0x0  }
0xf7: {  	s22 =	simm.s32 $0x0;
	s23 =	simm.s32 $0x0;
	[sflag:s12] =	ssyncadd.s32 $0xFFFF8000  }
.LBB2_10:
0xf8: {  	s0 =	sshll.u32 s20, $0x2;
	s1 =	sand.u32 $0x3, s19  }
0xf9: {  	s0 =	sand.u32 $0xFFFF8000, s0;
	s1 =	sshll.u32 s1, $0xA  }
0xfa: {  	s0 =	sor.u32 s1, s0  }
0xfb: {  	s26 =	sshll.u32 s18, $0x2;
	s11 =	sand.u32 $0xF, s22;
	s0 =	sshrl.u32 s0, $0x2  }
0xfc: {  	s24 =	sshll.u32 s11, $0x5;
	s1 =	sand.u32 $0xFFFFFE00, s26;
	s11 =	sadd.s32 $0xFA80, s0  }
0xfd: {  	s24 =	sor.u32 s24, s1;
	v2 =	vld [tilespmem:s11+$0xFFFFFF80]  }
0xfe: {  	s0 =	sshra.s32 s24, $0x2;
	v3 =	vld [tilespmem:s11+$0x0]  }
0xff: {  	v1 =	vmov s0;
	_ =	sdelay $0x3  }
0x100: {  	v2 =	vpack.i.f32.bf16 v3, v2  }
0x101: {  	[tilespmem:v1+s17+$0x0 ss:$0x1] =	vst.idx.msk $0xffff, v2  }
0x102: {  	v2 =	vld [tilespmem:s11+$0x10]  }
0x103: {  	v3 =	vld [tilespmem:s11+$0xFFFFFF90];
	_ =	sdelay $0x3  }
0x104: {  	s26 =	sshra.s32 s21, $0x2  }
0x105: {  	s29 =	sadd.s32 $0x0, s26;
	v2 =	vpack.i.f32.bf16 v2, v3  }
0x106: {  	[tilespmem:s29+$0x7D10] =	vst v2  }
0x107: {  	v2 =	vld [tilespmem:s11+$0xFFFFFFA0]  }
0x108: {  	v3 =	vld [tilespmem:s11+$0x20];
	_ =	sdelay $0x4  }
0x109: {  	v2 =	vpack.i.f32.bf16 v3, v2  }
0x10a: {  	[tilespmem:s29+$0x7D20] =	vst v2  }
0x10b: {  	v2 =	vld [tilespmem:s11+$0xFFFFFFB0]  }
0x10c: {  	v3 =	vld [tilespmem:s11+$0x30];
	_ =	sdelay $0x4  }
0x10d: {  	v2 =	vpack.i.f32.bf16 v3, v2  }
0x10e: {  	[tilespmem:s29+$0x7D30] =	vst v2  }
0x10f: {  	v2 =	vld [tilespmem:s11+$0xFFFFFFC0]  }
0x110: {  	v3 =	vld [tilespmem:s11+$0x40];
	_ =	sdelay $0x4  }
0x111: {  	v2 =	vpack.i.f32.bf16 v3, v2  }
0x112: {  	[tilespmem:s29+$0x7D40] =	vst v2  }
0x113: {  	v2 =	vld [tilespmem:s11+$0xFFFFFFD0]  }
0x114: {  	v3 =	vld [tilespmem:s11+$0x50];
	_ =	sdelay $0x4  }
0x115: {  	v2 =	vpack.i.f32.bf16 v3, v2  }
0x116: {  	[tilespmem:s29+$0x7D50] =	vst v2  }
0x117: {  	v2 =	vld [tilespmem:s11+$0xFFFFFFE0]  }
0x118: {  	v3 =	vld [tilespmem:s11+$0x60];
	_ =	sdelay $0x3  }
0x119: {  	s25 =	sshll.u32 s23, $0x8;
	s24 =	smul.u32 $0x3E8, s23  }
0x11a: {  	s30 =	sshll.u32 s23, $0xB;
	s31 =	sand.u32 $0x300, s25;
	s1 =	simm.s32 $0x0;
	v2 =	vpack.i.f32.bf16 v3, v2  }
0x11b: {  	s0 =	simm.s32 $0x0;
	s25 =	smov.u32 s11;
	s28 =	sand.u32 $0x78, s24;
	[tilespmem:s29+$0x7D60] =	vst v2  }
.LBB2_11:
0x11c: {  	s1 =	sadd.s32 $0x8, s1;
	v2 =	vld [tilespmem:s11+$0xFFFFFFF0];
	s0 =	sadd.s32 $0x80, s0;
	s25 =	sadd.s32 $0x400, s25  }
0x11d: {  	p0 =	slt.u32 s1, $0x30;
	v3 =	vld [tilespmem:s11+$0x70];
	s11 =	smov.u32 s25;
	_ =	sdelay $0x4  }
0x11e: {  	v2 =	vpack.i.f32.bf16 v3, v2  }
0x11f: {  	[tilespmem:s29+$0x7D70] =	vst v2  }
0x120: {  	v2 =	vld [tilespmem:s25+$0xFFFFFF80]  }
0x121: {  	v3 =	vld [tilespmem:s25+$0x0];
	_ =	sdelay $0x4  }
0x122: {  	v2 =	vpack.i.f32.bf16 v3, v2  }
0x123: {  	[tilespmem:v1+s0+$0x0 ss:$0x1] =	vst.idx.msk $0xffff, v2  }
0x124: {  	v2 =	vld [tilespmem:s25+$0x10]  }
0x125: {  	v3 =	vld [tilespmem:s25+$0xFFFFFF90];
	_ =	sdelay $0x3  }
0x126: {  	s29 =	sadd.s32 s26, s0  }
0x127: {  	v2 =	vpack.i.f32.bf16 v2, v3  }
0x128: {  	[tilespmem:s29+$0x7D10] =	vst v2  }
0x129: {  	v2 =	vld [tilespmem:s25+$0xFFFFFFA0]  }
0x12a: {  	v3 =	vld [tilespmem:s25+$0x20];
	_ =	sdelay $0x4  }
0x12b: {  	v2 =	vpack.i.f32.bf16 v3, v2  }
0x12c: {  	[tilespmem:s29+$0x7D20] =	vst v2  }
0x12d: {  	v2 =	vld [tilespmem:s25+$0xFFFFFFB0]  }
0x12e: {  	v3 =	vld [tilespmem:s25+$0x30];
	_ =	sdelay $0x4  }
0x12f: {  	v2 =	vpack.i.f32.bf16 v3, v2  }
0x130: {  	[tilespmem:s29+$0x7D30] =	vst v2  }
0x131: {  	v2 =	vld [tilespmem:s25+$0xFFFFFFC0]  }
0x132: {  	v3 =	vld [tilespmem:s25+$0x40];
	_ =	sdelay $0x4  }
0x133: {  	v2 =	vpack.i.f32.bf16 v3, v2  }
0x134: {  	[tilespmem:s29+$0x7D40] =	vst v2  }
0x135: {  	v2 =	vld [tilespmem:s25+$0xFFFFFFD0]  }
0x136: {  	v3 =	vld [tilespmem:s25+$0x50];
	_ =	sdelay $0x4  }
0x137: {  	v2 =	vpack.i.f32.bf16 v3, v2  }
0x138: {  	[tilespmem:s29+$0x7D50] =	vst v2  }
0x139: {  	v2 =	vld [tilespmem:s25+$0xFFFFFFE0]  }
0x13a: {  	v3 =	vld [tilespmem:s25+$0x60];
	_ =	sdelay $0x1  }
.Ltmp4:
0x13b: {  	(pc) =	sbr.rel @p0 .LBB2_11-.Ltmp4, $3  }
0x13c: {  	_ =	sdelay $0x1  }
0x13d: {  	v2 =	vpack.i.f32.bf16 v3, v2  }
0x13e: {  	[tilespmem:s29+$0x7D60] =	vst v2  }
0x13f: {  	v1 =	vld [tilespmem:s11+$0xFFFFFFF0]  }
0x140: {  	v2 =	vld [tilespmem:s11+$0x70];
	_ =	sdelay $0x4  }
0x141: {  	s0 =	sor.u32 s30, s31;
	v1 =	vpack.i.f32.bf16 v2, v1  }
0x142: {  	s1 =	sor.u32 $0x1C00, s0;
	[tilespmem:s29+$0x7D70] =	vst v1  }
0x143: {  	s25 =	sor.u32 $0x1C80, s0;
	v1 =	vld [tilespmem:s1+$0xFA00]  }
0x144: {  	v2 =	vld [tilespmem:s25+$0xFA00];
	_ =	sdelay $0x3  }
0x145: {  	s26 =	sand.u32 $0x3F80, s24  }
0x146: {  	s1 =	sor.u32 s28, s26;
	v1 =	vpack.i.f32.bf16 v2, v1  }
0x147: {  	s28 =	sor.u32 $0x1C10, s0;
	[tilespmem:s1+$0x8080] =	vst v1  }
0x148: {  	s29 =	sor.u32 $0x1C90, s0;
	v1 =	vld [tilespmem:s28+$0xFA00]  }
0x149: {  	v2 =	vld [tilespmem:s29+$0xFA00];
	_ =	sdelay $0x4  }
0x14a: {  	v1 =	vpack.i.f32.bf16 v2, v1  }
0x14b: {  	s30 =	sor.u32 $0x1C20, s0;
	[tilespmem:s24+$0x8090] =	vst v1  }
0x14c: {  	s31 =	sor.u32 $0x1CA0, s0;
	v1 =	vld [tilespmem:s30+$0xFA00]  }
0x14d: {  	v2 =	vld [tilespmem:s31+$0xFA00];
	_ =	sdelay $0x4  }
0x14e: {  	v1 =	vpack.i.f32.bf16 v2, v1  }
0x14f: {  	s11 =	sor.u32 $0x1C30, s0;
	[tilespmem:s24+$0x80A0] =	vst v1  }
0x150: {  	s25 =	sor.u32 $0x1CB0, s0;
	v1 =	vld [tilespmem:s11+$0xFA00]  }
0x151: {  	v2 =	vld [tilespmem:s25+$0xFA00];
	_ =	sdelay $0x4  }
0x152: {  	v1 =	vpack.i.f32.bf16 v2, v1  }
0x153: {  	s26 =	sor.u32 $0x1C40, s0;
	[tilespmem:s24+$0x80B0] =	vst v1  }
0x154: {  	s28 =	sor.u32 $0x1CC0, s0;
	v1 =	vld [tilespmem:s26+$0xFA00]  }
0x155: {  	v2 =	vld [tilespmem:s28+$0xFA00];
	_ =	sdelay $0x4  }
0x156: {  	v1 =	vpack.i.f32.bf16 v2, v1  }
0x157: {  	s29 =	sor.u32 $0x1C50, s0;
	[tilespmem:s24+$0x80C0] =	vst v1  }
0x158: {  	s30 =	sor.u32 $0x1CD0, s0;
	v1 =	vld [tilespmem:s29+$0xFA00]  }
0x159: {  	v2 =	vld [tilespmem:s30+$0xFA00];
	_ =	sdelay $0x4  }
0x15a: {  	v1 =	vpack.i.f32.bf16 v2, v1  }
0x15b: {  	s31 =	sor.u32 $0x1C58, s0;
	[tilespmem:s24+$0x80D0] =	vst v1  }
0x15c: {  	s0 =	sor.u32 $0x1CD8, s0;
	v1 =	vld [tilespmem:s31+$0xFA00]  }
0x15d: {  	s23 =	sadd.s32 $0x1, s23;
	v2 =	vld [tilespmem:s0+$0xFA00]  }
0x15e: {  	p0 =	sne.s32 s23, $0x10  }
.Ltmp5:
0x15f: {  	_ = 	snop;
	(pc) =	sbr.rel @p0 .LBB2_10-.Ltmp5, $3  }
0x160: {  	_ =	sdelay $0x1  }
0x161: {  	s18 =	sadd.s32 $0x3E8, s18;
	s22 =	sadd.s32 $0xD, s22;
	v1 =	vpack.i.f32.bf16 v2, v1  }
0x162: {  	s21 =	sadd.s32 $0xFA0, s21;
	s20 =	sadd.s32 $0x800, s20;
	s19 =	sadd.s32 $0x1, s19;
	[tilespmem:s24+$0x80D8] =	vst v1  }
0x163: {  	s17 =	simm.s32 $0x0  }
0x164: {  	[tilespmem:s14], [sflag:$0x1] =	stream.linear.gather [hbm4b:s8+s17], $0x8000, $0x38;
	[tilespmem:$0x19280] =	vst v63  }
0x165: {  	s18 =	simm.s32 $0xBB80;
	s19 =	simm.s32 $0x0;
	_ =	swait.ge [sflag:s12], $0x8000  }
0x166: {  	s20 =	simm.s32 $0x0;
	s21 =	simm.s32 $0x0;
	[sflag:s12] =	ssyncset.done $0x0  }
0x167: {  	s22 =	simm.s32 $0x0;
	s23 =	simm.s32 $0x0;
	[sflag:s12] =	ssyncadd.s32 $0xFFFF8000  }
.LBB2_14:
0x168: {  	s0 =	sshll.u32 s20, $0x2;
	s1 =	sand.u32 $0x3, s19  }
0x169: {  	s0 =	sand.u32 $0xFFFF8000, s0;
	s1 =	sshll.u32 s1, $0xA  }
0x16a: {  	s0 =	sor.u32 s1, s0  }
0x16b: {  	s26 =	sshll.u32 s18, $0x2;
	s11 =	sand.u32 $0xF, s22;
	s0 =	sshrl.u32 s0, $0x2  }
0x16c: {  	s11 =	sshll.u32 s11, $0x5;
	s1 =	sand.u32 $0xFFFFFE00, s26;
	s25 =	sadd.s32 $0xFA80, s0  }
0x16d: {  	s1 =	sor.u32 s11, s1;
	v2 =	vld [tilespmem:s25+$0xFFFFFF80]  }
0x16e: {  	s0 =	sshra.s32 s1, $0x2;
	v3 =	vld [tilespmem:s25+$0x0]  }
0x16f: {  	v1 =	vmov s0;
	_ =	sdelay $0x3  }
0x170: {  	v2 =	vpack.i.f32.bf16 v3, v2  }
0x171: {  	[tilespmem:v1+s17+$0x0 ss:$0x1] =	vst.idx.msk $0xffff, v2  }
0x172: {  	v2 =	vld [tilespmem:s25+$0x10]  }
0x173: {  	v3 =	vld [tilespmem:s25+$0xFFFFFF90];
	_ =	sdelay $0x3  }
0x174: {  	s26 =	sshra.s32 s21, $0x2  }
0x175: {  	s29 =	sadd.s32 $0x0, s26;
	v2 =	vpack.i.f32.bf16 v2, v3  }
0x176: {  	[tilespmem:s29+$0xBB90] =	vst v2  }
0x177: {  	v2 =	vld [tilespmem:s25+$0xFFFFFFA0]  }
0x178: {  	v3 =	vld [tilespmem:s25+$0x20];
	_ =	sdelay $0x4  }
0x179: {  	v2 =	vpack.i.f32.bf16 v3, v2  }
0x17a: {  	[tilespmem:s29+$0xBBA0] =	vst v2  }
0x17b: {  	v2 =	vld [tilespmem:s25+$0xFFFFFFB0]  }
0x17c: {  	v3 =	vld [tilespmem:s25+$0x30];
	_ =	sdelay $0x4  }
0x17d: {  	v2 =	vpack.i.f32.bf16 v3, v2  }
0x17e: {  	[tilespmem:s29+$0xBBB0] =	vst v2  }
0x17f: {  	v2 =	vld [tilespmem:s25+$0xFFFFFFC0]  }
0x180: {  	v3 =	vld [tilespmem:s25+$0x40];
	_ =	sdelay $0x4  }
0x181: {  	v2 =	vpack.i.f32.bf16 v3, v2  }
0x182: {  	[tilespmem:s29+$0xBBC0] =	vst v2  }
0x183: {  	v2 =	vld [tilespmem:s25+$0xFFFFFFD0]  }
0x184: {  	v3 =	vld [tilespmem:s25+$0x50];
	_ =	sdelay $0x4  }
0x185: {  	v2 =	vpack.i.f32.bf16 v3, v2  }
0x186: {  	[tilespmem:s29+$0xBBD0] =	vst v2  }
0x187: {  	v2 =	vld [tilespmem:s25+$0xFFFFFFE0]  }
0x188: {  	v3 =	vld [tilespmem:s25+$0x60];
	_ =	sdelay $0x2  }
0x189: {  	s24 =	smul.u32 $0x3E8, s23  }
0x18a: {  	s11 =	sshll.u32 s23, $0x8  }
0x18b: {  	s30 =	sshll.u32 s23, $0xB;
	s28 =	sand.u32 $0x78, s24;
	s31 =	sand.u32 $0x300, s11;
	v2 =	vpack.i.f32.bf16 v3, v2  }
0x18c: {  	s1 =	simm.s32 $0x0;
	s0 =	simm.s32 $0x0;
	s11 =	smov.u32 s25;
	[tilespmem:s29+$0xBBE0] =	vst v2  }
.LBB2_15:
0x18d: {  	s1 =	sadd.s32 $0x8, s1;
	v2 =	vld [tilespmem:s25+$0xFFFFFFF0];
	s0 =	sadd.s32 $0x80, s0;
	s11 =	sadd.s32 $0x400, s11  }
0x18e: {  	p0 =	slt.u32 s1, $0x30;
	v3 =	vld [tilespmem:s25+$0x70];
	s25 =	smov.u32 s11;
	_ =	sdelay $0x4  }
0x18f: {  	v2 =	vpack.i.f32.bf16 v3, v2  }
0x190: {  	[tilespmem:s29+$0xBBF0] =	vst v2  }
0x191: {  	v2 =	vld [tilespmem:s11+$0xFFFFFF80]  }
0x192: {  	v3 =	vld [tilespmem:s11+$0x0];
	_ =	sdelay $0x4  }
0x193: {  	v2 =	vpack.i.f32.bf16 v3, v2  }
0x194: {  	[tilespmem:v1+s0+$0x0 ss:$0x1] =	vst.idx.msk $0xffff, v2  }
0x195: {  	v2 =	vld [tilespmem:s11+$0x10]  }
0x196: {  	v3 =	vld [tilespmem:s11+$0xFFFFFF90];
	_ =	sdelay $0x3  }
0x197: {  	s29 =	sadd.s32 s26, s0  }
0x198: {  	v2 =	vpack.i.f32.bf16 v2, v3  }
0x199: {  	[tilespmem:s29+$0xBB90] =	vst v2  }
0x19a: {  	v2 =	vld [tilespmem:s11+$0xFFFFFFA0]  }
0x19b: {  	v3 =	vld [tilespmem:s11+$0x20];
	_ =	sdelay $0x4  }
0x19c: {  	v2 =	vpack.i.f32.bf16 v3, v2  }
0x19d: {  	[tilespmem:s29+$0xBBA0] =	vst v2  }
0x19e: {  	v2 =	vld [tilespmem:s11+$0xFFFFFFB0]  }
0x19f: {  	v3 =	vld [tilespmem:s11+$0x30];
	_ =	sdelay $0x4  }
0x1a0: {  	v2 =	vpack.i.f32.bf16 v3, v2  }
0x1a1: {  	[tilespmem:s29+$0xBBB0] =	vst v2  }
0x1a2: {  	v2 =	vld [tilespmem:s11+$0xFFFFFFC0]  }
0x1a3: {  	v3 =	vld [tilespmem:s11+$0x40];
	_ =	sdelay $0x4  }
0x1a4: {  	v2 =	vpack.i.f32.bf16 v3, v2  }
0x1a5: {  	[tilespmem:s29+$0xBBC0] =	vst v2  }
0x1a6: {  	v2 =	vld [tilespmem:s11+$0xFFFFFFD0]  }
0x1a7: {  	v3 =	vld [tilespmem:s11+$0x50];
	_ =	sdelay $0x4  }
0x1a8: {  	v2 =	vpack.i.f32.bf16 v3, v2  }
0x1a9: {  	[tilespmem:s29+$0xBBD0] =	vst v2  }
0x1aa: {  	v2 =	vld [tilespmem:s11+$0xFFFFFFE0]  }
0x1ab: {  	v3 =	vld [tilespmem:s11+$0x60];
	_ =	sdelay $0x1  }
.Ltmp6:
0x1ac: {  	(pc) =	sbr.rel @p0 .LBB2_15-.Ltmp6, $3  }
0x1ad: {  	_ =	sdelay $0x1  }
0x1ae: {  	v2 =	vpack.i.f32.bf16 v3, v2  }
0x1af: {  	[tilespmem:s29+$0xBBE0] =	vst v2  }
0x1b0: {  	v1 =	vld [tilespmem:s25+$0xFFFFFFF0]  }
0x1b1: {  	v2 =	vld [tilespmem:s25+$0x70];
	_ =	sdelay $0x4  }
0x1b2: {  	s0 =	sor.u32 s30, s31;
	v1 =	vpack.i.f32.bf16 v2, v1  }
0x1b3: {  	s1 =	sor.u32 $0x1C00, s0;
	[tilespmem:s29+$0xBBF0] =	vst v1  }
0x1b4: {  	s25 =	sor.u32 $0x1C80, s0;
	v1 =	vld [tilespmem:s1+$0xFA00]  }
0x1b5: {  	v2 =	vld [tilespmem:s25+$0xFA00];
	_ =	sdelay $0x3  }
0x1b6: {  	s26 =	sand.u32 $0x3F80, s24  }
0x1b7: {  	s1 =	sor.u32 s28, s26;
	v1 =	vpack.i.f32.bf16 v2, v1  }
0x1b8: {  	s28 =	sor.u32 $0x1C10, s0;
	[tilespmem:s1+$0xBF00] =	vst v1  }
0x1b9: {  	s29 =	sor.u32 $0x1C90, s0;
	v1 =	vld [tilespmem:s28+$0xFA00]  }
0x1ba: {  	v2 =	vld [tilespmem:s29+$0xFA00];
	_ =	sdelay $0x4  }
0x1bb: {  	v1 =	vpack.i.f32.bf16 v2, v1  }
0x1bc: {  	s30 =	sor.u32 $0x1C20, s0;
	[tilespmem:s24+$0xBF10] =	vst v1  }
0x1bd: {  	s31 =	sor.u32 $0x1CA0, s0;
	v1 =	vld [tilespmem:s30+$0xFA00]  }
0x1be: {  	v2 =	vld [tilespmem:s31+$0xFA00];
	_ =	sdelay $0x4  }
0x1bf: {  	v1 =	vpack.i.f32.bf16 v2, v1  }
0x1c0: {  	s11 =	sor.u32 $0x1C30, s0;
	[tilespmem:s24+$0xBF20] =	vst v1  }
0x1c1: {  	s25 =	sor.u32 $0x1CB0, s0;
	v1 =	vld [tilespmem:s11+$0xFA00]  }
0x1c2: {  	v2 =	vld [tilespmem:s25+$0xFA00];
	_ =	sdelay $0x4  }
0x1c3: {  	v1 =	vpack.i.f32.bf16 v2, v1  }
0x1c4: {  	s26 =	sor.u32 $0x1C40, s0;
	[tilespmem:s24+$0xBF30] =	vst v1  }
0x1c5: {  	s28 =	sor.u32 $0x1CC0, s0;
	v1 =	vld [tilespmem:s26+$0xFA00]  }
0x1c6: {  	v2 =	vld [tilespmem:s28+$0xFA00];
	_ =	sdelay $0x4  }
0x1c7: {  	v1 =	vpack.i.f32.bf16 v2, v1  }
0x1c8: {  	s29 =	sor.u32 $0x1C50, s0;
	[tilespmem:s24+$0xBF40] =	vst v1  }
0x1c9: {  	s30 =	sor.u32 $0x1CD0, s0;
	v1 =	vld [tilespmem:s29+$0xFA00]  }
0x1ca: {  	v2 =	vld [tilespmem:s30+$0xFA00];
	_ =	sdelay $0x4  }
0x1cb: {  	v1 =	vpack.i.f32.bf16 v2, v1  }
0x1cc: {  	s31 =	sor.u32 $0x1C58, s0;
	[tilespmem:s24+$0xBF50] =	vst v1  }
0x1cd: {  	s0 =	sor.u32 $0x1CD8, s0;
	v1 =	vld [tilespmem:s31+$0xFA00]  }
0x1ce: {  	s23 =	sadd.s32 $0x1, s23;
	v2 =	vld [tilespmem:s0+$0xFA00]  }
0x1cf: {  	p0 =	sne.s32 s23, $0x10  }
.Ltmp7:
0x1d0: {  	_ = 	snop;
	(pc) =	sbr.rel @p0 .LBB2_14-.Ltmp7, $3  }
0x1d1: {  	_ =	sdelay $0x1  }
0x1d2: {  	s18 =	sadd.s32 $0x3E8, s18;
	s22 =	sadd.s32 $0xD, s22;
	v1 =	vpack.i.f32.bf16 v2, v1  }
0x1d3: {  	s21 =	sadd.s32 $0xFA0, s21;
	s20 =	sadd.s32 $0x800, s20;
	s19 =	sadd.s32 $0x1, s19;
	[tilespmem:s24+$0xBF58] =	vst v1  }
0x1d4: {  	s17 =	simm.s32 $0x0;
	v9 =	vimm.f32 $0.0e+00  }
.LBB2_18:
0x1d5: {  	s0 =	sshll.u32 s17, $0x4  }
0x1d6: {  	v3 =	vld [tilespmem:s0+$0x17A00]  }
0x1d7: {  	v4 =	vld [tilespmem:s0+$0x18600];
	_ =	sdelay $0x3  }
0x1d8: {  	v1 =	vadd.s32 $0x36B0, v3  }
0x1d9: {  	v2 =	vadd.s32 $0x36B0, v4  }
0x1da: {  	v5 =	vadd.s32 $0x2AF8, v3  }
0x1db: {  	v6 =	vadd.s32 $0x2AF8, v4;
	v7 =	vld.idx.msk [tilespmem:v3+s2+$0x0], $0xffff  }
0x1dc: {  	v8 =	vadd.s32 $0x32C8, v3;
	v10 =	vld.idx.msk [tilespmem:v4+s2+$0x0], $0xffff  }
0x1dd: {  	v11 =	vadd.s32 $0x32C8, v4;
	v12 =	vld.idx.msk [tilespmem:v1+s2+$0x0], $0xffff  }
0x1de: {  	v14 =	vadd.s32 $0x2EE0, v3;
	v13 =	vld.idx.msk [tilespmem:v2+s2+$0x0], $0xffff  }
0x1df: {  	v15 =	vadd.s32 $0x2EE0, v4;
	v5 =	vld.idx.msk [tilespmem:v5+s2+$0x0], $0xffff  }
0x1e0: {  	v16 =	vadd.s32 $0x1B58, v3;
	v6 =	vld.idx.msk [tilespmem:v6+s2+$0x0], $0xffff  }
0x1e1: {  	v17 =	vadd.s32 $0x1B58, v4;
	v8 =	vld.idx.msk [tilespmem:v8+s2+$0x0], $0xffff  }
0x1e2: {  	v20 =	vadd.s32 $0xBB8, v3;
	v11 =	vld.idx.msk [tilespmem:v11+s2+$0x0], $0xffff  }
0x1e3: {  	v21 =	vadd.s32 $0xBB8, v4;
	v14 =	vld.idx.msk [tilespmem:v14+s2+$0x0], $0xffff  }
0x1e4: {  	v22 =	vadd.s32 $0x7D0, v3;
	v15 =	vld.idx.msk [tilespmem:v15+s2+$0x0], $0xffff  }
0x1e5: {  	v23 =	vadd.s32 $0x7D0, v4;
	v16 =	vld.idx.msk [tilespmem:v16+s2+$0x0], $0xffff  }
0x1e6: {  	v25 =	vadd.s32 $0x3E8, v3;
	v17 =	vld.idx.msk [tilespmem:v17+s2+$0x0], $0xffff  }
0x1e7: {  	v27 =	vadd.s32 $0x3E8, v4;
	v20 =	vld.idx.msk [tilespmem:v20+s2+$0x0], $0xffff  }
0x1e8: {  	v28 =	vadd.s32 $0xFA0, v3;
	v21 =	vld.idx.msk [tilespmem:v21+s2+$0x0], $0xffff  }
0x1e9: {  	v30 =	vadd.s32 $0xFA0, v4;
	v22 =	vld.idx.msk [tilespmem:v22+s2+$0x0], $0xffff  }
0x1ea: {  	v33 =	vadd.s32 $0x1388, v3;
	v23 =	vld.idx.msk [tilespmem:v23+s2+$0x0], $0xffff  }
0x1eb: {  	v1 =	vadd.s32 $0x2710, v3;
	v25 =	vld.idx.msk [tilespmem:v25+s2+$0x0], $0xffff  }
0x1ec: {  	v2 =	vadd.s32 $0x2710, v4;
	v27 =	vld.idx.msk [tilespmem:v27+s2+$0x0], $0xffff  }
0x1ed: {  	v36 =	vadd.s32 $0x1388, v4;
	v28 =	vld.idx.msk [tilespmem:v28+s2+$0x0], $0xffff  }
0x1ee: {  	v39 =	vadd.s32 $0x1F40, v3;
	v30 =	vld.idx.msk [tilespmem:v30+s2+$0x0], $0xffff  }
0x1ef: {  	v42 =	vadd.s32 $0x1F40, v4;
	v7 =	vsub.bf16 v7, v10;
	v10 =	vld.idx.msk [tilespmem:v33+s2+$0x0], $0xffff  }
0x1f0: {  	v18 =	vld.idx.msk [tilespmem:v1+s2+$0x0], $0xffff;
	v1 =	vadd.s32 $0x1770, v3  }
0x1f1: {  	v29 =	vadd.s32 $0x3A98, v3;
	v19 =	vld.idx.msk [tilespmem:v2+s2+$0x0], $0xffff;
	v2 =	vadd.s32 $0x1770, v4;
	v61 =	vsub.bf16 v12, v13  }
0x1f2: {  	v12 =	vld.idx.msk [tilespmem:v36+s2+$0x0], $0xffff;
	v62 =	vsub.bf16 v5, v6;
	v6 =	vmax.bf16 v7, v0;
	v7 =	vsub.bf16 v25, v27  }
0x1f3: {  	v31 =	vadd.s32 $0x3A98, v4;
	v5 =	vld.idx.msk [tilespmem:v39+s2+$0x0], $0xffff;
	v14 =	vsub.bf16 v14, v15;
	v6 =	vadd.bf16 v0, v6  }
0x1f4: {  	v46 =	vsub.bf16 v8, v11;
	v11 =	vsub.bf16 v16, v17;
	v8 =	vld.idx.msk [tilespmem:v42+s2+$0x0], $0xffff;
	v7 =	vmax.bf16 v7, v0  }
0x1f5: {  	v14 =	vmax.bf16 v14, v0;
	v6 =	vadd.bf16 v7, v6;
	v7 =	vsub.bf16 v20, v21;
	v24 =	vld.idx.msk [tilespmem:v1+s2+$0x0], $0xffff  }
0x1f6: {  	v26 =	vld.idx.msk [tilespmem:v2+s2+$0x0], $0xffff;
	v1 =	vadd.s32 $0x3E80, v3;
	v2 =	vadd.s32 $0x3E80, v4;
	v3 =	vadd.s32 $0x2328, v3  }
0x1f7: {  	v4 =	vadd.s32 $0x2328, v4;
	v13 =	vsub.bf16 v18, v19;
	v18 =	vsub.bf16 v22, v23  }
0x1f8: {  	v21 =	vadd.bf16 v0, v14;
	v19 =	vsub.bf16 v28, v30  }
0x1f9: {  	v10 =	vsub.bf16 v10, v12;
	v7 =	vmax.bf16 v7, v0;
	v18 =	vmax.bf16 v18, v0  }
0x1fa: {  	v8 =	vsub.bf16 v5, v8;
	v32 =	vadd.s32 $0x36B0, v1;
	v6 =	vadd.bf16 v18, v6;
	v18 =	vld.idx.msk [tilespmem:v29+s2+$0x0], $0xffff  }
0x1fb: {  	v34 =	vadd.s32 $0x2AF8, v1;
	v35 =	vadd.s32 $0x36B0, v2;
	v37 =	vadd.s32 $0x2AF8, v2;
	v17 =	vld.idx.msk [tilespmem:v3+s2+$0x0], $0xffff  }
0x1fc: {  	v38 =	vadd.s32 $0x32C8, v1;
	v40 =	vadd.s32 $0x2710, v1;
	v19 =	vmax.bf16 v19, v0;
	v22 =	vld.idx.msk [tilespmem:v4+s2+$0x0], $0xffff  }
0x1fd: {  	v41 =	vadd.s32 $0x32C8, v2;
	v43 =	vadd.s32 $0x2710, v2;
	v12 =	vadd.bf16 v0, v19;
	v19 =	vld.idx.msk [tilespmem:v31+s2+$0x0], $0xffff  }
0x1fe: {  	v44 =	vadd.s32 $0x2EE0, v1;
	v47 =	vadd.s32 $0x1B58, v1;
	v16 =	vadd.s32 $0x1B58, v2;
	v3 =	vld.idx.msk [tilespmem:v1+s2+$0x0], $0xffff  }
0x1ff: {  	v23 =	vadd.s32 $0x1770, v1;
	v10 =	vmax.bf16 v10, v0;
	v15 =	vsub.bf16 v24, v26;
	v4 =	vld.idx.msk [tilespmem:v2+s2+$0x0], $0xffff  }
0x200: {  	v8 =	vmax.bf16 v8, v0;
	v20 =	vadd.bf16 v7, v6;
	v10 =	vadd.bf16 v10, v12;
	v5 =	vld.idx.msk [tilespmem:v32+s2+$0x0], $0xffff  }
0x201: {  	v24 =	vadd.s32 $0x1770, v2;
	v6 =	vld.idx.msk [tilespmem:v35+s2+$0x0], $0xffff;
	v12 =	vmax.bf16 v15, v0;
	v15 =	vsub.bf16 v17, v22  }
0x202: {  	v7 =	vld.idx.msk [tilespmem:v34+s2+$0x0], $0xffff;
	v10 =	vadd.bf16 v12, v10;
	v12 =	vadd.bf16 v0, v8;
	v17 =	vshll.u32 v20, $0x10  }
0x203: {  	v14 =	vld.idx.msk [tilespmem:v43+s2+$0x0], $0xffff;
	v9 =	vadd.f32 v17, v9;
	v17 =	vmax.bf16 v11, v0;
	v15 =	vmax.bf16 v15, v0  }
0x204: {  	v8 =	vld.idx.msk [tilespmem:v37+s2+$0x0], $0xffff;
	v20 =	vand.u32 $0xFFFF0000, v20;
	v10 =	vadd.bf16 v17, v10;
	v15 =	vadd.bf16 v15, v12  }
0x205: {  	v18 =	vsub.bf16 v18, v19;
	v19 =	vld.idx.msk [tilespmem:v47+s2+$0x0], $0xffff;
	v17 =	vmax.bf16 v13, v0;
	v9 =	vadd.f32 v20, v9  }
0x206: {  	v25 =	vadd.s32 $0xBB8, v1;
	v24 =	vld.idx.msk [tilespmem:v24+s2+$0x0], $0xffff;
	v20 =	vshll.u32 v10, $0x10;
	v17 =	vadd.bf16 v17, v15  }
0x207: {  	v22 =	vmax.bf16 v46, v0;
	v11 =	vld.idx.msk [tilespmem:v38+s2+$0x0], $0xffff;
	v9 =	vadd.f32 v20, v9;
	v20 =	vmax.bf16 v62, v0  }
0x208: {  	v13 =	vld.idx.msk [tilespmem:v40+s2+$0x0], $0xffff;
	v10 =	vand.u32 $0xFFFF0000, v10;
	v27 =	vadd.bf16 v20, v17;
	v20 =	vadd.bf16 v22, v21  }
0x209: {  	v29 =	vadd.s32 $0xBB8, v2;
	v12 =	vld.idx.msk [tilespmem:v41+s2+$0x0], $0xffff;
	v9 =	vadd.f32 v10, v9;
	v10 =	vmax.bf16 v61, v0  }
0x20a: {  	v45 =	vadd.s32 $0x2EE0, v2;
	v15 =	vld.idx.msk [tilespmem:v44+s2+$0x0], $0xffff;
	v21 =	vshll.u32 v27, $0x10;
	v10 =	vadd.bf16 v10, v20  }
0x20b: {  	v30 =	vadd.s32 $0x7D0, v1;
	v20 =	vld.idx.msk [tilespmem:v16+s2+$0x0], $0xffff;
	v16 =	vadd.f32 v21, v9;
	v9 =	vmax.bf16 v18, v0  }
0x20c: {  	v26 =	vadd.s32 $0x7D0, v2;
	v22 =	vld.idx.msk [tilespmem:v25+s2+$0x0], $0xffff;
	v18 =	vand.u32 $0xFFFF0000, v27;
	v63 =	vadd.bf16 v9, v10  }
0x20d: {  	v28 =	vadd.s32 $0x3E8, v2;
	v21 =	vld.idx.msk [tilespmem:v23+s2+$0x0], $0xffff;
	v27 =	vadd.s32 $0x3E8, v1;
	v18 =	vadd.f32 v18, v16  }
0x20e: {  	v23 =	vld.idx.msk [tilespmem:v29+s2+$0x0], $0xffff;
	v29 =	vadd.s32 $0xFA0, v1;
	v9 =	vadd.s32 $0x3E80, v1;
	v25 =	vshll.u32 v63, $0x10  }
0x20f: {  	v17 =	vld.idx.msk [tilespmem:v45+s2+$0x0], $0xffff;
	v10 =	vadd.s32 $0x3E80, v2;
	v16 =	vadd.s32 $0x3A98, v1;
	v31 =	vadd.f32 v25, v18  }
0x210: {  	s18 =	simm.s32 $0x4;
	v32 =	vand.u32 $0xFFFF0000, v63;
	v25 =	vld.idx.msk [tilespmem:v30+s2+$0x0], $0xffff;
	v30 =	vadd.s32 $0xFA0, v2;
	v18 =	vadd.s32 $0x3A98, v2  }
.LBB2_19:
0x211: {  	v33 =	vadd.s32 $0x36B0, v9;
	v26 =	vld.idx.msk [tilespmem:v26+s2+$0x0], $0xffff;
	v34 =	vadd.s32 $0x1388, v1;
	v31 =	vadd.f32 v32, v31  }
0x212: {  	v32 =	vadd.s32 $0x2AF8, v9;
	v35 =	vadd.s32 $0x36B0, v10;
	v36 =	vadd.s32 $0x1388, v2;
	v27 =	vld.idx.msk [tilespmem:v27+s2+$0x0], $0xffff  }
0x213: {  	v37 =	vadd.s32 $0x2AF8, v10;
	v38 =	vadd.s32 $0x32C8, v9;
	v39 =	vadd.s32 $0x1F40, v1;
	v28 =	vld.idx.msk [tilespmem:v28+s2+$0x0], $0xffff  }
0x214: {  	v40 =	vadd.s32 $0x2710, v9;
	v41 =	vadd.s32 $0x32C8, v10;
	v42 =	vadd.s32 $0x1F40, v2;
	v29 =	vld.idx.msk [tilespmem:v29+s2+$0x0], $0xffff  }
0x215: {  	v43 =	vadd.s32 $0x2710, v10;
	v44 =	vadd.s32 $0x2EE0, v9;
	v45 =	vadd.s32 $0x2328, v1;
	v1 =	vmovc v9;
	v30 =	vld.idx.msk [tilespmem:v30+s2+$0x0], $0xffff  }
0x216: {  	v3 =	vsub.bf16 v3, v4;
	v4 =	vadd.s32 $0x2328, v2;
	v46 =	vsub.bf16 v5, v6;
	v2 =	vmovc v10;
	v34 =	vld.idx.msk [tilespmem:v34+s2+$0x0], $0xffff  }
0x217: {  	v47 =	vadd.s32 $0x2EE0, v10;
	v48 =	vsub.bf16 v11, v12;
	v5 =	vld.idx.msk [tilespmem:v36+s2+$0x0], $0xffff;
	v36 =	vsub.bf16 v7, v8  }
0x218: {  	v49 =	vadd.s32 $0x1B58, v9;
	v13 =	vsub.bf16 v13, v14;
	v14 =	vsub.bf16 v15, v17;
	v6 =	vld.idx.msk [tilespmem:v39+s2+$0x0], $0xffff  }
0x219: {  	v11 =	vsub.bf16 v19, v20;
	v3 =	vmax.bf16 v3, v0;
	v7 =	vsub.bf16 v27, v28;
	v8 =	vld.idx.msk [tilespmem:v42+s2+$0x0], $0xffff  }
0x21a: {  	v20 =	vadd.s32 $0x1B58, v10;
	v15 =	vsub.bf16 v21, v24;
	v12 =	vadd.bf16 v0, v3;
	v17 =	vld.idx.msk [tilespmem:v45+s2+$0x0], $0xffff  }
0x21b: {  	v19 =	vsub.bf16 v25, v26;
	v7 =	vmax.bf16 v7, v0;
	v21 =	vsub.bf16 v29, v30;
	v24 =	vld.idx.msk [tilespmem:v4+s2+$0x0], $0xffff  }
0x21c: {  	v25 =	vadd.s32 $0x1770, v9;
	v7 =	vadd.bf16 v7, v12;
	v12 =	vsub.bf16 v22, v23;
	v3 =	vld.idx.msk [tilespmem:v9+s2+$0x0], $0xffff  }
0x21d: {  	v19 =	vmax.bf16 v19, v0;
	v21 =	vmax.bf16 v21, v0;
	v5 =	vsub.bf16 v34, v5;
	v4 =	vld.idx.msk [tilespmem:v10+s2+$0x0], $0xffff  }
0x21e: {  	v22 =	vadd.s32 $0x1770, v10;
	v7 =	vadd.bf16 v19, v7;
	v19 =	vadd.bf16 v0, v21;
	v16 =	vld.idx.msk [tilespmem:v16+s2+$0x0], $0xffff  }
0x21f: {  	v12 =	vmax.bf16 v12, v0;
	v21 =	vmax.bf16 v5, v0;
	v8 =	vsub.bf16 v6, v8;
	v18 =	vld.idx.msk [tilespmem:v18+s2+$0x0], $0xffff  }
0x220: {  	v23 =	vadd.s32 $0xBB8, v9;
	v12 =	vadd.bf16 v12, v7;
	v19 =	vadd.bf16 v21, v19;
	v5 =	vld.idx.msk [tilespmem:v33+s2+$0x0], $0xffff  }
0x221: {  	v15 =	vmax.bf16 v15, v0;
	v8 =	vmax.bf16 v8, v0;
	v17 =	vsub.bf16 v17, v24;
	v6 =	vld.idx.msk [tilespmem:v35+s2+$0x0], $0xffff  }
0x222: {  	v21 =	vshll.u32 v12, $0x10;
	v15 =	vadd.bf16 v15, v19;
	v19 =	vadd.bf16 v0, v8;
	v7 =	vld.idx.msk [tilespmem:v32+s2+$0x0], $0xffff  }
0x223: {  	v24 =	vmax.bf16 v11, v0;
	v21 =	vadd.f32 v21, v31;
	v17 =	vmax.bf16 v17, v0;
	v8 =	vld.idx.msk [tilespmem:v37+s2+$0x0], $0xffff  }
0x224: {  	v26 =	vand.u32 $0xFFFF0000, v12;
	v24 =	vadd.bf16 v24, v15;
	v15 =	vadd.bf16 v17, v19;
	v11 =	vld.idx.msk [tilespmem:v38+s2+$0x0], $0xffff  }
0x225: {  	v14 =	vmax.bf16 v14, v0;
	v19 =	vmax.bf16 v13, v0;
	v17 =	vadd.f32 v26, v21;
	v12 =	vld.idx.msk [tilespmem:v41+s2+$0x0], $0xffff  }
0x226: {  	v26 =	vadd.bf16 v0, v14;
	v21 =	vshll.u32 v24, $0x10;
	v19 =	vadd.bf16 v19, v15;
	v13 =	vld.idx.msk [tilespmem:v40+s2+$0x0], $0xffff  }
0x227: {  	v27 =	vmax.bf16 v48, v0;
	v21 =	vadd.f32 v21, v17;
	v17 =	vmax.bf16 v36, v0;
	v14 =	vld.idx.msk [tilespmem:v43+s2+$0x0], $0xffff  }
0x228: {  	v24 =	vand.u32 $0xFFFF0000, v24;
	v26 =	vadd.bf16 v27, v26;
	v28 =	vadd.bf16 v17, v19;
	v15 =	vld.idx.msk [tilespmem:v44+s2+$0x0], $0xffff  }
0x229: {  	v16 =	vsub.bf16 v16, v18;
	v21 =	vadd.f32 v24, v21;
	v24 =	vmax.bf16 v46, v0;
	v17 =	vld.idx.msk [tilespmem:v47+s2+$0x0], $0xffff  }
0x22a: {  	s18 =	sadd.s32 $0x4, s18;
	v18 =	vadd.s32 $0xBB8, v10;
	v27 =	vshll.u32 v28, $0x10;
	v24 =	vadd.bf16 v24, v26;
	v19 =	vld.idx.msk [tilespmem:v49+s2+$0x0], $0xffff  }
0x22b: {  	p0 =	slt.u32 s18, $0xC;
	v30 =	vadd.s32 $0x7D0, v9;
	v16 =	vmax.bf16 v16, v0;
	v29 =	vadd.f32 v27, v21;
	v20 =	vld.idx.msk [tilespmem:v20+s2+$0x0], $0xffff  }
.Ltmp8:
0x22c: {  	v26 =	vadd.s32 $0x7D0, v10;
	v32 =	vadd.bf16 v16, v24;
	v21 =	vld.idx.msk [tilespmem:v25+s2+$0x0], $0xffff;
	v25 =	vand.u32 $0xFFFF0000, v28;
	(pc) =	sbr.rel @p0 .LBB2_19-.Ltmp8, $4  }
0x22d: {  	v9 =	vadd.s32 $0x3E80, v9;
	v27 =	vadd.s32 $0x3E8, v1;
	v24 =	vld.idx.msk [tilespmem:v22+s2+$0x0], $0xffff;
	v25 =	vadd.f32 v25, v29  }
0x22e: {  	v10 =	vadd.s32 $0x3E80, v10;
	v28 =	vadd.s32 $0x3E8, v2;
	v31 =	vshll.u32 v32, $0x10;
	v22 =	vld.idx.msk [tilespmem:v23+s2+$0x0], $0xffff  }
0x22f: {  	v16 =	vadd.s32 $0x3A98, v1;
	v29 =	vadd.s32 $0xFA0, v1;
	v23 =	vld.idx.msk [tilespmem:v18+s2+$0x0], $0xffff;
	v31 =	vadd.f32 v31, v25  }
0x230: {  	v32 =	vand.u32 $0xFFFF0000, v32;
	v18 =	vadd.s32 $0x3A98, v2;
	v25 =	vld.idx.msk [tilespmem:v30+s2+$0x0], $0xffff;
	v30 =	vadd.s32 $0xFA0, v2  }
0x231: {  	_ =	sdelay $0x3  }
0x232: {  	v9 =	vld.idx.msk [tilespmem:v26+s2+$0x0], $0xffff;
	v10 =	vadd.s32 $0x1388, v1  }
0x233: {  	v46 =	vld.idx.msk [tilespmem:v27+s2+$0x0], $0xffff;
	v47 =	vadd.s32 $0x1388, v2  }
0x234: {  	v28 =	vld.idx.msk [tilespmem:v28+s2+$0x0], $0xffff;
	v33 =	vadd.s32 $0x1F40, v1  }
0x235: {  	v31 =	vadd.f32 v32, v31;
	v29 =	vld.idx.msk [tilespmem:v29+s2+$0x0], $0xffff;
	v48 =	vadd.s32 $0x1F40, v2  }
0x236: {  	v30 =	vld.idx.msk [tilespmem:v30+s2+$0x0], $0xffff;
	v1 =	vadd.s32 $0x2328, v1;
	v3 =	vsub.bf16 v3, v4;
	v49 =	vsub.bf16 v5, v6  }
0x237: {  	v2 =	vadd.s32 $0x2328, v2;
	v51 =	vsub.bf16 v7, v8;
	v52 =	vsub.bf16 v11, v12;
	v50 =	vld.idx.msk [tilespmem:v10+s2+$0x0], $0xffff  }
0x238: {  	v11 =	vsub.bf16 v15, v17;
	v55 =	vsub.bf16 v19, v20;
	v8 =	vld.idx.msk [tilespmem:v47+s2+$0x0], $0xffff  }
0x239: {  	v57 =	vsub.bf16 v21, v24;
	v3 =	vmax.bf16 v3, v0;
	v53 =	vld.idx.msk [tilespmem:v33+s2+$0x0], $0xffff;
	v54 =	vsub.bf16 v46, v28  }
0x23a: {  	v3 =	vadd.bf16 v0, v3;
	v10 =	vsub.bf16 v13, v14;
	v56 =	vld.idx.msk [tilespmem:v48+s2+$0x0], $0xffff  }
0x23b: {  	v1 =	vld.idx.msk [tilespmem:v1+s2+$0x0], $0xffff;
	v9 =	vsub.bf16 v25, v9;
	v58 =	vsub.bf16 v29, v30;
	v13 =	vmax.bf16 v54, v0  }
0x23c: {  	v59 =	vsub.bf16 v22, v23;
	v2 =	vld.idx.msk [tilespmem:v2+s2+$0x0], $0xffff;
	v3 =	vadd.bf16 v13, v3  }
0x23d: {  	v9 =	vmax.bf16 v9, v0;
	v19 =	vmax.bf16 v58, v0;
	v5 =	vsub.bf16 v50, v8  }
0x23e: {  	v3 =	vadd.bf16 v9, v3;
	v8 =	vadd.bf16 v0, v19  }
0x23f: {  	v9 =	vmax.bf16 v59, v0;
	v12 =	vsub.bf16 v53, v56;
	v5 =	vmax.bf16 v5, v0  }
0x240: {  	v3 =	vadd.bf16 v9, v3;
	v5 =	vadd.bf16 v5, v8  }
0x241: {  	v1 =	vsub.bf16 v1, v2;
	v9 =	vmax.bf16 v12, v0;
	v8 =	vmax.bf16 v57, v0  }
0x242: {  	v2 =	vshll.u32 v3, $0x10;
	v5 =	vadd.bf16 v8, v5;
	v8 =	vadd.bf16 v0, v9  }
0x243: {  	v61 =	vld.idx.msk [tilespmem:v18+s2+$0x0], $0xffff;
	v60 =	vmax.bf16 v55, v0;
	v1 =	vmax.bf16 v1, v0;
	v2 =	vadd.f32 v2, v31  }
0x244: {  	v3 =	vand.u32 $0xFFFF0000, v3;
	v9 =	vld.idx.msk [tilespmem:v16+s2+$0x0], $0xffff;
	v5 =	vadd.bf16 v60, v5;
	v1 =	vadd.bf16 v1, v8  }
0x245: {  	v2 =	vadd.f32 v3, v2;
	v3 =	vmax.bf16 v10, v0;
	v8 =	vmax.bf16 v11, v0  }
0x246: {  	v10 =	vshll.u32 v5, $0x10;
	v1 =	vadd.bf16 v3, v1;
	v3 =	vadd.bf16 v0, v8  }
0x247: {  	v6 =	vmax.bf16 v51, v0;
	v7 =	vmax.bf16 v52, v0;
	v2 =	vadd.f32 v10, v2  }
0x248: {  	v5 =	vand.u32 $0xFFFF0000, v5;
	v1 =	vadd.bf16 v6, v1;
	v3 =	vadd.bf16 v7, v3  }
0x249: {  	v4 =	vmax.bf16 v49, v0;
	v62 =	vsub.bf16 v9, v61;
	v2 =	vadd.f32 v5, v2  }
0x24a: {  	v6 =	vshll.u32 v1, $0x10;
	v3 =	vadd.bf16 v4, v3  }
0x24b: {  	s17 =	sadd.s32 $0x1, s17;
	v63 =	vmax.bf16 v62, v0;
	v2 =	vadd.f32 v6, v2  }
0x24c: {  	p0 =	sne.s32 s17, $0xC0;
	v1 =	vand.u32 $0xFFFF0000, v1;
	v3 =	vadd.bf16 v63, v3  }
.Ltmp9:
0x24d: {  	v1 =	vadd.f32 v1, v2;
	(pc) =	sbr.rel @p0 .LBB2_18-.Ltmp9, $4  }
0x24e: {  	v2 =	vshll.u32 v3, $0x10  }
0x24f: {  	v1 =	vadd.f32 v2, v1  }
0x250: {  	v2 =	vand.u32 $0xFFFF0000, v3  }
0x251: {  	v9 =	vadd.f32 v2, v1  }
0x252: {  	s16 =	sadd.s32 $0x1, s16  }
0x253: {  	p0 =	sne.s32 s16, s10  }
.Ltmp10:
0x254: {  	[tilespmem:$0x19200] =	vst v9;
	(pc) =	sbr.rel @p0 .LBB2_1-.Ltmp10, $4  }
0x255: {  	[hbm4b:s9+s2] =	stream.linear.scatter [tilespmem:s15], [sflag:$0x1], $0x80, $0x38;
	[tilespmem:$0x19280] =	vst v63  }
0x256: {  	_ =	swait.ge [sflag:s12], $0x80  }
0x257: {  	[sflag:s12] =	ssyncset.done $0x0  }
0x258: {  	[sflag:s12] =	ssyncadd.s32 $0xFFFFFF80  }
0x259: {  	_ =	sfence.sel $0x180000  }
0x25a: {  	[bflag:$0x0] =	sbarrier.arrive $0xFFFF  }
0x25b: {  	_ =	strace $0x90000047  }
0x25c: {  	s0 =	stileid.u32;
	[bflag:$0x2] =	sbarrier.arrive $0xFFFF  }
0x25d: {  	p0 =	sne.s32 s0, $0x0;
	s0 =	rddreg [dreg:$0x1]  }
0x25e: {  	s0 =	sadd.s32 @!p0 $0x100000, s0  }
0x25f: {  	[sflag:s0] =	ssyncadd.tile.s32 @!p0 $0x1;
	_ =	shalt  }
.Lfunc_end2:
_tile_overlayer_lowered:
.L_overlay_start_2:
0x260: {  	(tag) =	ssettag $0x2  }
0x261: {  	s0 =	rddreg [dreg:$0x0];
	s2 =	stileid.u32  }
0x262: {  	s1 =	rddreg [dreg:$0x1];
	p0 =	sne.s32 s2, $0x0  }
0x263: {  	s3 =	rddreg [dreg:$0x2];
	[bflag:$0x3] =	sbarrier.arrive $0xFFFF;
	s2 =	simm.s32 @!p0 $0x1C01  }
0x264: {  	[timem:s3], [sflag:s2] =	dma.local @!p0 [hbm:s0], s1  }
0x265: {  	s0 =	simm.s32 @!p0 $0x1  }
0x266: {  	_ =	swait.ge @!p0 [sflag:s0], s1  }
0x267: {  	s1 =	ssub.s32 @!p0 $0x0, s1;
	[sflag:s0] =	ssyncset.done @!p0 $0x0  }
0x268: {  	[sflag:s0] =	ssyncadd.s32 @!p0 s1  }
0x269: {  	[bflag:$0x3] =	sbarrier.arrive $0xFFFF  }
0x26a: {  	_ =	shalt  }

</sc_bundles>
